<compile_context>
chip_gen: v7x
topology: tpu7x:2x2x1
jax: 0.10.2.dev20260603
libtpu: 0.0.44.dev20260713+nightly
codegen_flags: <defaults>
</compile_context>

<pallas_src>
import functools

import jax
import jax.numpy as jnp
from jax import lax
from jax.experimental import pallas as pl
from jax.experimental.pallas import tpu as pltpu
from jax.experimental.pallas import tpu_sc as plsc

N, D, H, CB, NUM_DST, OUT = 10000, 128, 256, 4096, 2048, 128


_NC, _NT = 2, 16
_NPAD = 10112
_RPT = _NPAD // _NT
_K = 128
_NCHUNK = 160
_EPAD = _NT * _NCHUNK * _K


_ICH = 40


def _agg_sc_body(nck, edge_mode, msgL, msgR, srcm, dstm, zeros_hbm, outL, outR,
                 sidx, didx, rows_s, rows_d, acc, sem1, sem2):
    cid = lax.axis_index("c")
    sid = lax.axis_index("s")
    r0 = sid * _RPT
    t0 = sid * _NCHUNK
    if edge_mode:
        t0 = t0 + cid * nck

    def run(msg_hbm, out_hbm):
        pltpu.sync_copy(zeros_hbm.at[pl.ds(r0, _RPT)], acc.at[pl.ds(r0, _RPT)])
        plsc.subcore_barrier()

        def group(g, carry):
            g0 = t0 + g * _ICH
            pltpu.sync_copy(srcm.at[pl.ds(g0, _ICH)], sidx)
            pltpu.sync_copy(dstm.at[pl.ds(g0, _ICH)], didx)

            def chunk(k, carry2):
                pltpu.async_copy(msg_hbm.at[sidx.at[k]], rows_s, sem1).wait()
                pltpu.async_copy(msg_hbm.at[didx.at[k]], rows_d, sem2).wait()
                pltpu.sync_copy(rows_s, acc.at[didx.at[k]], add=True)
                pltpu.sync_copy(rows_d, acc.at[sidx.at[k]], add=True)
                return carry2

            lax.fori_loop(0, _ICH, chunk, 0)
            return carry

        lax.fori_loop(0, nck // _ICH, group, 0)
        plsc.subcore_barrier()
        pltpu.sync_copy(acc.at[pl.ds(r0, _RPT)], out_hbm.at[pl.ds(r0, _RPT)])

    @pl.when(cid == 0)
    def _c0():
        run(msgL, outL)

    @pl.when(cid == 1)
    def _c1():
        run(msgR, outR)


def _make_agg_sc(dh, edge_mode):
    nck = _NCHUNK // 2 if edge_mode else _NCHUNK
    mesh = plsc.VectorSubcoreMesh(core_axis_name="c", subcore_axis_name="s")
    return pl.kernel(
        functools.partial(_agg_sc_body, nck, edge_mode),
        out_type=(jax.ShapeDtypeStruct((_NPAD, dh), jnp.float32),
                  jax.ShapeDtypeStruct((_NPAD, dh), jnp.float32)),
        mesh=mesh,
        scratch_types=[
            pltpu.VMEM((_ICH, _K), jnp.int32),
            pltpu.VMEM((_ICH, _K), jnp.int32),
            pltpu.VMEM((_K, dh), jnp.float32),
            pltpu.VMEM((_K, dh), jnp.float32),
            pltpu.VMEM_SHARED((_NPAD, dh), jnp.float32),
            pltpu.SemaphoreType.DMA,
            pltpu.SemaphoreType.DMA,
        ],
    )


def _sc_aggregate(h, srcm, dstm, c, norm):
    dm = h.shape[1]
    msg = h * norm[:, None]
    pad = ((0, _NPAD - N), (0, 0))
    if dm >= 256:
        dh = dm // 2
        msgL = jnp.pad(msg[:, :dh], pad)
        msgR = jnp.pad(msg[:, dh:], pad)
        zeros = jnp.zeros((_NPAD, dh), jnp.float32)
        outL, outR = _make_agg_sc(dh, False)(msgL, msgR, srcm, dstm, zeros)
        neigh = jnp.concatenate([outL[:N], outR[:N]], 1)
    else:
        msgp = jnp.pad(msg, pad)
        zeros = jnp.zeros((_NPAD, dm), jnp.float32)
        outL, outR = _make_agg_sc(dm, True)(msgp, msgp, srcm, dstm, zeros)
        neigh = (outL + outR)[:N]
    return (c[:, None] * msg + neigh) * norm[:, None]



_BM = 256


def _vq_body(h_ref, wp_ref, bp_ref, cb_ref, wl_ref, bl_ref,
             logits_ref, quant_ref, hout_ref, avg_ref, commit_ref):
    i = pl.program_id(0)
    h = h_ref[...]
    logits = jnp.dot(h, wp_ref[...], preferred_element_type=jnp.float32) + bp_ref[...]
    logits_ref[...] = logits
    m = jnp.max(logits, axis=1, keepdims=True)
    e = jnp.exp(logits - m)
    s = jnp.sum(e, axis=1, keepdims=True)
    p = e / s
    quant_ref[...] = jnp.dot(p, cb_ref[...], preferred_element_type=jnp.float32)
    hout_ref[...] = jnp.dot(logits, wl_ref[...],
                            preferred_element_type=jnp.float32) + bl_ref[...]
    psum = jnp.sum(p, axis=0, keepdims=True)
    csum = jnp.sum(p * jnp.log(p * CB + 1e-10))

    @pl.when(i == 0)
    def _init():
        avg_ref[...] = psum
        commit_ref[...] = jnp.full((1, 1), csum, jnp.float32)

    @pl.when(i > 0)
    def _acc():
        avg_ref[...] += psum
        commit_ref[...] += jnp.full((1, 1), csum, jnp.float32)


def _vq_stage(h, wp, bp, cb, wl, bl):
    M = h.shape[0]
    grid = M // _BM
    out_shapes = (
        jax.ShapeDtypeStruct((M, CB), jnp.float32),
        jax.ShapeDtypeStruct((M, H), jnp.float32),
        jax.ShapeDtypeStruct((M, OUT), jnp.float32),
        jax.ShapeDtypeStruct((1, CB), jnp.float32),
        jax.ShapeDtypeStruct((1, 1), jnp.float32),
    )
    return pl.pallas_call(
        _vq_body,
        grid=(grid,),
        in_specs=[
            pl.BlockSpec((_BM, H), lambda i: (i, 0)),
            pl.BlockSpec((H, CB), lambda i: (0, 0)),
            pl.BlockSpec((1, CB), lambda i: (0, 0)),
            pl.BlockSpec((CB, H), lambda i: (0, 0)),
            pl.BlockSpec((CB, OUT), lambda i: (0, 0)),
            pl.BlockSpec((1, OUT), lambda i: (0, 0)),
        ],
        out_specs=(
            pl.BlockSpec((_BM, CB), lambda i: (i, 0)),
            pl.BlockSpec((_BM, H), lambda i: (i, 0)),
            pl.BlockSpec((_BM, OUT), lambda i: (i, 0)),
            pl.BlockSpec((1, CB), lambda i: (0, 0)),
            pl.BlockSpec((1, 1), lambda i: (0, 0)),
        ),
        out_shape=out_shapes,
    )(h, wp, bp.reshape(1, CB), cb, wl, bl.reshape(1, OUT))




def _aggregate(h, src, dst, c, norm):
    msg = h * norm[:, None]
    agg = c[:, None] * msg
    agg = agg.at[dst].add(msg[src])
    agg = agg.at[src].add(msg[dst])
    return agg * norm[:, None]


def _bn(x, g, b, eps=1e-5):
    m = jnp.mean(x, 0)
    v = jnp.var(x, 0)
    return (x - m) / jnp.sqrt(v + eps) * g + b


def _l2n(x):
    return x / jnp.maximum(jnp.linalg.norm(x, axis=-1, keepdims=True), 1e-12)


def kernel(feats, params, adj, edge_index, sorted_nodes, num_dst):
    p = params
    src = edge_index[0]
    dst = edge_index[1]
    E = src.shape[0]
    ones = jnp.ones(E, jnp.float32)
    c = jnp.zeros(N, jnp.float32).at[src].add(ones).at[dst].add(ones)
    norm = jnp.where(c > 0, (2.0 * c) ** -0.5, 1.0)

    srcm = jnp.full((_EPAD,), N, jnp.int32).at[:E].set(src).reshape(
        _NT * _NCHUNK, _K)
    dstm = jnp.full((_EPAD,), N, jnp.int32).at[:E].set(dst).reshape(
        _NT * _NCHUNK, _K)

    aggA = _sc_aggregate(feats, srcm, dstm, c, norm)
    h_node = _bn(jax.nn.relu(aggA @ p['W1'] + p['b1']), p['g1'], p['be1'])
    h_link = _bn(jax.nn.relu(aggA @ p['W3'] + p['b3']), p['g3'], p['be3'])

    aggB = _sc_aggregate(h_node, srcm, dstm, c, norm)
    h_node = _bn(jax.nn.relu(aggB @ p['W2'] + p['b2']), p['g2'], p['be2'])
    aggC = _sc_aggregate(h_link, srcm, dstm, c, norm)
    h_link = _bn(jax.nn.relu(aggC @ p['W4'] + p['b4']), p['g4'], p['be4'])

    start = num_dst - NUM_DST
    h = jnp.concatenate([
        jax.lax.dynamic_slice_in_dim(h_node, start, NUM_DST, 0),
        jax.lax.dynamic_slice_in_dim(h_link, start, NUM_DST, 0)], 0)

    logits, quantized, hout_full, avg_sum, commit_sum = _vq_stage(
        h, p['Wp'], p['bp'], p['codebook'], p['Wl'], p['bl'])

    Mrows = 2 * NUM_DST
    avg = avg_sum[0] / Mrows
    perplexity = jnp.exp(-jnp.sum(avg * jnp.log(avg + 1e-10)))
    commit_loss = 0.25 * commit_sum[0, 0] / Mrows

    quantized_node = (
        jax.lax.dynamic_slice_in_dim(quantized, start, NUM_DST, 0) @ p['Wd1']
        + p['bd1'])
    cos = jnp.sum(
        _l2n(jax.lax.dynamic_slice_in_dim(feats, start, NUM_DST, 0))
        * _l2n(quantized_node), 1)
    feature_rec_loss = 10.0 * jnp.mean((1.0 - cos) ** 2)

    quantized_edge = (
        jax.lax.dynamic_slice_in_dim(quantized, num_dst, NUM_DST, 0) @ p['Wd2']
        + p['bd2'])[sorted_nodes]
    adj_q = quantized_edge @ quantized_edge.T
    adj_q = (adj_q - adj_q.min()) / (adj_q.max() - adj_q.min())
    edge_rec_loss = jnp.sqrt(jnp.mean((adj - adj_q) ** 2))

    h_out = jax.lax.dynamic_slice_in_dim(hout_full, start, NUM_DST, 0)
    loss = feature_rec_loss + edge_rec_loss + commit_loss
    return h_out, loss, logits, p['codebook'], perplexity, quantized

# --- scband reference (transcript-rebuilt; emitter-appended) ---
"""Pipeline reference for scband-sage-78469052498036 (READ-ONLY COPY).

The authoritative reference and input builder live on the scoring server;
editing this copy changes nothing except your own understanding.
"""

import jax, jax.numpy as jnp
import numpy as np

N, D, H, CB, NUM_DST, OUT = 10000, 128, 256, 4096, 2048, 128
E = 320000


def _graph_conv(u, v, n, h, W, b):
    ones = jnp.ones(u.shape[0], h.dtype)
    deg_out = jnp.zeros(n, h.dtype).at[u].add(ones)
    deg_in = jnp.zeros(n, h.dtype).at[v].add(ones)
    norm_out = jnp.where(deg_out > 0, deg_out, 1.0) ** -0.5
    norm_in = jnp.where(deg_in > 0, deg_in, 1.0) ** -0.5
    msg = (h * norm_out[:, None])[u]
    agg = jnp.zeros((n, h.shape[1]), h.dtype).at[v].add(msg)
    agg = agg * norm_in[:, None]
    return jax.nn.relu(agg @ W + b)


def _bn(x, g, b, eps=1e-5):
    m = jnp.mean(x, 0)
    v = jnp.var(x, 0)
    return (x - m) / jnp.sqrt(v + eps) * g + b


def _l2n(x):
    return x / jnp.maximum(jnp.linalg.norm(x, axis=-1, keepdims=True), 1e-12)


def _vq(logits, codebook, commitment_weight=0.25):
    probs = jax.nn.softmax(logits, axis=-1)
    quantized = probs @ codebook
    avg = jnp.mean(probs, 0)
    perplexity = jnp.exp(-jnp.sum(avg * jnp.log(avg + 1e-10)))
    commit = commitment_weight * jnp.mean(jnp.sum(probs * jnp.log(probs * logits.shape[-1] + 1e-10), -1))
    return commit, quantized, perplexity, logits, codebook


def _forward(feats, params, adj, edge_index, sorted_nodes, num_dst):
    n = feats.shape[0]
    src = edge_index[0]
    dst = edge_index[1]
    u = jnp.concatenate([src, src, dst, dst])
    v = jnp.concatenate([dst, src, src, dst])
    p = params
    h_node = _bn(_graph_conv(u, v, n, feats, p['W1'], p['b1']), p['g1'], p['be1'])
    h_node = _bn(_graph_conv(u, v, n, h_node, p['W2'], p['b2']), p['g2'], p['be2'])
    h_link = _bn(_graph_conv(u, v, n, feats, p['W3'], p['b3']), p['g3'], p['be3'])
    h_link = _bn(_graph_conv(u, v, n, h_link, p['W4'], p['b4']), p['g4'], p['be4'])
    start = num_dst - NUM_DST
    h_node = jax.lax.dynamic_slice_in_dim(h_node, start, NUM_DST, 0)
    h_link = jax.lax.dynamic_slice_in_dim(h_link, start, NUM_DST, 0)
    h = jnp.concatenate([h_node, h_link], 0)
    h = h @ p['Wp'] + p['bp']
    commit_loss, quantized, perplexity, dist, codebook = _vq(h, p['codebook'])
    quantized_node = jax.lax.dynamic_slice_in_dim(quantized, start, NUM_DST, 0) @ p['Wd1'] + p['bd1']
    cos = jnp.sum(_l2n(jax.lax.dynamic_slice_in_dim(feats, start, NUM_DST, 0)) * _l2n(quantized_node), 1)
    feature_rec_loss = 10.0 * jnp.mean((1.0 - cos) ** 2)
    quantized_edge = (jax.lax.dynamic_slice_in_dim(quantized, num_dst, NUM_DST, 0) @ p['Wd2'] + p['bd2'])[sorted_nodes]
    adj_q = quantized_edge @ quantized_edge.T
    adj_q = (adj_q - adj_q.min()) / (adj_q.max() - adj_q.min())
    edge_rec_loss = jnp.sqrt(jnp.mean((adj - adj_q) ** 2))
    h_out = h @ p['Wl'] + p['bl']
    loss = feature_rec_loss + edge_rec_loss + commit_loss
    h_out = jax.lax.dynamic_slice_in_dim(h_out, start, NUM_DST, 0)
    return h_out, loss, dist, codebook, perplexity, quantized


def setup_inputs(seed: int = 0):
    key = jax.random.key(seed)
    ks = jax.random.split(key, 12)
    feats = jax.random.normal(ks[0], (N, D), jnp.float32)
    rng = np.random.default_rng(0)
    ei = rng.integers(0, N, size=(2, E))
    m = (ei[0] < NUM_DST) & (ei[1] < NUM_DST)
    A = np.zeros((NUM_DST, NUM_DST), np.float32)
    A[ei[0][m], ei[1][m]] = 1.0
    Ans = A.copy()
    np.fill_diagonal(Ans, 0.0)
    r, c = np.nonzero(Ans)
    sorted_nodes = np.unique(np.concatenate([r, c])).astype(np.int32)
    A = A[sorted_nodes][:, sorted_nodes]

    def w(k, shape):
        return jax.random.normal(k, shape, jnp.float32) / np.sqrt(shape[0])

    params = {
        'W1': w(ks[1], (D, H)), 'b1': jnp.zeros(H, jnp.float32),
        'W2': w(ks[2], (H, H)), 'b2': jnp.zeros(H, jnp.float32),
        'W3': w(ks[3], (D, H)), 'b3': jnp.zeros(H, jnp.float32),
        'W4': w(ks[4], (H, H)), 'b4': jnp.zeros(H, jnp.float32),
        'g1': jnp.ones(H, jnp.float32), 'be1': jnp.zeros(H, jnp.float32),
        'g2': jnp.ones(H, jnp.float32), 'be2': jnp.zeros(H, jnp.float32),
        'g3': jnp.ones(H, jnp.float32), 'be3': jnp.zeros(H, jnp.float32),
        'g4': jnp.ones(H, jnp.float32), 'be4': jnp.zeros(H, jnp.float32),
        'Wp': w(ks[5], (H, CB)), 'bp': jnp.zeros(CB, jnp.float32),
        'codebook': jax.random.normal(ks[6], (CB, H), jnp.float32),
        'Wd1': w(ks[7], (H, D)), 'bd1': jnp.zeros(D, jnp.float32),
        'Wd2': w(ks[8], (H, H)), 'bd2': jnp.zeros(H, jnp.float32),
        'Wl': w(ks[9], (CB, OUT)), 'bl': jnp.zeros(OUT, jnp.float32),
    }
    return {'feats': feats, 'params': params, 'adj': jnp.asarray(A),
            'edge_index': jnp.asarray(ei.astype(np.int32)),
            'sorted_nodes': jnp.asarray(sorted_nodes), 'num_dst': NUM_DST}


def reference(feats, params, adj, edge_index, sorted_nodes, num_dst):
    return _forward(feats, params, adj, edge_index, sorted_nodes, num_dst)

if __name__ == "__main__":
    import jax
    _d = setup_inputs()
    print(jax.jit(kernel)(*tuple(_d.values())))

</pallas_src>

<mosaic_0001>
#map = affine_map<(d0, d1) -> (0, 0)>
module attributes {stable_mosaic.version = 14 : i64} {
  func.func @_agg_sc_body(%arg0: i32, %arg1: i32, %arg2: memref<10112x128xf32, #tpu.memory_space<hbm>>, %arg3: memref<10112x128xf32, #tpu.memory_space<hbm>>, %arg4: memref<2560x128xi32, #tpu.memory_space<hbm>>, %arg5: memref<2560x128xi32, #tpu.memory_space<hbm>>, %arg6: memref<10112x128xf32, #tpu.memory_space<hbm>>, %arg7: memref<10112x128xf32, #tpu.memory_space<hbm>>, %arg8: memref<10112x128xf32, #tpu.memory_space<hbm>>, %arg9: memref<40x128xi32, #tpu.memory_space<vmem>>, %arg10: memref<40x128xi32, #tpu.memory_space<vmem>>, %arg11: memref<128x128xf32, #tpu.memory_space<vmem>>, %arg12: memref<128x128xf32, #tpu.memory_space<vmem>>, %arg13: memref<10112x128xf32, #tpu.memory_space<vmem_shared>>, %arg14: memref<!tpu.dma_semaphore, #tpu.memory_space<semaphore_mem>>, %arg15: memref<!tpu.dma_semaphore, #tpu.memory_space<semaphore_mem>>) attributes {dimension_semantics = [#tpu.dimension_semantics<core_parallel>, #tpu.dimension_semantics<subcore_parallel>], iteration_bounds = array<i64: 2, 16>, scalar_prefetch = 0 : i64, scratch_operands = 7 : i64, tpu.core_type = #tpu.core_type<sc_vector_subcore>, window_params = [{transform_indices = #map}, {transform_indices = #map}, {transform_indices = #map}, {transform_indices = #map}, {transform_indices = #map}, {transform_indices = #map}, {transform_indices = #map}]} {
    %mul3A = arith.constant 632 : i32
    %mul3A_0 = arith.muli %arg1, %mul3A : i32
    %mul3A_1 = arith.constant 160 : i32
    %mul3A_2 = arith.muli %arg1, %mul3A_1 : i32
    %eq3A = arith.constant 0 : i32
    %eq3A_3 = arith.cmpi eq, %arg0, %eq3A : i32
    %convert_element_type3A = arith.extui %eq3A_3 : i1 to i32
    %cond3A = arith.constant 0 : i32
    %cond3A_4 = arith.cmpi ne, %convert_element_type3A, %cond3A : i32
    scf.if %cond3A_4 {
      "tpu.region"() ({
        %run_scoped3A = tpu.sem_alloc : memref<!tpu.dma_semaphore, #tpu.memory_space<semaphore_mem>>
        %dma_start3A = arith.constant 0 : i32
        %dma_start3A_16 = tpu.memref_slice %arg13[%mul3A_0, %dma_start3A] : memref<10112x128xf32, #tpu.memory_space<vmem_shared>> -> memref<632x128xf32, #tpu.memory_space<vmem_shared>>
        %dma_start3A_17 = arith.constant 0 : i32
        %dma_start3A_18 = tpu.memref_slice %arg6[%mul3A_0, %dma_start3A_17] : memref<10112x128xf32, #tpu.memory_space<hbm>> -> memref<632x128xf32, #tpu.memory_space<hbm>>
        tpu.enqueue_dma source(%dma_start3A_18 : memref<632x128xf32, #tpu.memory_space<hbm>>) target(%dma_start3A_16 : memref<632x128xf32, #tpu.memory_space<vmem_shared>>) target_semaphore(%run_scoped3A : memref<!tpu.dma_semaphore, #tpu.memory_space<semaphore_mem>>)
        %dma_wait3A = arith.constant 0 : i32
        %dma_wait3A_19 = tpu.memref_slice %arg13[%mul3A_0, %dma_wait3A] : memref<10112x128xf32, #tpu.memory_space<vmem_shared>> -> memref<632x128xf32, #tpu.memory_space<vmem_shared>>
        %dma_wait3A_20 = arith.constant 0 : i32
        %dma_wait3A_21 = tpu.memref_slice %arg6[%mul3A_0, %dma_wait3A_20] : memref<10112x128xf32, #tpu.memory_space<hbm>> -> memref<632x128xf32, #tpu.memory_space<hbm>>
        tpu.wait_dma2 semaphore(%run_scoped3A : memref<!tpu.dma_semaphore, #tpu.memory_space<semaphore_mem>>) src(%dma_wait3A_21 : memref<632x128xf32, #tpu.memory_space<hbm>>) dst(%dma_wait3A_19 : memref<632x128xf32, #tpu.memory_space<vmem_shared>>)
        tpu.yield
      }) : () -> ()
      %barrier3A = arith.constant 0 : index
      tpu.barrier barrier_id(%barrier3A)
      %scan3A = arith.constant 0 : i32
      %scan3A_10 = arith.constant 0 : i32
      %scan3A_11 = arith.constant 4 : i32
      %scan3A_12 = arith.addi %scan3A_10, %scan3A_11 : i32
      %scan3A_13 = arith.constant 1 : i32
      scf.for %scan3A_16 = %scan3A_10 to %scan3A_12 step %scan3A_13  : i32 {
        %mul3A_17 = arith.constant 40 : i32
        %mul3A_18 = arith.muli %scan3A_16, %mul3A_17 : i32
        %add3A = arith.addi %mul3A_2, %mul3A_18 : i32
        "tpu.region"() ({
          %run_scoped3A = tpu.sem_alloc : memref<!tpu.dma_semaphore, #tpu.memory_space<semaphore_mem>>
          %dma_start3A = arith.constant 0 : i32
          %dma_start3A_25 = tpu.memref_slice %arg4[%add3A, %dma_start3A] : memref<2560x128xi32, #tpu.memory_space<hbm>> -> memref<40x128xi32, #tpu.memory_space<hbm>>
          %dma_start3A_26 = arith.constant 0 : i32
          %dma_start3A_27 = tpu.memref_slice %arg4[%add3A, %dma_start3A_26] : memref<2560x128xi32, #tpu.memory_space<hbm>> -> memref<40x128xi32, #tpu.memory_space<hbm>>
          tpu.enqueue_dma source(%dma_start3A_27 : memref<40x128xi32, #tpu.memory_space<hbm>>) target(%arg9 : memref<40x128xi32, #tpu.memory_space<vmem>>) target_semaphore(%run_scoped3A : memref<!tpu.dma_semaphore, #tpu.memory_space<semaphore_mem>>)
          %dma_wait3A = arith.constant 0 : i32
          %dma_wait3A_28 = tpu.memref_slice %arg4[%add3A, %dma_wait3A] : memref<2560x128xi32, #tpu.memory_space<hbm>> -> memref<40x128xi32, #tpu.memory_space<hbm>>
          %dma_wait3A_29 = arith.constant 0 : i32
          %dma_wait3A_30 = tpu.memref_slice %arg4[%add3A, %dma_wait3A_29] : memref<2560x128xi32, #tpu.memory_space<hbm>> -> memref<40x128xi32, #tpu.memory_space<hbm>>
          tpu.wait_dma2 semaphore(%run_scoped3A : memref<!tpu.dma_semaphore, #tpu.memory_space<semaphore_mem>>) src(%dma_wait3A_30 : memref<40x128xi32, #tpu.memory_space<hbm>>) dst(%arg9 : memref<40x128xi32, #tpu.memory_space<vmem>>)
          tpu.yield
        }) : () -> ()
        "tpu.region"() ({
          %run_scoped3A = tpu.sem_alloc : memref<!tpu.dma_semaphore, #tpu.memory_space<semaphore_mem>>
          %dma_start3A = arith.constant 0 : i32
          %dma_start3A_25 = tpu.memref_slice %arg5[%add3A, %dma_start3A] : memref<2560x128xi32, #tpu.memory_space<hbm>> -> memref<40x128xi32, #tpu.memory_space<hbm>>
          %dma_start3A_26 = arith.constant 0 : i32
          %dma_start3A_27 = tpu.memref_slice %arg5[%add3A, %dma_start3A_26] : memref<2560x128xi32, #tpu.memory_space<hbm>> -> memref<40x128xi32, #tpu.memory_space<hbm>>
          tpu.enqueue_dma source(%dma_start3A_27 : memref<40x128xi32, #tpu.memory_space<hbm>>) target(%arg10 : memref<40x128xi32, #tpu.memory_space<vmem>>) target_semaphore(%run_scoped3A : memref<!tpu.dma_semaphore, #tpu.memory_space<semaphore_mem>>)
          %dma_wait3A = arith.constant 0 : i32
          %dma_wait3A_28 = tpu.memref_slice %arg5[%add3A, %dma_wait3A] : memref<2560x128xi32, #tpu.memory_space<hbm>> -> memref<40x128xi32, #tpu.memory_space<hbm>>
          %dma_wait3A_29 = arith.constant 0 : i32
          %dma_wait3A_30 = tpu.memref_slice %arg5[%add3A, %dma_wait3A_29] : memref<2560x128xi32, #tpu.memory_space<hbm>> -> memref<40x128xi32, #tpu.memory_space<hbm>>
          tpu.wait_dma2 semaphore(%run_scoped3A : memref<!tpu.dma_semaphore, #tpu.memory_space<semaphore_mem>>) src(%dma_wait3A_30 : memref<40x128xi32, #tpu.memory_space<hbm>>) dst(%arg10 : memref<40x128xi32, #tpu.memory_space<vmem>>)
          tpu.yield
        }) : () -> ()
        %scan3A_19 = arith.constant 0 : i32
        %scan3A_20 = arith.constant 0 : i32
        %scan3A_21 = arith.constant 40 : i32
        %scan3A_22 = arith.addi %scan3A_20, %scan3A_21 : i32
        %scan3A_23 = arith.constant 1 : i32
        scf.for %scan3A_25 = %scan3A_20 to %scan3A_22 step %scan3A_23  : i32 {
          %dma_start3A = arith.constant 0 : i32
          %dma_start3A_26 = tpu.memref_slice %arg9[%scan3A_25, %dma_start3A] : memref<40x128xi32, #tpu.memory_space<vmem>> -> memref<1x128xi32, #tpu.memory_space<vmem>>
          %dma_start3A_27 = tpu.memref_squeeze %dma_start3A_26 : memref<1x128xi32, #tpu.memory_space<vmem>> -> memref<128xi32, #tpu.memory_space<vmem>>
          %dma_start3A_28 = arith.constant 0 : i32
          %dma_start3A_29 = arith.constant 0 : i32
          %dma_start3A_30 = tpu.memref_slice %arg2[%dma_start3A_28, %dma_start3A_29] : memref<10112x128xf32, #tpu.memory_space<hbm>> -> memref<10112x128xf32, #tpu.memory_space<hbm>>
          tpu.enqueue_indirect_dma source(%dma_start3A_30 : memref<10112x128xf32, #tpu.memory_space<hbm>>) target(%arg11 : memref<128x128xf32, #tpu.memory_space<vmem>>) offsets(%dma_start3A_27 : memref<128xi32, #tpu.memory_space<vmem>>) semaphore(%arg14 : memref<!tpu.dma_semaphore, #tpu.memory_space<semaphore_mem>>)
          %dma_wait3A = arith.constant 0 : i32
          %dma_wait3A_31 = tpu.memref_slice %arg9[%scan3A_25, %dma_wait3A] : memref<40x128xi32, #tpu.memory_space<vmem>> -> memref<1x128xi32, #tpu.memory_space<vmem>>
          %dma_wait3A_32 = tpu.memref_squeeze %dma_wait3A_31 : memref<1x128xi32, #tpu.memory_space<vmem>> -> memref<128xi32, #tpu.memory_space<vmem>>
          %dma_wait3A_33 = arith.constant 0 : i32
          %dma_wait3A_34 = arith.constant 0 : i32
          %dma_wait3A_35 = tpu.memref_slice %arg2[%dma_wait3A_33, %dma_wait3A_34] : memref<10112x128xf32, #tpu.memory_space<hbm>> -> memref<10112x128xf32, #tpu.memory_space<hbm>>
          tpu.wait_indirect_dma semaphore(%arg14 : memref<!tpu.dma_semaphore, #tpu.memory_space<semaphore_mem>>) src(%dma_wait3A_35 : memref<10112x128xf32, #tpu.memory_space<hbm>>) dst(%arg11 : memref<128x128xf32, #tpu.memory_space<vmem>>)
          %dma_start3A_36 = arith.constant 0 : i32
          %dma_start3A_37 = tpu.memref_slice %arg10[%scan3A_25, %dma_start3A_36] : memref<40x128xi32, #tpu.memory_space<vmem>> -> memref<1x128xi32, #tpu.memory_space<vmem>>
          %dma_start3A_38 = tpu.memref_squeeze %dma_start3A_37 : memref<1x128xi32, #tpu.memory_space<vmem>> -> memref<128xi32, #tpu.memory_space<vmem>>
          %dma_start3A_39 = arith.constant 0 : i32
          %dma_start3A_40 = arith.constant 0 : i32
          %dma_start3A_41 = tpu.memref_slice %arg2[%dma_start3A_39, %dma_start3A_40] : memref<10112x128xf32, #tpu.memory_space<hbm>> -> memref<10112x128xf32, #tpu.memory_space<hbm>>
          tpu.enqueue_indirect_dma source(%dma_start3A_41 : memref<10112x128xf32, #tpu.memory_space<hbm>>) target(%arg12 : memref<128x128xf32, #tpu.memory_space<vmem>>) offsets(%dma_start3A_38 : memref<128xi32, #tpu.memory_space<vmem>>) semaphore(%arg15 : memref<!tpu.dma_semaphore, #tpu.memory_space<semaphore_mem>>)
          %dma_wait3A_42 = arith.constant 0 : i32
          %dma_wait3A_43 = tpu.memref_slice %arg10[%scan3A_25, %dma_wait3A_42] : memref<40x128xi32, #tpu.memory_space<vmem>> -> memref<1x128xi32, #tpu.memory_space<vmem>>
          %dma_wait3A_44 = tpu.memref_squeeze %dma_wait3A_43 : memref<1x128xi32, #tpu.memory_space<vmem>> -> memref<128xi32, #tpu.memory_space<vmem>>
          %dma_wait3A_45 = arith.constant 0 : i32
          %dma_wait3A_46 = arith.constant 0 : i32
          %dma_wait3A_47 = tpu.memref_slice %arg2[%dma_wait3A_45, %dma_wait3A_46] : memref<10112x128xf32, #tpu.memory_space<hbm>> -> memref<10112x128xf32, #tpu.memory_space<hbm>>
          tpu.wait_indirect_dma semaphore(%arg15 : memref<!tpu.dma_semaphore, #tpu.memory_space<semaphore_mem>>) src(%dma_wait3A_47 : memref<10112x128xf32, #tpu.memory_space<hbm>>) dst(%arg12 : memref<128x128xf32, #tpu.memory_space<vmem>>)
          "tpu.region"() ({
            %run_scoped3A = tpu.sem_alloc : memref<!tpu.dma_semaphore, #tpu.memory_space<semaphore_mem>>
            %dma_start3A_48 = arith.constant 0 : i32
            %dma_start3A_49 = tpu.memref_slice %arg10[%scan3A_25, %dma_start3A_48] : memref<40x128xi32, #tpu.memory_space<vmem>> -> memref<1x128xi32, #tpu.memory_space<vmem>>
            %dma_start3A_50 = tpu.memref_squeeze %dma_start3A_49 : memref<1x128xi32, #tpu.memory_space<vmem>> -> memref<128xi32, #tpu.memory_space<vmem>>
            %dma_start3A_51 = arith.constant 0 : i32
            %dma_start3A_52 = arith.constant 0 : i32
            %dma_start3A_53 = tpu.memref_slice %arg13[%dma_start3A_51, %dma_start3A_52] : memref<10112x128xf32, #tpu.memory_space<vmem_shared>> -> memref<10112x128xf32, #tpu.memory_space<vmem_shared>>
            tpu.enqueue_indirect_dma source(%arg11 : memref<128x128xf32, #tpu.memory_space<vmem>>) target(%dma_start3A_53 : memref<10112x128xf32, #tpu.memory_space<vmem_shared>>) offsets(%dma_start3A_50 : memref<128xi32, #tpu.memory_space<vmem>>) semaphore(%run_scoped3A : memref<!tpu.dma_semaphore, #tpu.memory_space<semaphore_mem>>) {add = true}
            %dma_wait3A_54 = arith.constant 0 : i32
            %dma_wait3A_55 = tpu.memref_slice %arg10[%scan3A_25, %dma_wait3A_54] : memref<40x128xi32, #tpu.memory_space<vmem>> -> memref<1x128xi32, #tpu.memory_space<vmem>>
            %dma_wait3A_56 = tpu.memref_squeeze %dma_wait3A_55 : memref<1x128xi32, #tpu.memory_space<vmem>> -> memref<128xi32, #tpu.memory_space<vmem>>
            %dma_wait3A_57 = arith.constant 0 : i32
            %dma_wait3A_58 = arith.constant 0 : i32
            %dma_wait3A_59 = tpu.memref_slice %arg13[%dma_wait3A_57, %dma_wait3A_58] : memref<10112x128xf32, #tpu.memory_space<vmem_shared>> -> memref<10112x128xf32, #tpu.memory_space<vmem_shared>>
            tpu.wait_indirect_dma semaphore(%run_scoped3A : memref<!tpu.dma_semaphore, #tpu.memory_space<semaphore_mem>>) src(%arg11 : memref<128x128xf32, #tpu.memory_space<vmem>>) dst(%dma_wait3A_59 : memref<10112x128xf32, #tpu.memory_space<vmem_shared>>)
            tpu.yield
          }) : () -> ()
          "tpu.region"() ({
            %run_scoped3A = tpu.sem_alloc : memref<!tpu.dma_semaphore, #tpu.memory_space<semaphore_mem>>
            %dma_start3A_48 = arith.constant 0 : i32
            %dma_start3A_49 = tpu.memref_slice %arg9[%scan3A_25, %dma_start3A_48] : memref<40x128xi32, #tpu.memory_space<vmem>> -> memref<1x128xi32, #tpu.memory_space<vmem>>
            %dma_start3A_50 = tpu.memref_squeeze %dma_start3A_49 : memref<1x128xi32, #tpu.memory_space<vmem>> -> memref<128xi32, #tpu.memory_space<vmem>>
            %dma_start3A_51 = arith.constant 0 : i32
            %dma_start3A_52 = arith.constant 0 : i32
            %dma_start3A_53 = tpu.memref_slice %arg13[%dma_start3A_51, %dma_start3A_52] : memref<10112x128xf32, #tpu.memory_space<vmem_shared>> -> memref<10112x128xf32, #tpu.memory_space<vmem_shared>>
            tpu.enqueue_indirect_dma source(%arg12 : memref<128x128xf32, #tpu.memory_space<vmem>>) target(%dma_start3A_53 : memref<10112x128xf32, #tpu.memory_space<vmem_shared>>) offsets(%dma_start3A_50 : memref<128xi32, #tpu.memory_space<vmem>>) semaphore(%run_scoped3A : memref<!tpu.dma_semaphore, #tpu.memory_space<semaphore_mem>>) {add = true}
            %dma_wait3A_54 = arith.constant 0 : i32
            %dma_wait3A_55 = tpu.memref_slice %arg9[%scan3A_25, %dma_wait3A_54] : memref<40x128xi32, #tpu.memory_space<vmem>> -> memref<1x128xi32, #tpu.memory_space<vmem>>
            %dma_wait3A_56 = tpu.memref_squeeze %dma_wait3A_55 : memref<1x128xi32, #tpu.memory_space<vmem>> -> memref<128xi32, #tpu.memory_space<vmem>>
            %dma_wait3A_57 = arith.constant 0 : i32
            %dma_wait3A_58 = arith.constant 0 : i32
            %dma_wait3A_59 = tpu.memref_slice %arg13[%dma_wait3A_57, %dma_wait3A_58] : memref<10112x128xf32, #tpu.memory_space<vmem_shared>> -> memref<10112x128xf32, #tpu.memory_space<vmem_shared>>
            tpu.wait_indirect_dma semaphore(%run_scoped3A : memref<!tpu.dma_semaphore, #tpu.memory_space<semaphore_mem>>) src(%arg12 : memref<128x128xf32, #tpu.memory_space<vmem>>) dst(%dma_wait3A_59 : memref<10112x128xf32, #tpu.memory_space<vmem_shared>>)
            tpu.yield
          }) : () -> ()
        }
        %scan3A_24 = arith.constant 40 : i32
      }
      %scan3A_14 = arith.constant 4 : i32
      %barrier3A_15 = arith.constant 0 : index
      tpu.barrier barrier_id(%barrier3A_15)
      "tpu.region"() ({
        %run_scoped3A = tpu.sem_alloc : memref<!tpu.dma_semaphore, #tpu.memory_space<semaphore_mem>>
        %dma_start3A = arith.constant 0 : i32
        %dma_start3A_16 = tpu.memref_slice %arg7[%mul3A_0, %dma_start3A] : memref<10112x128xf32, #tpu.memory_space<hbm>> -> memref<632x128xf32, #tpu.memory_space<hbm>>
        %dma_start3A_17 = arith.constant 0 : i32
        %dma_start3A_18 = tpu.memref_slice %arg13[%mul3A_0, %dma_start3A_17] : memref<10112x128xf32, #tpu.memory_space<vmem_shared>> -> memref<632x128xf32, #tpu.memory_space<vmem_shared>>
        tpu.enqueue_dma source(%dma_start3A_18 : memref<632x128xf32, #tpu.memory_space<vmem_shared>>) target(%dma_start3A_16 : memref<632x128xf32, #tpu.memory_space<hbm>>) target_semaphore(%run_scoped3A : memref<!tpu.dma_semaphore, #tpu.memory_space<semaphore_mem>>)
        %dma_wait3A = arith.constant 0 : i32
        %dma_wait3A_19 = tpu.memref_slice %arg7[%mul3A_0, %dma_wait3A] : memref<10112x128xf32, #tpu.memory_space<hbm>> -> memref<632x128xf32, #tpu.memory_space<hbm>>
        %dma_wait3A_20 = arith.constant 0 : i32
        %dma_wait3A_21 = tpu.memref_slice %arg13[%mul3A_0, %dma_wait3A_20] : memref<10112x128xf32, #tpu.memory_space<vmem_shared>> -> memref<632x128xf32, #tpu.memory_space<vmem_shared>>
        tpu.wait_dma2 semaphore(%run_scoped3A : memref<!tpu.dma_semaphore, #tpu.memory_space<semaphore_mem>>) src(%dma_wait3A_21 : memref<632x128xf32, #tpu.memory_space<vmem_shared>>) dst(%dma_wait3A_19 : memref<632x128xf32, #tpu.memory_space<hbm>>)
        tpu.yield
      }) : () -> ()
    } else {
    }
    %eq3A_5 = arith.constant 1 : i32
    %eq3A_6 = arith.cmpi eq, %arg0, %eq3A_5 : i32
    %convert_element_type3A_7 = arith.extui %eq3A_6 : i1 to i32
    %cond3A_8 = arith.constant 0 : i32
    %cond3A_9 = arith.cmpi ne, %convert_element_type3A_7, %cond3A_8 : i32
    scf.if %cond3A_9 {
      "tpu.region"() ({
        %run_scoped3A = tpu.sem_alloc : memref<!tpu.dma_semaphore, #tpu.memory_space<semaphore_mem>>
        %dma_start3A = arith.constant 0 : i32
        %dma_start3A_16 = tpu.memref_slice %arg13[%mul3A_0, %dma_start3A] : memref<10112x128xf32, #tpu.memory_space<vmem_shared>> -> memref<632x128xf32, #tpu.memory_space<vmem_shared>>
        %dma_start3A_17 = arith.constant 0 : i32
        %dma_start3A_18 = tpu.memref_slice %arg6[%mul3A_0, %dma_start3A_17] : memref<10112x128xf32, #tpu.memory_space<hbm>> -> memref<632x128xf32, #tpu.memory_space<hbm>>
        tpu.enqueue_dma source(%dma_start3A_18 : memref<632x128xf32, #tpu.memory_space<hbm>>) target(%dma_start3A_16 : memref<632x128xf32, #tpu.memory_space<vmem_shared>>) target_semaphore(%run_scoped3A : memref<!tpu.dma_semaphore, #tpu.memory_space<semaphore_mem>>)
        %dma_wait3A = arith.constant 0 : i32
        %dma_wait3A_19 = tpu.memref_slice %arg13[%mul3A_0, %dma_wait3A] : memref<10112x128xf32, #tpu.memory_space<vmem_shared>> -> memref<632x128xf32, #tpu.memory_space<vmem_shared>>
        %dma_wait3A_20 = arith.constant 0 : i32
        %dma_wait3A_21 = tpu.memref_slice %arg6[%mul3A_0, %dma_wait3A_20] : memref<10112x128xf32, #tpu.memory_space<hbm>> -> memref<632x128xf32, #tpu.memory_space<hbm>>
        tpu.wait_dma2 semaphore(%run_scoped3A : memref<!tpu.dma_semaphore, #tpu.memory_space<semaphore_mem>>) src(%dma_wait3A_21 : memref<632x128xf32, #tpu.memory_space<hbm>>) dst(%dma_wait3A_19 : memref<632x128xf32, #tpu.memory_space<vmem_shared>>)
        tpu.yield
      }) : () -> ()
      %barrier3A = arith.constant 0 : index
      tpu.barrier barrier_id(%barrier3A)
      %scan3A = arith.constant 0 : i32
      %scan3A_10 = arith.constant 0 : i32
      %scan3A_11 = arith.constant 4 : i32
      %scan3A_12 = arith.addi %scan3A_10, %scan3A_11 : i32
      %scan3A_13 = arith.constant 1 : i32
      scf.for %scan3A_16 = %scan3A_10 to %scan3A_12 step %scan3A_13  : i32 {
        %mul3A_17 = arith.constant 40 : i32
        %mul3A_18 = arith.muli %scan3A_16, %mul3A_17 : i32
        %add3A = arith.addi %mul3A_2, %mul3A_18 : i32
        "tpu.region"() ({
          %run_scoped3A = tpu.sem_alloc : memref<!tpu.dma_semaphore, #tpu.memory_space<semaphore_mem>>
          %dma_start3A = arith.constant 0 : i32
          %dma_start3A_25 = tpu.memref_slice %arg4[%add3A, %dma_start3A] : memref<2560x128xi32, #tpu.memory_space<hbm>> -> memref<40x128xi32, #tpu.memory_space<hbm>>
          %dma_start3A_26 = arith.constant 0 : i32
          %dma_start3A_27 = tpu.memref_slice %arg4[%add3A, %dma_start3A_26] : memref<2560x128xi32, #tpu.memory_space<hbm>> -> memref<40x128xi32, #tpu.memory_space<hbm>>
          tpu.enqueue_dma source(%dma_start3A_27 : memref<40x128xi32, #tpu.memory_space<hbm>>) target(%arg9 : memref<40x128xi32, #tpu.memory_space<vmem>>) target_semaphore(%run_scoped3A : memref<!tpu.dma_semaphore, #tpu.memory_space<semaphore_mem>>)
          %dma_wait3A = arith.constant 0 : i32
          %dma_wait3A_28 = tpu.memref_slice %arg4[%add3A, %dma_wait3A] : memref<2560x128xi32, #tpu.memory_space<hbm>> -> memref<40x128xi32, #tpu.memory_space<hbm>>
          %dma_wait3A_29 = arith.constant 0 : i32
          %dma_wait3A_30 = tpu.memref_slice %arg4[%add3A, %dma_wait3A_29] : memref<2560x128xi32, #tpu.memory_space<hbm>> -> memref<40x128xi32, #tpu.memory_space<hbm>>
          tpu.wait_dma2 semaphore(%run_scoped3A : memref<!tpu.dma_semaphore, #tpu.memory_space<semaphore_mem>>) src(%dma_wait3A_30 : memref<40x128xi32, #tpu.memory_space<hbm>>) dst(%arg9 : memref<40x128xi32, #tpu.memory_space<vmem>>)
          tpu.yield
        }) : () -> ()
        "tpu.region"() ({
          %run_scoped3A = tpu.sem_alloc : memref<!tpu.dma_semaphore, #tpu.memory_space<semaphore_mem>>
          %dma_start3A = arith.constant 0 : i32
          %dma_start3A_25 = tpu.memref_slice %arg5[%add3A, %dma_start3A] : memref<2560x128xi32, #tpu.memory_space<hbm>> -> memref<40x128xi32, #tpu.memory_space<hbm>>
          %dma_start3A_26 = arith.constant 0 : i32
          %dma_start3A_27 = tpu.memref_slice %arg5[%add3A, %dma_start3A_26] : memref<2560x128xi32, #tpu.memory_space<hbm>> -> memref<40x128xi32, #tpu.memory_space<hbm>>
          tpu.enqueue_dma source(%dma_start3A_27 : memref<40x128xi32, #tpu.memory_space<hbm>>) target(%arg10 : memref<40x128xi32, #tpu.memory_space<vmem>>) target_semaphore(%run_scoped3A : memref<!tpu.dma_semaphore, #tpu.memory_space<semaphore_mem>>)
          %dma_wait3A = arith.constant 0 : i32
          %dma_wait3A_28 = tpu.memref_slice %arg5[%add3A, %dma_wait3A] : memref<2560x128xi32, #tpu.memory_space<hbm>> -> memref<40x128xi32, #tpu.memory_space<hbm>>
          %dma_wait3A_29 = arith.constant 0 : i32
          %dma_wait3A_30 = tpu.memref_slice %arg5[%add3A, %dma_wait3A_29] : memref<2560x128xi32, #tpu.memory_space<hbm>> -> memref<40x128xi32, #tpu.memory_space<hbm>>
          tpu.wait_dma2 semaphore(%run_scoped3A : memref<!tpu.dma_semaphore, #tpu.memory_space<semaphore_mem>>) src(%dma_wait3A_30 : memref<40x128xi32, #tpu.memory_space<hbm>>) dst(%arg10 : memref<40x128xi32, #tpu.memory_space<vmem>>)
          tpu.yield
        }) : () -> ()
        %scan3A_19 = arith.constant 0 : i32
        %scan3A_20 = arith.constant 0 : i32
        %scan3A_21 = arith.constant 40 : i32
        %scan3A_22 = arith.addi %scan3A_20, %scan3A_21 : i32
        %scan3A_23 = arith.constant 1 : i32
        scf.for %scan3A_25 = %scan3A_20 to %scan3A_22 step %scan3A_23  : i32 {
          %dma_start3A = arith.constant 0 : i32
          %dma_start3A_26 = tpu.memref_slice %arg9[%scan3A_25, %dma_start3A] : memref<40x128xi32, #tpu.memory_space<vmem>> -> memref<1x128xi32, #tpu.memory_space<vmem>>
          %dma_start3A_27 = tpu.memref_squeeze %dma_start3A_26 : memref<1x128xi32, #tpu.memory_space<vmem>> -> memref<128xi32, #tpu.memory_space<vmem>>
          %dma_start3A_28 = arith.constant 0 : i32
          %dma_start3A_29 = arith.constant 0 : i32
          %dma_start3A_30 = tpu.memref_slice %arg3[%dma_start3A_28, %dma_start3A_29] : memref<10112x128xf32, #tpu.memory_space<hbm>> -> memref<10112x128xf32, #tpu.memory_space<hbm>>
          tpu.enqueue_indirect_dma source(%dma_start3A_30 : memref<10112x128xf32, #tpu.memory_space<hbm>>) target(%arg11 : memref<128x128xf32, #tpu.memory_space<vmem>>) offsets(%dma_start3A_27 : memref<128xi32, #tpu.memory_space<vmem>>) semaphore(%arg14 : memref<!tpu.dma_semaphore, #tpu.memory_space<semaphore_mem>>)
          %dma_wait3A = arith.constant 0 : i32
          %dma_wait3A_31 = tpu.memref_slice %arg9[%scan3A_25, %dma_wait3A] : memref<40x128xi32, #tpu.memory_space<vmem>> -> memref<1x128xi32, #tpu.memory_space<vmem>>
          %dma_wait3A_32 = tpu.memref_squeeze %dma_wait3A_31 : memref<1x128xi32, #tpu.memory_space<vmem>> -> memref<128xi32, #tpu.memory_space<vmem>>
          %dma_wait3A_33 = arith.constant 0 : i32
          %dma_wait3A_34 = arith.constant 0 : i32
          %dma_wait3A_35 = tpu.memref_slice %arg3[%dma_wait3A_33, %dma_wait3A_34] : memref<10112x128xf32, #tpu.memory_space<hbm>> -> memref<10112x128xf32, #tpu.memory_space<hbm>>
          tpu.wait_indirect_dma semaphore(%arg14 : memref<!tpu.dma_semaphore, #tpu.memory_space<semaphore_mem>>) src(%dma_wait3A_35 : memref<10112x128xf32, #tpu.memory_space<hbm>>) dst(%arg11 : memref<128x128xf32, #tpu.memory_space<vmem>>)
          %dma_start3A_36 = arith.constant 0 : i32
          %dma_start3A_37 = tpu.memref_slice %arg10[%scan3A_25, %dma_start3A_36] : memref<40x128xi32, #tpu.memory_space<vmem>> -> memref<1x128xi32, #tpu.memory_space<vmem>>
          %dma_start3A_38 = tpu.memref_squeeze %dma_start3A_37 : memref<1x128xi32, #tpu.memory_space<vmem>> -> memref<128xi32, #tpu.memory_space<vmem>>
          %dma_start3A_39 = arith.constant 0 : i32
          %dma_start3A_40 = arith.constant 0 : i32
          %dma_start3A_41 = tpu.memref_slice %arg3[%dma_start3A_39, %dma_start3A_40] : memref<10112x128xf32, #tpu.memory_space<hbm>> -> memref<10112x128xf32, #tpu.memory_space<hbm>>
          tpu.enqueue_indirect_dma source(%dma_start3A_41 : memref<10112x128xf32, #tpu.memory_space<hbm>>) target(%arg12 : memref<128x128xf32, #tpu.memory_space<vmem>>) offsets(%dma_start3A_38 : memref<128xi32, #tpu.memory_space<vmem>>) semaphore(%arg15 : memref<!tpu.dma_semaphore, #tpu.memory_space<semaphore_mem>>)
          %dma_wait3A_42 = arith.constant 0 : i32
          %dma_wait3A_43 = tpu.memref_slice %arg10[%scan3A_25, %dma_wait3A_42] : memref<40x128xi32, #tpu.memory_space<vmem>> -> memref<1x128xi32, #tpu.memory_space<vmem>>
          %dma_wait3A_44 = tpu.memref_squeeze %dma_wait3A_43 : memref<1x128xi32, #tpu.memory_space<vmem>> -> memref<128xi32, #tpu.memory_space<vmem>>
          %dma_wait3A_45 = arith.constant 0 : i32
          %dma_wait3A_46 = arith.constant 0 : i32
          %dma_wait3A_47 = tpu.memref_slice %arg3[%dma_wait3A_45, %dma_wait3A_46] : memref<10112x128xf32, #tpu.memory_space<hbm>> -> memref<10112x128xf32, #tpu.memory_space<hbm>>
          tpu.wait_indirect_dma semaphore(%arg15 : memref<!tpu.dma_semaphore, #tpu.memory_space<semaphore_mem>>) src(%dma_wait3A_47 : memref<10112x128xf32, #tpu.memory_space<hbm>>) dst(%arg12 : memref<128x128xf32, #tpu.memory_space<vmem>>)
          "tpu.region"() ({
            %run_scoped3A = tpu.sem_alloc : memref<!tpu.dma_semaphore, #tpu.memory_space<semaphore_mem>>
            %dma_start3A_48 = arith.constant 0 : i32
            %dma_start3A_49 = tpu.memref_slice %arg10[%scan3A_25, %dma_start3A_48] : memref<40x128xi32, #tpu.memory_space<vmem>> -> memref<1x128xi32, #tpu.memory_space<vmem>>
            %dma_start3A_50 = tpu.memref_squeeze %dma_start3A_49 : memref<1x128xi32, #tpu.memory_space<vmem>> -> memref<128xi32, #tpu.memory_space<vmem>>
            %dma_start3A_51 = arith.constant 0 : i32
            %dma_start3A_52 = arith.constant 0 : i32
            %dma_start3A_53 = tpu.memref_slice %arg13[%dma_start3A_51, %dma_start3A_52] : memref<10112x128xf32, #tpu.memory_space<vmem_shared>> -> memref<10112x128xf32, #tpu.memory_space<vmem_shared>>
            tpu.enqueue_indirect_dma source(%arg11 : memref<128x128xf32, #tpu.memory_space<vmem>>) target(%dma_start3A_53 : memref<10112x128xf32, #tpu.memory_space<vmem_shared>>) offsets(%dma_start3A_50 : memref<128xi32, #tpu.memory_space<vmem>>) semaphore(%run_scoped3A : memref<!tpu.dma_semaphore, #tpu.memory_space<semaphore_mem>>) {add = true}
            %dma_wait3A_54 = arith.constant 0 : i32
            %dma_wait3A_55 = tpu.memref_slice %arg10[%scan3A_25, %dma_wait3A_54] : memref<40x128xi32, #tpu.memory_space<vmem>> -> memref<1x128xi32, #tpu.memory_space<vmem>>
            %dma_wait3A_56 = tpu.memref_squeeze %dma_wait3A_55 : memref<1x128xi32, #tpu.memory_space<vmem>> -> memref<128xi32, #tpu.memory_space<vmem>>
            %dma_wait3A_57 = arith.constant 0 : i32
            %dma_wait3A_58 = arith.constant 0 : i32
            %dma_wait3A_59 = tpu.memref_slice %arg13[%dma_wait3A_57, %dma_wait3A_58] : memref<10112x128xf32, #tpu.memory_space<vmem_shared>> -> memref<10112x128xf32, #tpu.memory_space<vmem_shared>>
            tpu.wait_indirect_dma semaphore(%run_scoped3A : memref<!tpu.dma_semaphore, #tpu.memory_space<semaphore_mem>>) src(%arg11 : memref<128x128xf32, #tpu.memory_space<vmem>>) dst(%dma_wait3A_59 : memref<10112x128xf32, #tpu.memory_space<vmem_shared>>)
            tpu.yield
          }) : () -> ()
          "tpu.region"() ({
            %run_scoped3A = tpu.sem_alloc : memref<!tpu.dma_semaphore, #tpu.memory_space<semaphore_mem>>
            %dma_start3A_48 = arith.constant 0 : i32
            %dma_start3A_49 = tpu.memref_slice %arg9[%scan3A_25, %dma_start3A_48] : memref<40x128xi32, #tpu.memory_space<vmem>> -> memref<1x128xi32, #tpu.memory_space<vmem>>
            %dma_start3A_50 = tpu.memref_squeeze %dma_start3A_49 : memref<1x128xi32, #tpu.memory_space<vmem>> -> memref<128xi32, #tpu.memory_space<vmem>>
            %dma_start3A_51 = arith.constant 0 : i32
            %dma_start3A_52 = arith.constant 0 : i32
            %dma_start3A_53 = tpu.memref_slice %arg13[%dma_start3A_51, %dma_start3A_52] : memref<10112x128xf32, #tpu.memory_space<vmem_shared>> -> memref<10112x128xf32, #tpu.memory_space<vmem_shared>>
            tpu.enqueue_indirect_dma source(%arg12 : memref<128x128xf32, #tpu.memory_space<vmem>>) target(%dma_start3A_53 : memref<10112x128xf32, #tpu.memory_space<vmem_shared>>) offsets(%dma_start3A_50 : memref<128xi32, #tpu.memory_space<vmem>>) semaphore(%run_scoped3A : memref<!tpu.dma_semaphore, #tpu.memory_space<semaphore_mem>>) {add = true}
            %dma_wait3A_54 = arith.constant 0 : i32
            %dma_wait3A_55 = tpu.memref_slice %arg9[%scan3A_25, %dma_wait3A_54] : memref<40x128xi32, #tpu.memory_space<vmem>> -> memref<1x128xi32, #tpu.memory_space<vmem>>
            %dma_wait3A_56 = tpu.memref_squeeze %dma_wait3A_55 : memref<1x128xi32, #tpu.memory_space<vmem>> -> memref<128xi32, #tpu.memory_space<vmem>>
            %dma_wait3A_57 = arith.constant 0 : i32
            %dma_wait3A_58 = arith.constant 0 : i32
            %dma_wait3A_59 = tpu.memref_slice %arg13[%dma_wait3A_57, %dma_wait3A_58] : memref<10112x128xf32, #tpu.memory_space<vmem_shared>> -> memref<10112x128xf32, #tpu.memory_space<vmem_shared>>
            tpu.wait_indirect_dma semaphore(%run_scoped3A : memref<!tpu.dma_semaphore, #tpu.memory_space<semaphore_mem>>) src(%arg12 : memref<128x128xf32, #tpu.memory_space<vmem>>) dst(%dma_wait3A_59 : memref<10112x128xf32, #tpu.memory_space<vmem_shared>>)
            tpu.yield
          }) : () -> ()
        }
        %scan3A_24 = arith.constant 40 : i32
      }
      %scan3A_14 = arith.constant 4 : i32
      %barrier3A_15 = arith.constant 0 : index
      tpu.barrier barrier_id(%barrier3A_15)
      "tpu.region"() ({
        %run_scoped3A = tpu.sem_alloc : memref<!tpu.dma_semaphore, #tpu.memory_space<semaphore_mem>>
        %dma_start3A = arith.constant 0 : i32
        %dma_start3A_16 = tpu.memref_slice %arg8[%mul3A_0, %dma_start3A] : memref<10112x128xf32, #tpu.memory_space<hbm>> -> memref<632x128xf32, #tpu.memory_space<hbm>>
        %dma_start3A_17 = arith.constant 0 : i32
        %dma_start3A_18 = tpu.memref_slice %arg13[%mul3A_0, %dma_start3A_17] : memref<10112x128xf32, #tpu.memory_space<vmem_shared>> -> memref<632x128xf32, #tpu.memory_space<vmem_shared>>
        tpu.enqueue_dma source(%dma_start3A_18 : memref<632x128xf32, #tpu.memory_space<vmem_shared>>) target(%dma_start3A_16 : memref<632x128xf32, #tpu.memory_space<hbm>>) target_semaphore(%run_scoped3A : memref<!tpu.dma_semaphore, #tpu.memory_space<semaphore_mem>>)
        %dma_wait3A = arith.constant 0 : i32
        %dma_wait3A_19 = tpu.memref_slice %arg8[%mul3A_0, %dma_wait3A] : memref<10112x128xf32, #tpu.memory_space<hbm>> -> memref<632x128xf32, #tpu.memory_space<hbm>>
        %dma_wait3A_20 = arith.constant 0 : i32
        %dma_wait3A_21 = tpu.memref_slice %arg13[%mul3A_0, %dma_wait3A_20] : memref<10112x128xf32, #tpu.memory_space<vmem_shared>> -> memref<632x128xf32, #tpu.memory_space<vmem_shared>>
        tpu.wait_dma2 semaphore(%run_scoped3A : memref<!tpu.dma_semaphore, #tpu.memory_space<semaphore_mem>>) src(%dma_wait3A_21 : memref<632x128xf32, #tpu.memory_space<vmem_shared>>) dst(%dma_wait3A_19 : memref<632x128xf32, #tpu.memory_space<hbm>>)
        tpu.yield
      }) : () -> ()
    } else {
    }
    return
  }
}

#map = affine_map<(d0, d1) -> (0, 0)>
module attributes {stable_mosaic.version = 14 : i64} {
  func.func @_agg_sc_body(%arg0: i32, %arg1: i32, %arg2: memref<10112x128xf32, #tpu.memory_space<hbm>>, %arg3: memref<10112x128xf32, #tpu.memory_space<hbm>>, %arg4: memref<2560x128xi32, #tpu.memory_space<hbm>>, %arg5: memref<2560x128xi32, #tpu.memory_space<hbm>>, %arg6: memref<10112x128xf32, #tpu.memory_space<hbm>>, %arg7: memref<10112x128xf32, #tpu.memory_space<hbm>>, %arg8: memref<10112x128xf32, #tpu.memory_space<hbm>>, %arg9: memref<40x128xi32, #tpu.memory_space<vmem>>, %arg10: memref<40x128xi32, #tpu.memory_space<vmem>>, %arg11: memref<128x128xf32, #tpu.memory_space<vmem>>, %arg12: memref<128x128xf32, #tpu.memory_space<vmem>>, %arg13: memref<10112x128xf32, #tpu.memory_space<vmem_shared>>, %arg14: memref<!tpu.dma_semaphore, #tpu.memory_space<semaphore_mem>>, %arg15: memref<!tpu.dma_semaphore, #tpu.memory_space<semaphore_mem>>) attributes {dimension_semantics = [#tpu.dimension_semantics<core_parallel>, #tpu.dimension_semantics<subcore_parallel>], iteration_bounds = array<i64: 2, 16>, scalar_prefetch = 0 : i64, scratch_operands = 7 : i64, tpu.core_type = #tpu.core_type<sc_vector_subcore>, window_params = [{transform_indices = #map}, {transform_indices = #map}, {transform_indices = #map}, {transform_indices = #map}, {transform_indices = #map}, {transform_indices = #map}, {transform_indices = #map}]} {
    %mul3A = arith.constant 632 : i32
    %mul3A_0 = arith.muli %arg1, %mul3A : i32
    %mul3A_1 = arith.constant 160 : i32
    %mul3A_2 = arith.muli %arg1, %mul3A_1 : i32
    %mul3A_3 = arith.constant 80 : i32
    %mul3A_4 = arith.muli %arg0, %mul3A_3 : i32
    %add3A = arith.addi %mul3A_2, %mul3A_4 : i32
    %eq3A = arith.constant 0 : i32
    %eq3A_5 = arith.cmpi eq, %arg0, %eq3A : i32
    %convert_element_type3A = arith.extui %eq3A_5 : i1 to i32
    %cond3A = arith.constant 0 : i32
    %cond3A_6 = arith.cmpi ne, %convert_element_type3A, %cond3A : i32
    scf.if %cond3A_6 {
      "tpu.region"() ({
        %run_scoped3A = tpu.sem_alloc : memref<!tpu.dma_semaphore, #tpu.memory_space<semaphore_mem>>
        %dma_start3A = arith.constant 0 : i32
        %dma_start3A_18 = tpu.memref_slice %arg13[%mul3A_0, %dma_start3A] : memref<10112x128xf32, #tpu.memory_space<vmem_shared>> -> memref<632x128xf32, #tpu.memory_space<vmem_shared>>
        %dma_start3A_19 = arith.constant 0 : i32
        %dma_start3A_20 = tpu.memref_slice %arg6[%mul3A_0, %dma_start3A_19] : memref<10112x128xf32, #tpu.memory_space<hbm>> -> memref<632x128xf32, #tpu.memory_space<hbm>>
        tpu.enqueue_dma source(%dma_start3A_20 : memref<632x128xf32, #tpu.memory_space<hbm>>) target(%dma_start3A_18 : memref<632x128xf32, #tpu.memory_space<vmem_shared>>) target_semaphore(%run_scoped3A : memref<!tpu.dma_semaphore, #tpu.memory_space<semaphore_mem>>)
        %dma_wait3A = arith.constant 0 : i32
        %dma_wait3A_21 = tpu.memref_slice %arg13[%mul3A_0, %dma_wait3A] : memref<10112x128xf32, #tpu.memory_space<vmem_shared>> -> memref<632x128xf32, #tpu.memory_space<vmem_shared>>
        %dma_wait3A_22 = arith.constant 0 : i32
        %dma_wait3A_23 = tpu.memref_slice %arg6[%mul3A_0, %dma_wait3A_22] : memref<10112x128xf32, #tpu.memory_space<hbm>> -> memref<632x128xf32, #tpu.memory_space<hbm>>
        tpu.wait_dma2 semaphore(%run_scoped3A : memref<!tpu.dma_semaphore, #tpu.memory_space<semaphore_mem>>) src(%dma_wait3A_23 : memref<632x128xf32, #tpu.memory_space<hbm>>) dst(%dma_wait3A_21 : memref<632x128xf32, #tpu.memory_space<vmem_shared>>)
        tpu.yield
      }) : () -> ()
      %barrier3A = arith.constant 0 : index
      tpu.barrier barrier_id(%barrier3A)
      %scan3A = arith.constant 0 : i32
      %scan3A_12 = arith.constant 0 : i32
      %scan3A_13 = arith.constant 2 : i32
      %scan3A_14 = arith.addi %scan3A_12, %scan3A_13 : i32
      %scan3A_15 = arith.constant 1 : i32
      scf.for %scan3A_18 = %scan3A_12 to %scan3A_14 step %scan3A_15  : i32 {
        %mul3A_19 = arith.constant 40 : i32
        %mul3A_20 = arith.muli %scan3A_18, %mul3A_19 : i32
        %add3A_21 = arith.addi %add3A, %mul3A_20 : i32
        "tpu.region"() ({
          %run_scoped3A = tpu.sem_alloc : memref<!tpu.dma_semaphore, #tpu.memory_space<semaphore_mem>>
          %dma_start3A = arith.constant 0 : i32
          %dma_start3A_28 = tpu.memref_slice %arg4[%add3A_21, %dma_start3A] : memref<2560x128xi32, #tpu.memory_space<hbm>> -> memref<40x128xi32, #tpu.memory_space<hbm>>
          %dma_start3A_29 = arith.constant 0 : i32
          %dma_start3A_30 = tpu.memref_slice %arg4[%add3A_21, %dma_start3A_29] : memref<2560x128xi32, #tpu.memory_space<hbm>> -> memref<40x128xi32, #tpu.memory_space<hbm>>
          tpu.enqueue_dma source(%dma_start3A_30 : memref<40x128xi32, #tpu.memory_space<hbm>>) target(%arg9 : memref<40x128xi32, #tpu.memory_space<vmem>>) target_semaphore(%run_scoped3A : memref<!tpu.dma_semaphore, #tpu.memory_space<semaphore_mem>>)
          %dma_wait3A = arith.constant 0 : i32
          %dma_wait3A_31 = tpu.memref_slice %arg4[%add3A_21, %dma_wait3A] : memref<2560x128xi32, #tpu.memory_space<hbm>> -> memref<40x128xi32, #tpu.memory_space<hbm>>
          %dma_wait3A_32 = arith.constant 0 : i32
          %dma_wait3A_33 = tpu.memref_slice %arg4[%add3A_21, %dma_wait3A_32] : memref<2560x128xi32, #tpu.memory_space<hbm>> -> memref<40x128xi32, #tpu.memory_space<hbm>>
          tpu.wait_dma2 semaphore(%run_scoped3A : memref<!tpu.dma_semaphore, #tpu.memory_space<semaphore_mem>>) src(%dma_wait3A_33 : memref<40x128xi32, #tpu.memory_space<hbm>>) dst(%arg9 : memref<40x128xi32, #tpu.memory_space<vmem>>)
          tpu.yield
        }) : () -> ()
        "tpu.region"() ({
          %run_scoped3A = tpu.sem_alloc : memref<!tpu.dma_semaphore, #tpu.memory_space<semaphore_mem>>
          %dma_start3A = arith.constant 0 : i32
          %dma_start3A_28 = tpu.memref_slice %arg5[%add3A_21, %dma_start3A] : memref<2560x128xi32, #tpu.memory_space<hbm>> -> memref<40x128xi32, #tpu.memory_space<hbm>>
          %dma_start3A_29 = arith.constant 0 : i32
          %dma_start3A_30 = tpu.memref_slice %arg5[%add3A_21, %dma_start3A_29] : memref<2560x128xi32, #tpu.memory_space<hbm>> -> memref<40x128xi32, #tpu.memory_space<hbm>>
          tpu.enqueue_dma source(%dma_start3A_30 : memref<40x128xi32, #tpu.memory_space<hbm>>) target(%arg10 : memref<40x128xi32, #tpu.memory_space<vmem>>) target_semaphore(%run_scoped3A : memref<!tpu.dma_semaphore, #tpu.memory_space<semaphore_mem>>)
          %dma_wait3A = arith.constant 0 : i32
          %dma_wait3A_31 = tpu.memref_slice %arg5[%add3A_21, %dma_wait3A] : memref<2560x128xi32, #tpu.memory_space<hbm>> -> memref<40x128xi32, #tpu.memory_space<hbm>>
          %dma_wait3A_32 = arith.constant 0 : i32
          %dma_wait3A_33 = tpu.memref_slice %arg5[%add3A_21, %dma_wait3A_32] : memref<2560x128xi32, #tpu.memory_space<hbm>> -> memref<40x128xi32, #tpu.memory_space<hbm>>
          tpu.wait_dma2 semaphore(%run_scoped3A : memref<!tpu.dma_semaphore, #tpu.memory_space<semaphore_mem>>) src(%dma_wait3A_33 : memref<40x128xi32, #tpu.memory_space<hbm>>) dst(%arg10 : memref<40x128xi32, #tpu.memory_space<vmem>>)
          tpu.yield
        }) : () -> ()
        %scan3A_22 = arith.constant 0 : i32
        %scan3A_23 = arith.constant 0 : i32
        %scan3A_24 = arith.constant 40 : i32
        %scan3A_25 = arith.addi %scan3A_23, %scan3A_24 : i32
        %scan3A_26 = arith.constant 1 : i32
        scf.for %scan3A_28 = %scan3A_23 to %scan3A_25 step %scan3A_26  : i32 {
          %dma_start3A = arith.constant 0 : i32
          %dma_start3A_29 = tpu.memref_slice %arg9[%scan3A_28, %dma_start3A] : memref<40x128xi32, #tpu.memory_space<vmem>> -> memref<1x128xi32, #tpu.memory_space<vmem>>
          %dma_start3A_30 = tpu.memref_squeeze %dma_start3A_29 : memref<1x128xi32, #tpu.memory_space<vmem>> -> memref<128xi32, #tpu.memory_space<vmem>>
          %dma_start3A_31 = arith.constant 0 : i32
          %dma_start3A_32 = arith.constant 0 : i32
          %dma_start3A_33 = tpu.memref_slice %arg2[%dma_start3A_31, %dma_start3A_32] : memref<10112x128xf32, #tpu.memory_space<hbm>> -> memref<10112x128xf32, #tpu.memory_space<hbm>>
          tpu.enqueue_indirect_dma source(%dma_start3A_33 : memref<10112x128xf32, #tpu.memory_space<hbm>>) target(%arg11 : memref<128x128xf32, #tpu.memory_space<vmem>>) offsets(%dma_start3A_30 : memref<128xi32, #tpu.memory_space<vmem>>) semaphore(%arg14 : memref<!tpu.dma_semaphore, #tpu.memory_space<semaphore_mem>>)
          %dma_wait3A = arith.constant 0 : i32
          %dma_wait3A_34 = tpu.memref_slice %arg9[%scan3A_28, %dma_wait3A] : memref<40x128xi32, #tpu.memory_space<vmem>> -> memref<1x128xi32, #tpu.memory_space<vmem>>
          %dma_wait3A_35 = tpu.memref_squeeze %dma_wait3A_34 : memref<1x128xi32, #tpu.memory_space<vmem>> -> memref<128xi32, #tpu.memory_space<vmem>>
          %dma_wait3A_36 = arith.constant 0 : i32
          %dma_wait3A_37 = arith.constant 0 : i32
          %dma_wait3A_38 = tpu.memref_slice %arg2[%dma_wait3A_36, %dma_wait3A_37] : memref<10112x128xf32, #tpu.memory_space<hbm>> -> memref<10112x128xf32, #tpu.memory_space<hbm>>
          tpu.wait_indirect_dma semaphore(%arg14 : memref<!tpu.dma_semaphore, #tpu.memory_space<semaphore_mem>>) src(%dma_wait3A_38 : memref<10112x128xf32, #tpu.memory_space<hbm>>) dst(%arg11 : memref<128x128xf32, #tpu.memory_space<vmem>>)
          %dma_start3A_39 = arith.constant 0 : i32
          %dma_start3A_40 = tpu.memref_slice %arg10[%scan3A_28, %dma_start3A_39] : memref<40x128xi32, #tpu.memory_space<vmem>> -> memref<1x128xi32, #tpu.memory_space<vmem>>
          %dma_start3A_41 = tpu.memref_squeeze %dma_start3A_40 : memref<1x128xi32, #tpu.memory_space<vmem>> -> memref<128xi32, #tpu.memory_space<vmem>>
          %dma_start3A_42 = arith.constant 0 : i32
          %dma_start3A_43 = arith.constant 0 : i32
          %dma_start3A_44 = tpu.memref_slice %arg2[%dma_start3A_42, %dma_start3A_43] : memref<10112x128xf32, #tpu.memory_space<hbm>> -> memref<10112x128xf32, #tpu.memory_space<hbm>>
          tpu.enqueue_indirect_dma source(%dma_start3A_44 : memref<10112x128xf32, #tpu.memory_space<hbm>>) target(%arg12 : memref<128x128xf32, #tpu.memory_space<vmem>>) offsets(%dma_start3A_41 : memref<128xi32, #tpu.memory_space<vmem>>) semaphore(%arg15 : memref<!tpu.dma_semaphore, #tpu.memory_space<semaphore_mem>>)
          %dma_wait3A_45 = arith.constant 0 : i32
          %dma_wait3A_46 = tpu.memref_slice %arg10[%scan3A_28, %dma_wait3A_45] : memref<40x128xi32, #tpu.memory_space<vmem>> -> memref<1x128xi32, #tpu.memory_space<vmem>>
          %dma_wait3A_47 = tpu.memref_squeeze %dma_wait3A_46 : memref<1x128xi32, #tpu.memory_space<vmem>> -> memref<128xi32, #tpu.memory_space<vmem>>
          %dma_wait3A_48 = arith.constant 0 : i32
          %dma_wait3A_49 = arith.constant 0 : i32
          %dma_wait3A_50 = tpu.memref_slice %arg2[%dma_wait3A_48, %dma_wait3A_49] : memref<10112x128xf32, #tpu.memory_space<hbm>> -> memref<10112x128xf32, #tpu.memory_space<hbm>>
          tpu.wait_indirect_dma semaphore(%arg15 : memref<!tpu.dma_semaphore, #tpu.memory_space<semaphore_mem>>) src(%dma_wait3A_50 : memref<10112x128xf32, #tpu.memory_space<hbm>>) dst(%arg12 : memref<128x128xf32, #tpu.memory_space<vmem>>)
          "tpu.region"() ({
            %run_scoped3A = tpu.sem_alloc : memref<!tpu.dma_semaphore, #tpu.memory_space<semaphore_mem>>
            %dma_start3A_51 = arith.constant 0 : i32
            %dma_start3A_52 = tpu.memref_slice %arg10[%scan3A_28, %dma_start3A_51] : memref<40x128xi32, #tpu.memory_space<vmem>> -> memref<1x128xi32, #tpu.memory_space<vmem>>
            %dma_start3A_53 = tpu.memref_squeeze %dma_start3A_52 : memref<1x128xi32, #tpu.memory_space<vmem>> -> memref<128xi32, #tpu.memory_space<vmem>>
            %dma_start3A_54 = arith.constant 0 : i32
            %dma_start3A_55 = arith.constant 0 : i32
            %dma_start3A_56 = tpu.memref_slice %arg13[%dma_start3A_54, %dma_start3A_55] : memref<10112x128xf32, #tpu.memory_space<vmem_shared>> -> memref<10112x128xf32, #tpu.memory_space<vmem_shared>>
            tpu.enqueue_indirect_dma source(%arg11 : memref<128x128xf32, #tpu.memory_space<vmem>>) target(%dma_start3A_56 : memref<10112x128xf32, #tpu.memory_space<vmem_shared>>) offsets(%dma_start3A_53 : memref<128xi32, #tpu.memory_space<vmem>>) semaphore(%run_scoped3A : memref<!tpu.dma_semaphore, #tpu.memory_space<semaphore_mem>>) {add = true}
            %dma_wait3A_57 = arith.constant 0 : i32
            %dma_wait3A_58 = tpu.memref_slice %arg10[%scan3A_28, %dma_wait3A_57] : memref<40x128xi32, #tpu.memory_space<vmem>> -> memref<1x128xi32, #tpu.memory_space<vmem>>
            %dma_wait3A_59 = tpu.memref_squeeze %dma_wait3A_58 : memref<1x128xi32, #tpu.memory_space<vmem>> -> memref<128xi32, #tpu.memory_space<vmem>>
            %dma_wait3A_60 = arith.constant 0 : i32
            %dma_wait3A_61 = arith.constant 0 : i32
            %dma_wait3A_62 = tpu.memref_slice %arg13[%dma_wait3A_60, %dma_wait3A_61] : memref<10112x128xf32, #tpu.memory_space<vmem_shared>> -> memref<10112x128xf32, #tpu.memory_space<vmem_shared>>
            tpu.wait_indirect_dma semaphore(%run_scoped3A : memref<!tpu.dma_semaphore, #tpu.memory_space<semaphore_mem>>) src(%arg11 : memref<128x128xf32, #tpu.memory_space<vmem>>) dst(%dma_wait3A_62 : memref<10112x128xf32, #tpu.memory_space<vmem_shared>>)
            tpu.yield
          }) : () -> ()
          "tpu.region"() ({
            %run_scoped3A = tpu.sem_alloc : memref<!tpu.dma_semaphore, #tpu.memory_space<semaphore_mem>>
            %dma_start3A_51 = arith.constant 0 : i32
            %dma_start3A_52 = tpu.memref_slice %arg9[%scan3A_28, %dma_start3A_51] : memref<40x128xi32, #tpu.memory_space<vmem>> -> memref<1x128xi32, #tpu.memory_space<vmem>>
            %dma_start3A_53 = tpu.memref_squeeze %dma_start3A_52 : memref<1x128xi32, #tpu.memory_space<vmem>> -> memref<128xi32, #tpu.memory_space<vmem>>
            %dma_start3A_54 = arith.constant 0 : i32
            %dma_start3A_55 = arith.constant 0 : i32
            %dma_start3A_56 = tpu.memref_slice %arg13[%dma_start3A_54, %dma_start3A_55] : memref<10112x128xf32, #tpu.memory_space<vmem_shared>> -> memref<10112x128xf32, #tpu.memory_space<vmem_shared>>
            tpu.enqueue_indirect_dma source(%arg12 : memref<128x128xf32, #tpu.memory_space<vmem>>) target(%dma_start3A_56 : memref<10112x128xf32, #tpu.memory_space<vmem_shared>>) offsets(%dma_start3A_53 : memref<128xi32, #tpu.memory_space<vmem>>) semaphore(%run_scoped3A : memref<!tpu.dma_semaphore, #tpu.memory_space<semaphore_mem>>) {add = true}
            %dma_wait3A_57 = arith.constant 0 : i32
            %dma_wait3A_58 = tpu.memref_slice %arg9[%scan3A_28, %dma_wait3A_57] : memref<40x128xi32, #tpu.memory_space<vmem>> -> memref<1x128xi32, #tpu.memory_space<vmem>>
            %dma_wait3A_59 = tpu.memref_squeeze %dma_wait3A_58 : memref<1x128xi32, #tpu.memory_space<vmem>> -> memref<128xi32, #tpu.memory_space<vmem>>
            %dma_wait3A_60 = arith.constant 0 : i32
            %dma_wait3A_61 = arith.constant 0 : i32
            %dma_wait3A_62 = tpu.memref_slice %arg13[%dma_wait3A_60, %dma_wait3A_61] : memref<10112x128xf32, #tpu.memory_space<vmem_shared>> -> memref<10112x128xf32, #tpu.memory_space<vmem_shared>>
            tpu.wait_indirect_dma semaphore(%run_scoped3A : memref<!tpu.dma_semaphore, #tpu.memory_space<semaphore_mem>>) src(%arg12 : memref<128x128xf32, #tpu.memory_space<vmem>>) dst(%dma_wait3A_62 : memref<10112x128xf32, #tpu.memory_space<vmem_shared>>)
            tpu.yield
          }) : () -> ()
        }
        %scan3A_27 = arith.constant 40 : i32
      }
      %scan3A_16 = arith.constant 2 : i32
      %barrier3A_17 = arith.constant 0 : index
      tpu.barrier barrier_id(%barrier3A_17)
      "tpu.region"() ({
        %run_scoped3A = tpu.sem_alloc : memref<!tpu.dma_semaphore, #tpu.memory_space<semaphore_mem>>
        %dma_start3A = arith.constant 0 : i32
        %dma_start3A_18 = tpu.memref_slice %arg7[%mul3A_0, %dma_start3A] : memref<10112x128xf32, #tpu.memory_space<hbm>> -> memref<632x128xf32, #tpu.memory_space<hbm>>
        %dma_start3A_19 = arith.constant 0 : i32
        %dma_start3A_20 = tpu.memref_slice %arg13[%mul3A_0, %dma_start3A_19] : memref<10112x128xf32, #tpu.memory_space<vmem_shared>> -> memref<632x128xf32, #tpu.memory_space<vmem_shared>>
        tpu.enqueue_dma source(%dma_start3A_20 : memref<632x128xf32, #tpu.memory_space<vmem_shared>>) target(%dma_start3A_18 : memref<632x128xf32, #tpu.memory_space<hbm>>) target_semaphore(%run_scoped3A : memref<!tpu.dma_semaphore, #tpu.memory_space<semaphore_mem>>)
        %dma_wait3A = arith.constant 0 : i32
        %dma_wait3A_21 = tpu.memref_slice %arg7[%mul3A_0, %dma_wait3A] : memref<10112x128xf32, #tpu.memory_space<hbm>> -> memref<632x128xf32, #tpu.memory_space<hbm>>
        %dma_wait3A_22 = arith.constant 0 : i32
        %dma_wait3A_23 = tpu.memref_slice %arg13[%mul3A_0, %dma_wait3A_22] : memref<10112x128xf32, #tpu.memory_space<vmem_shared>> -> memref<632x128xf32, #tpu.memory_space<vmem_shared>>
        tpu.wait_dma2 semaphore(%run_scoped3A : memref<!tpu.dma_semaphore, #tpu.memory_space<semaphore_mem>>) src(%dma_wait3A_23 : memref<632x128xf32, #tpu.memory_space<vmem_shared>>) dst(%dma_wait3A_21 : memref<632x128xf32, #tpu.memory_space<hbm>>)
        tpu.yield
      }) : () -> ()
    } else {
    }
    %eq3A_7 = arith.constant 1 : i32
    %eq3A_8 = arith.cmpi eq, %arg0, %eq3A_7 : i32
    %convert_element_type3A_9 = arith.extui %eq3A_8 : i1 to i32
    %cond3A_10 = arith.constant 0 : i32
    %cond3A_11 = arith.cmpi ne, %convert_element_type3A_9, %cond3A_10 : i32
    scf.if %cond3A_11 {
      "tpu.region"() ({
        %run_scoped3A = tpu.sem_alloc : memref<!tpu.dma_semaphore, #tpu.memory_space<semaphore_mem>>
        %dma_start3A = arith.constant 0 : i32
        %dma_start3A_18 = tpu.memref_slice %arg13[%mul3A_0, %dma_start3A] : memref<10112x128xf32, #tpu.memory_space<vmem_shared>> -> memref<632x128xf32, #tpu.memory_space<vmem_shared>>
        %dma_start3A_19 = arith.constant 0 : i32
        %dma_start3A_20 = tpu.memref_slice %arg6[%mul3A_0, %dma_start3A_19] : memref<10112x128xf32, #tpu.memory_space<hbm>> -> memref<632x128xf32, #tpu.memory_space<hbm>>
        tpu.enqueue_dma source(%dma_start3A_20 : memref<632x128xf32, #tpu.memory_space<hbm>>) target(%dma_start3A_18 : memref<632x128xf32, #tpu.memory_space<vmem_shared>>) target_semaphore(%run_scoped3A : memref<!tpu.dma_semaphore, #tpu.memory_space<semaphore_mem>>)
        %dma_wait3A = arith.constant 0 : i32
        %dma_wait3A_21 = tpu.memref_slice %arg13[%mul3A_0, %dma_wait3A] : memref<10112x128xf32, #tpu.memory_space<vmem_shared>> -> memref<632x128xf32, #tpu.memory_space<vmem_shared>>
        %dma_wait3A_22 = arith.constant 0 : i32
        %dma_wait3A_23 = tpu.memref_slice %arg6[%mul3A_0, %dma_wait3A_22] : memref<10112x128xf32, #tpu.memory_space<hbm>> -> memref<632x128xf32, #tpu.memory_space<hbm>>
        tpu.wait_dma2 semaphore(%run_scoped3A : memref<!tpu.dma_semaphore, #tpu.memory_space<semaphore_mem>>) src(%dma_wait3A_23 : memref<632x128xf32, #tpu.memory_space<hbm>>) dst(%dma_wait3A_21 : memref<632x128xf32, #tpu.memory_space<vmem_shared>>)
        tpu.yield
      }) : () -> ()
      %barrier3A = arith.constant 0 : index
      tpu.barrier barrier_id(%barrier3A)
      %scan3A = arith.constant 0 : i32
      %scan3A_12 = arith.constant 0 : i32
      %scan3A_13 = arith.constant 2 : i32
      %scan3A_14 = arith.addi %scan3A_12, %scan3A_13 : i32
      %scan3A_15 = arith.constant 1 : i32
      scf.for %scan3A_18 = %scan3A_12 to %scan3A_14 step %scan3A_15  : i32 {
        %mul3A_19 = arith.constant 40 : i32
        %mul3A_20 = arith.muli %scan3A_18, %mul3A_19 : i32
        %add3A_21 = arith.addi %add3A, %mul3A_20 : i32
        "tpu.region"() ({
          %run_scoped3A = tpu.sem_alloc : memref<!tpu.dma_semaphore, #tpu.memory_space<semaphore_mem>>
          %dma_start3A = arith.constant 0 : i32
          %dma_start3A_28 = tpu.memref_slice %arg4[%add3A_21, %dma_start3A] : memref<2560x128xi32, #tpu.memory_space<hbm>> -> memref<40x128xi32, #tpu.memory_space<hbm>>
          %dma_start3A_29 = arith.constant 0 : i32
          %dma_start3A_30 = tpu.memref_slice %arg4[%add3A_21, %dma_start3A_29] : memref<2560x128xi32, #tpu.memory_space<hbm>> -> memref<40x128xi32, #tpu.memory_space<hbm>>
          tpu.enqueue_dma source(%dma_start3A_30 : memref<40x128xi32, #tpu.memory_space<hbm>>) target(%arg9 : memref<40x128xi32, #tpu.memory_space<vmem>>) target_semaphore(%run_scoped3A : memref<!tpu.dma_semaphore, #tpu.memory_space<semaphore_mem>>)
          %dma_wait3A = arith.constant 0 : i32
          %dma_wait3A_31 = tpu.memref_slice %arg4[%add3A_21, %dma_wait3A] : memref<2560x128xi32, #tpu.memory_space<hbm>> -> memref<40x128xi32, #tpu.memory_space<hbm>>
          %dma_wait3A_32 = arith.constant 0 : i32
          %dma_wait3A_33 = tpu.memref_slice %arg4[%add3A_21, %dma_wait3A_32] : memref<2560x128xi32, #tpu.memory_space<hbm>> -> memref<40x128xi32, #tpu.memory_space<hbm>>
          tpu.wait_dma2 semaphore(%run_scoped3A : memref<!tpu.dma_semaphore, #tpu.memory_space<semaphore_mem>>) src(%dma_wait3A_33 : memref<40x128xi32, #tpu.memory_space<hbm>>) dst(%arg9 : memref<40x128xi32, #tpu.memory_space<vmem>>)
          tpu.yield
        }) : () -> ()
        "tpu.region"() ({
          %run_scoped3A = tpu.sem_alloc : memref<!tpu.dma_semaphore, #tpu.memory_space<semaphore_mem>>
          %dma_start3A = arith.constant 0 : i32
          %dma_start3A_28 = tpu.memref_slice %arg5[%add3A_21, %dma_start3A] : memref<2560x128xi32, #tpu.memory_space<hbm>> -> memref<40x128xi32, #tpu.memory_space<hbm>>
          %dma_start3A_29 = arith.constant 0 : i32
          %dma_start3A_30 = tpu.memref_slice %arg5[%add3A_21, %dma_start3A_29] : memref<2560x128xi32, #tpu.memory_space<hbm>> -> memref<40x128xi32, #tpu.memory_space<hbm>>
          tpu.enqueue_dma source(%dma_start3A_30 : memref<40x128xi32, #tpu.memory_space<hbm>>) target(%arg10 : memref<40x128xi32, #tpu.memory_space<vmem>>) target_semaphore(%run_scoped3A : memref<!tpu.dma_semaphore, #tpu.memory_space<semaphore_mem>>)
          %dma_wait3A = arith.constant 0 : i32
          %dma_wait3A_31 = tpu.memref_slice %arg5[%add3A_21, %dma_wait3A] : memref<2560x128xi32, #tpu.memory_space<hbm>> -> memref<40x128xi32, #tpu.memory_space<hbm>>
          %dma_wait3A_32 = arith.constant 0 : i32
          %dma_wait3A_33 = tpu.memref_slice %arg5[%add3A_21, %dma_wait3A_32] : memref<2560x128xi32, #tpu.memory_space<hbm>> -> memref<40x128xi32, #tpu.memory_space<hbm>>
          tpu.wait_dma2 semaphore(%run_scoped3A : memref<!tpu.dma_semaphore, #tpu.memory_space<semaphore_mem>>) src(%dma_wait3A_33 : memref<40x128xi32, #tpu.memory_space<hbm>>) dst(%arg10 : memref<40x128xi32, #tpu.memory_space<vmem>>)
          tpu.yield
        }) : () -> ()
        %scan3A_22 = arith.constant 0 : i32
        %scan3A_23 = arith.constant 0 : i32
        %scan3A_24 = arith.constant 40 : i32
        %scan3A_25 = arith.addi %scan3A_23, %scan3A_24 : i32
        %scan3A_26 = arith.constant 1 : i32
        scf.for %scan3A_28 = %scan3A_23 to %scan3A_25 step %scan3A_26  : i32 {
          %dma_start3A = arith.constant 0 : i32
          %dma_start3A_29 = tpu.memref_slice %arg9[%scan3A_28, %dma_start3A] : memref<40x128xi32, #tpu.memory_space<vmem>> -> memref<1x128xi32, #tpu.memory_space<vmem>>
          %dma_start3A_30 = tpu.memref_squeeze %dma_start3A_29 : memref<1x128xi32, #tpu.memory_space<vmem>> -> memref<128xi32, #tpu.memory_space<vmem>>
          %dma_start3A_31 = arith.constant 0 : i32
          %dma_start3A_32 = arith.constant 0 : i32
          %dma_start3A_33 = tpu.memref_slice %arg3[%dma_start3A_31, %dma_start3A_32] : memref<10112x128xf32, #tpu.memory_space<hbm>> -> memref<10112x128xf32, #tpu.memory_space<hbm>>
          tpu.enqueue_indirect_dma source(%dma_start3A_33 : memref<10112x128xf32, #tpu.memory_space<hbm>>) target(%arg11 : memref<128x128xf32, #tpu.memory_space<vmem>>) offsets(%dma_start3A_30 : memref<128xi32, #tpu.memory_space<vmem>>) semaphore(%arg14 : memref<!tpu.dma_semaphore, #tpu.memory_space<semaphore_mem>>)
          %dma_wait3A = arith.constant 0 : i32
          %dma_wait3A_34 = tpu.memref_slice %arg9[%scan3A_28, %dma_wait3A] : memref<40x128xi32, #tpu.memory_space<vmem>> -> memref<1x128xi32, #tpu.memory_space<vmem>>
          %dma_wait3A_35 = tpu.memref_squeeze %dma_wait3A_34 : memref<1x128xi32, #tpu.memory_space<vmem>> -> memref<128xi32, #tpu.memory_space<vmem>>
          %dma_wait3A_36 = arith.constant 0 : i32
          %dma_wait3A_37 = arith.constant 0 : i32
          %dma_wait3A_38 = tpu.memref_slice %arg3[%dma_wait3A_36, %dma_wait3A_37] : memref<10112x128xf32, #tpu.memory_space<hbm>> -> memref<10112x128xf32, #tpu.memory_space<hbm>>
          tpu.wait_indirect_dma semaphore(%arg14 : memref<!tpu.dma_semaphore, #tpu.memory_space<semaphore_mem>>) src(%dma_wait3A_38 : memref<10112x128xf32, #tpu.memory_space<hbm>>) dst(%arg11 : memref<128x128xf32, #tpu.memory_space<vmem>>)
          %dma_start3A_39 = arith.constant 0 : i32
          %dma_start3A_40 = tpu.memref_slice %arg10[%scan3A_28, %dma_start3A_39] : memref<40x128xi32, #tpu.memory_space<vmem>> -> memref<1x128xi32, #tpu.memory_space<vmem>>
          %dma_start3A_41 = tpu.memref_squeeze %dma_start3A_40 : memref<1x128xi32, #tpu.memory_space<vmem>> -> memref<128xi32, #tpu.memory_space<vmem>>
          %dma_start3A_42 = arith.constant 0 : i32
          %dma_start3A_43 = arith.constant 0 : i32
          %dma_start3A_44 = tpu.memref_slice %arg3[%dma_start3A_42, %dma_start3A_43] : memref<10112x128xf32, #tpu.memory_space<hbm>> -> memref<10112x128xf32, #tpu.memory_space<hbm>>
          tpu.enqueue_indirect_dma source(%dma_start3A_44 : memref<10112x128xf32, #tpu.memory_space<hbm>>) target(%arg12 : memref<128x128xf32, #tpu.memory_space<vmem>>) offsets(%dma_start3A_41 : memref<128xi32, #tpu.memory_space<vmem>>) semaphore(%arg15 : memref<!tpu.dma_semaphore, #tpu.memory_space<semaphore_mem>>)
          %dma_wait3A_45 = arith.constant 0 : i32
          %dma_wait3A_46 = tpu.memref_slice %arg10[%scan3A_28, %dma_wait3A_45] : memref<40x128xi32, #tpu.memory_space<vmem>> -> memref<1x128xi32, #tpu.memory_space<vmem>>
          %dma_wait3A_47 = tpu.memref_squeeze %dma_wait3A_46 : memref<1x128xi32, #tpu.memory_space<vmem>> -> memref<128xi32, #tpu.memory_space<vmem>>
          %dma_wait3A_48 = arith.constant 0 : i32
          %dma_wait3A_49 = arith.constant 0 : i32
          %dma_wait3A_50 = tpu.memref_slice %arg3[%dma_wait3A_48, %dma_wait3A_49] : memref<10112x128xf32, #tpu.memory_space<hbm>> -> memref<10112x128xf32, #tpu.memory_space<hbm>>
          tpu.wait_indirect_dma semaphore(%arg15 : memref<!tpu.dma_semaphore, #tpu.memory_space<semaphore_mem>>) src(%dma_wait3A_50 : memref<10112x128xf32, #tpu.memory_space<hbm>>) dst(%arg12 : memref<128x128xf32, #tpu.memory_space<vmem>>)
          "tpu.region"() ({
            %run_scoped3A = tpu.sem_alloc : memref<!tpu.dma_semaphore, #tpu.memory_space<semaphore_mem>>
            %dma_start3A_51 = arith.constant 0 : i32
            %dma_start3A_52 = tpu.memref_slice %arg10[%scan3A_28, %dma_start3A_51] : memref<40x128xi32, #tpu.memory_space<vmem>> -> memref<1x128xi32, #tpu.memory_space<vmem>>
            %dma_start3A_53 = tpu.memref_squeeze %dma_start3A_52 : memref<1x128xi32, #tpu.memory_space<vmem>> -> memref<128xi32, #tpu.memory_space<vmem>>
            %dma_start3A_54 = arith.constant 0 : i32
            %dma_start3A_55 = arith.constant 0 : i32
            %dma_start3A_56 = tpu.memref_slice %arg13[%dma_start3A_54, %dma_start3A_55] : memref<10112x128xf32, #tpu.memory_space<vmem_shared>> -> memref<10112x128xf32, #tpu.memory_space<vmem_shared>>
            tpu.enqueue_indirect_dma source(%arg11 : memref<128x128xf32, #tpu.memory_space<vmem>>) target(%dma_start3A_56 : memref<10112x128xf32, #tpu.memory_space<vmem_shared>>) offsets(%dma_start3A_53 : memref<128xi32, #tpu.memory_space<vmem>>) semaphore(%run_scoped3A : memref<!tpu.dma_semaphore, #tpu.memory_space<semaphore_mem>>) {add = true}
            %dma_wait3A_57 = arith.constant 0 : i32
            %dma_wait3A_58 = tpu.memref_slice %arg10[%scan3A_28, %dma_wait3A_57] : memref<40x128xi32, #tpu.memory_space<vmem>> -> memref<1x128xi32, #tpu.memory_space<vmem>>
            %dma_wait3A_59 = tpu.memref_squeeze %dma_wait3A_58 : memref<1x128xi32, #tpu.memory_space<vmem>> -> memref<128xi32, #tpu.memory_space<vmem>>
            %dma_wait3A_60 = arith.constant 0 : i32
            %dma_wait3A_61 = arith.constant 0 : i32
            %dma_wait3A_62 = tpu.memref_slice %arg13[%dma_wait3A_60, %dma_wait3A_61] : memref<10112x128xf32, #tpu.memory_space<vmem_shared>> -> memref<10112x128xf32, #tpu.memory_space<vmem_shared>>
            tpu.wait_indirect_dma semaphore(%run_scoped3A : memref<!tpu.dma_semaphore, #tpu.memory_space<semaphore_mem>>) src(%arg11 : memref<128x128xf32, #tpu.memory_space<vmem>>) dst(%dma_wait3A_62 : memref<10112x128xf32, #tpu.memory_space<vmem_shared>>)
            tpu.yield
          }) : () -> ()
          "tpu.region"() ({
            %run_scoped3A = tpu.sem_alloc : memref<!tpu.dma_semaphore, #tpu.memory_space<semaphore_mem>>
            %dma_start3A_51 = arith.constant 0 : i32
            %dma_start3A_52 = tpu.memref_slice %arg9[%scan3A_28, %dma_start3A_51] : memref<40x128xi32, #tpu.memory_space<vmem>> -> memref<1x128xi32, #tpu.memory_space<vmem>>
            %dma_start3A_53 = tpu.memref_squeeze %dma_start3A_52 : memref<1x128xi32, #tpu.memory_space<vmem>> -> memref<128xi32, #tpu.memory_space<vmem>>
            %dma_start3A_54 = arith.constant 0 : i32
            %dma_start3A_55 = arith.constant 0 : i32
            %dma_start3A_56 = tpu.memref_slice %arg13[%dma_start3A_54, %dma_start3A_55] : memref<10112x128xf32, #tpu.memory_space<vmem_shared>> -> memref<10112x128xf32, #tpu.memory_space<vmem_shared>>
            tpu.enqueue_indirect_dma source(%arg12 : memref<128x128xf32, #tpu.memory_space<vmem>>) target(%dma_start3A_56 : memref<10112x128xf32, #tpu.memory_space<vmem_shared>>) offsets(%dma_start3A_53 : memref<128xi32, #tpu.memory_space<vmem>>) semaphore(%run_scoped3A : memref<!tpu.dma_semaphore, #tpu.memory_space<semaphore_mem>>) {add = true}
            %dma_wait3A_57 = arith.constant 0 : i32
            %dma_wait3A_58 = tpu.memref_slice %arg9[%scan3A_28, %dma_wait3A_57] : memref<40x128xi32, #tpu.memory_space<vmem>> -> memref<1x128xi32, #tpu.memory_space<vmem>>
            %dma_wait3A_59 = tpu.memref_squeeze %dma_wait3A_58 : memref<1x128xi32, #tpu.memory_space<vmem>> -> memref<128xi32, #tpu.memory_space<vmem>>
            %dma_wait3A_60 = arith.constant 0 : i32
            %dma_wait3A_61 = arith.constant 0 : i32
            %dma_wait3A_62 = tpu.memref_slice %arg13[%dma_wait3A_60, %dma_wait3A_61] : memref<10112x128xf32, #tpu.memory_space<vmem_shared>> -> memref<10112x128xf32, #tpu.memory_space<vmem_shared>>
            tpu.wait_indirect_dma semaphore(%run_scoped3A : memref<!tpu.dma_semaphore, #tpu.memory_space<semaphore_mem>>) src(%arg12 : memref<128x128xf32, #tpu.memory_space<vmem>>) dst(%dma_wait3A_62 : memref<10112x128xf32, #tpu.memory_space<vmem_shared>>)
            tpu.yield
          }) : () -> ()
        }
        %scan3A_27 = arith.constant 40 : i32
      }
      %scan3A_16 = arith.constant 2 : i32
      %barrier3A_17 = arith.constant 0 : index
      tpu.barrier barrier_id(%barrier3A_17)
      "tpu.region"() ({
        %run_scoped3A = tpu.sem_alloc : memref<!tpu.dma_semaphore, #tpu.memory_space<semaphore_mem>>
        %dma_start3A = arith.constant 0 : i32
        %dma_start3A_18 = tpu.memref_slice %arg8[%mul3A_0, %dma_start3A] : memref<10112x128xf32, #tpu.memory_space<hbm>> -> memref<632x128xf32, #tpu.memory_space<hbm>>
        %dma_start3A_19 = arith.constant 0 : i32
        %dma_start3A_20 = tpu.memref_slice %arg13[%mul3A_0, %dma_start3A_19] : memref<10112x128xf32, #tpu.memory_space<vmem_shared>> -> memref<632x128xf32, #tpu.memory_space<vmem_shared>>
        tpu.enqueue_dma source(%dma_start3A_20 : memref<632x128xf32, #tpu.memory_space<vmem_shared>>) target(%dma_start3A_18 : memref<632x128xf32, #tpu.memory_space<hbm>>) target_semaphore(%run_scoped3A : memref<!tpu.dma_semaphore, #tpu.memory_space<semaphore_mem>>)
        %dma_wait3A = arith.constant 0 : i32
        %dma_wait3A_21 = tpu.memref_slice %arg8[%mul3A_0, %dma_wait3A] : memref<10112x128xf32, #tpu.memory_space<hbm>> -> memref<632x128xf32, #tpu.memory_space<hbm>>
        %dma_wait3A_22 = arith.constant 0 : i32
        %dma_wait3A_23 = tpu.memref_slice %arg13[%mul3A_0, %dma_wait3A_22] : memref<10112x128xf32, #tpu.memory_space<vmem_shared>> -> memref<632x128xf32, #tpu.memory_space<vmem_shared>>
        tpu.wait_dma2 semaphore(%run_scoped3A : memref<!tpu.dma_semaphore, #tpu.memory_space<semaphore_mem>>) src(%dma_wait3A_23 : memref<632x128xf32, #tpu.memory_space<vmem_shared>>) dst(%dma_wait3A_21 : memref<632x128xf32, #tpu.memory_space<hbm>>)
        tpu.yield
      }) : () -> ()
    } else {
    }
    return
  }
}

#map = affine_map<(d0, d1) -> (0, 0)>
module attributes {stable_mosaic.version = 14 : i64} {
  func.func @_agg_sc_body(%arg0: i32, %arg1: i32, %arg2: memref<10112x128xf32, #tpu.memory_space<hbm>>, %arg3: memref<10112x128xf32, #tpu.memory_space<hbm>>, %arg4: memref<2560x128xi32, #tpu.memory_space<hbm>>, %arg5: memref<2560x128xi32, #tpu.memory_space<hbm>>, %arg6: memref<10112x128xf32, #tpu.memory_space<hbm>>, %arg7: memref<10112x128xf32, #tpu.memory_space<hbm>>, %arg8: memref<10112x128xf32, #tpu.memory_space<hbm>>, %arg9: memref<40x128xi32, #tpu.memory_space<vmem>>, %arg10: memref<40x128xi32, #tpu.memory_space<vmem>>, %arg11: memref<128x128xf32, #tpu.memory_space<vmem>>, %arg12: memref<128x128xf32, #tpu.memory_space<vmem>>, %arg13: memref<10112x128xf32, #tpu.memory_space<vmem_shared>>, %arg14: memref<!tpu.dma_semaphore, #tpu.memory_space<semaphore_mem>>, %arg15: memref<!tpu.dma_semaphore, #tpu.memory_space<semaphore_mem>>) attributes {dimension_semantics = [#tpu.dimension_semantics<core_parallel>, #tpu.dimension_semantics<subcore_parallel>], iteration_bounds = array<i64: 2, 16>, scalar_prefetch = 0 : i64, scratch_operands = 7 : i64, tpu.core_type = #tpu.core_type<sc_vector_subcore>, window_params = [{transform_indices = #map}, {transform_indices = #map}, {transform_indices = #map}, {transform_indices = #map}, {transform_indices = #map}, {transform_indices = #map}, {transform_indices = #map}]} {
    %mul3A = arith.constant 632 : i32
    %mul3A_0 = arith.muli %arg1, %mul3A : i32
    %mul3A_1 = arith.constant 160 : i32
    %mul3A_2 = arith.muli %arg1, %mul3A_1 : i32
    %eq3A = arith.constant 0 : i32
    %eq3A_3 = arith.cmpi eq, %arg0, %eq3A : i32
    %convert_element_type3A = arith.extui %eq3A_3 : i1 to i32
    %cond3A = arith.constant 0 : i32
    %cond3A_4 = arith.cmpi ne, %convert_element_type3A, %cond3A : i32
    scf.if %cond3A_4 {
      "tpu.region"() ({
        %run_scoped3A = tpu.sem_alloc : memref<!tpu.dma_semaphore, #tpu.memory_space<semaphore_mem>>
        %dma_start3A = arith.constant 0 : i32
        %dma_start3A_16 = tpu.memref_slice %arg13[%mul3A_0, %dma_start3A] : memref<10112x128xf32, #tpu.memory_space<vmem_shared>> -> memref<632x128xf32, #tpu.memory_space<vmem_shared>>
        %dma_start3A_17 = arith.constant 0 : i32
        %dma_start3A_18 = tpu.memref_slice %arg6[%mul3A_0, %dma_start3A_17] : memref<10112x128xf32, #tpu.memory_space<hbm>> -> memref<632x128xf32, #tpu.memory_space<hbm>>
        tpu.enqueue_dma source(%dma_start3A_18 : memref<632x128xf32, #tpu.memory_space<hbm>>) target(%dma_start3A_16 : memref<632x128xf32, #tpu.memory_space<vmem_shared>>) target_semaphore(%run_scoped3A : memref<!tpu.dma_semaphore, #tpu.memory_space<semaphore_mem>>)
        %dma_wait3A = arith.constant 0 : i32
        %dma_wait3A_19 = tpu.memref_slice %arg13[%mul3A_0, %dma_wait3A] : memref<10112x128xf32, #tpu.memory_space<vmem_shared>> -> memref<632x128xf32, #tpu.memory_space<vmem_shared>>
        %dma_wait3A_20 = arith.constant 0 : i32
        %dma_wait3A_21 = tpu.memref_slice %arg6[%mul3A_0, %dma_wait3A_20] : memref<10112x128xf32, #tpu.memory_space<hbm>> -> memref<632x128xf32, #tpu.memory_space<hbm>>
        tpu.wait_dma2 semaphore(%run_scoped3A : memref<!tpu.dma_semaphore, #tpu.memory_space<semaphore_mem>>) src(%dma_wait3A_21 : memref<632x128xf32, #tpu.memory_space<hbm>>) dst(%dma_wait3A_19 : memref<632x128xf32, #tpu.memory_space<vmem_shared>>)
        tpu.yield
      }) : () -> ()
      %barrier3A = arith.constant 0 : index
      tpu.barrier barrier_id(%barrier3A)
      %scan3A = arith.constant 0 : i32
      %scan3A_10 = arith.constant 0 : i32
      %scan3A_11 = arith.constant 4 : i32
      %scan3A_12 = arith.addi %scan3A_10, %scan3A_11 : i32
      %scan3A_13 = arith.constant 1 : i32
      scf.for %scan3A_16 = %scan3A_10 to %scan3A_12 step %scan3A_13  : i32 {
        %mul3A_17 = arith.constant 40 : i32
        %mul3A_18 = arith.muli %scan3A_16, %mul3A_17 : i32
        %add3A = arith.addi %mul3A_2, %mul3A_18 : i32
        "tpu.region"() ({
          %run_scoped3A = tpu.sem_alloc : memref<!tpu.dma_semaphore, #tpu.memory_space<semaphore_mem>>
          %dma_start3A = arith.constant 0 : i32
          %dma_start3A_25 = tpu.memref_slice %arg4[%add3A, %dma_start3A] : memref<2560x128xi32, #tpu.memory_space<hbm>> -> memref<40x128xi32, #tpu.memory_space<hbm>>
          %dma_start3A_26 = arith.constant 0 : i32
          %dma_start3A_27 = tpu.memref_slice %arg4[%add3A, %dma_start3A_26] : memref<2560x128xi32, #tpu.memory_space<hbm>> -> memref<40x128xi32, #tpu.memory_space<hbm>>
          tpu.enqueue_dma source(%dma_start3A_27 : memref<40x128xi32, #tpu.memory_space<hbm>>) target(%arg9 : memref<40x128xi32, #tpu.memory_space<vmem>>) target_semaphore(%run_scoped3A : memref<!tpu.dma_semaphore, #tpu.memory_space<semaphore_mem>>)
          %dma_wait3A = arith.constant 0 : i32
          %dma_wait3A_28 = tpu.memref_slice %arg4[%add3A, %dma_wait3A] : memref<2560x128xi32, #tpu.memory_space<hbm>> -> memref<40x128xi32, #tpu.memory_space<hbm>>
          %dma_wait3A_29 = arith.constant 0 : i32
          %dma_wait3A_30 = tpu.memref_slice %arg4[%add3A, %dma_wait3A_29] : memref<2560x128xi32, #tpu.memory_space<hbm>> -> memref<40x128xi32, #tpu.memory_space<hbm>>
          tpu.wait_dma2 semaphore(%run_scoped3A : memref<!tpu.dma_semaphore, #tpu.memory_space<semaphore_mem>>) src(%dma_wait3A_30 : memref<40x128xi32, #tpu.memory_space<hbm>>) dst(%arg9 : memref<40x128xi32, #tpu.memory_space<vmem>>)
          tpu.yield
        }) : () -> ()
        "tpu.region"() ({
          %run_scoped3A = tpu.sem_alloc : memref<!tpu.dma_semaphore, #tpu.memory_space<semaphore_mem>>
          %dma_start3A = arith.constant 0 : i32
          %dma_start3A_25 = tpu.memref_slice %arg5[%add3A, %dma_start3A] : memref<2560x128xi32, #tpu.memory_space<hbm>> -> memref<40x128xi32, #tpu.memory_space<hbm>>
          %dma_start3A_26 = arith.constant 0 : i32
          %dma_start3A_27 = tpu.memref_slice %arg5[%add3A, %dma_start3A_26] : memref<2560x128xi32, #tpu.memory_space<hbm>> -> memref<40x128xi32, #tpu.memory_space<hbm>>
          tpu.enqueue_dma source(%dma_start3A_27 : memref<40x128xi32, #tpu.memory_space<hbm>>) target(%arg10 : memref<40x128xi32, #tpu.memory_space<vmem>>) target_semaphore(%run_scoped3A : memref<!tpu.dma_semaphore, #tpu.memory_space<semaphore_mem>>)
          %dma_wait3A = arith.constant 0 : i32
          %dma_wait3A_28 = tpu.memref_slice %arg5[%add3A, %dma_wait3A] : memref<2560x128xi32, #tpu.memory_space<hbm>> -> memref<40x128xi32, #tpu.memory_space<hbm>>
          %dma_wait3A_29 = arith.constant 0 : i32
          %dma_wait3A_30 = tpu.memref_slice %arg5[%add3A, %dma_wait3A_29] : memref<2560x128xi32, #tpu.memory_space<hbm>> -> memref<40x128xi32, #tpu.memory_space<hbm>>
          tpu.wait_dma2 semaphore(%run_scoped3A : memref<!tpu.dma_semaphore, #tpu.memory_space<semaphore_mem>>) src(%dma_wait3A_30 : memref<40x128xi32, #tpu.memory_space<hbm>>) dst(%arg10 : memref<40x128xi32, #tpu.memory_space<vmem>>)
          tpu.yield
        }) : () -> ()
        %scan3A_19 = arith.constant 0 : i32
        %scan3A_20 = arith.constant 0 : i32
        %scan3A_21 = arith.constant 40 : i32
        %scan3A_22 = arith.addi %scan3A_20, %scan3A_21 : i32
        %scan3A_23 = arith.constant 1 : i32
        scf.for %scan3A_25 = %scan3A_20 to %scan3A_22 step %scan3A_23  : i32 {
          %dma_start3A = arith.constant 0 : i32
          %dma_start3A_26 = tpu.memref_slice %arg9[%scan3A_25, %dma_start3A] : memref<40x128xi32, #tpu.memory_space<vmem>> -> memref<1x128xi32, #tpu.memory_space<vmem>>
          %dma_start3A_27 = tpu.memref_squeeze %dma_start3A_26 : memref<1x128xi32, #tpu.memory_space<vmem>> -> memref<128xi32, #tpu.memory_space<vmem>>
          %dma_start3A_28 = arith.constant 0 : i32
          %dma_start3A_29 = arith.constant 0 : i32
          %dma_start3A_30 = tpu.memref_slice %arg2[%dma_start3A_28, %dma_start3A_29] : memref<10112x128xf32, #tpu.memory_space<hbm>> -> memref<10112x128xf32, #tpu.memory_space<hbm>>
          tpu.enqueue_indirect_dma source(%dma_start3A_30 : memref<10112x128xf32, #tpu.memory_space<hbm>>) target(%arg11 : memref<128x128xf32, #tpu.memory_space<vmem>>) offsets(%dma_start3A_27 : memref<128xi32, #tpu.memory_space<vmem>>) semaphore(%arg14 : memref<!tpu.dma_semaphore, #tpu.memory_space<semaphore_mem>>)
          %dma_wait3A = arith.constant 0 : i32
          %dma_wait3A_31 = tpu.memref_slice %arg9[%scan3A_25, %dma_wait3A] : memref<40x128xi32, #tpu.memory_space<vmem>> -> memref<1x128xi32, #tpu.memory_space<vmem>>
          %dma_wait3A_32 = tpu.memref_squeeze %dma_wait3A_31 : memref<1x128xi32, #tpu.memory_space<vmem>> -> memref<128xi32, #tpu.memory_space<vmem>>
          %dma_wait3A_33 = arith.constant 0 : i32
          %dma_wait3A_34 = arith.constant 0 : i32
          %dma_wait3A_35 = tpu.memref_slice %arg2[%dma_wait3A_33, %dma_wait3A_34] : memref<10112x128xf32, #tpu.memory_space<hbm>> -> memref<10112x128xf32, #tpu.memory_space<hbm>>
          tpu.wait_indirect_dma semaphore(%arg14 : memref<!tpu.dma_semaphore, #tpu.memory_space<semaphore_mem>>) src(%dma_wait3A_35 : memref<10112x128xf32, #tpu.memory_space<hbm>>) dst(%arg11 : memref<128x128xf32, #tpu.memory_space<vmem>>)
          %dma_start3A_36 = arith.constant 0 : i32
          %dma_start3A_37 = tpu.memref_slice %arg10[%scan3A_25, %dma_start3A_36] : memref<40x128xi32, #tpu.memory_space<vmem>> -> memref<1x128xi32, #tpu.memory_space<vmem>>
          %dma_start3A_38 = tpu.memref_squeeze %dma_start3A_37 : memref<1x128xi32, #tpu.memory_space<vmem>> -> memref<128xi32, #tpu.memory_space<vmem>>
          %dma_start3A_39 = arith.constant 0 : i32
          %dma_start3A_40 = arith.constant 0 : i32
          %dma_start3A_41 = tpu.memref_slice %arg2[%dma_start3A_39, %dma_start3A_40] : memref<10112x128xf32, #tpu.memory_space<hbm>> -> memref<10112x128xf32, #tpu.memory_space<hbm>>
          tpu.enqueue_indirect_dma source(%dma_start3A_41 : memref<10112x128xf32, #tpu.memory_space<hbm>>) target(%arg12 : memref<128x128xf32, #tpu.memory_space<vmem>>) offsets(%dma_start3A_38 : memref<128xi32, #tpu.memory_space<vmem>>) semaphore(%arg15 : memref<!tpu.dma_semaphore, #tpu.memory_space<semaphore_mem>>)
          %dma_wait3A_42 = arith.constant 0 : i32
          %dma_wait3A_43 = tpu.memref_slice %arg10[%scan3A_25, %dma_wait3A_42] : memref<40x128xi32, #tpu.memory_space<vmem>> -> memref<1x128xi32, #tpu.memory_space<vmem>>
          %dma_wait3A_44 = tpu.memref_squeeze %dma_wait3A_43 : memref<1x128xi32, #tpu.memory_space<vmem>> -> memref<128xi32, #tpu.memory_space<vmem>>
          %dma_wait3A_45 = arith.constant 0 : i32
          %dma_wait3A_46 = arith.constant 0 : i32
          %dma_wait3A_47 = tpu.memref_slice %arg2[%dma_wait3A_45, %dma_wait3A_46] : memref<10112x128xf32, #tpu.memory_space<hbm>> -> memref<10112x128xf32, #tpu.memory_space<hbm>>
          tpu.wait_indirect_dma semaphore(%arg15 : memref<!tpu.dma_semaphore, #tpu.memory_space<semaphore_mem>>) src(%dma_wait3A_47 : memref<10112x128xf32, #tpu.memory_space<hbm>>) dst(%arg12 : memref<128x128xf32, #tpu.memory_space<vmem>>)
          "tpu.region"() ({
            %run_scoped3A = tpu.sem_alloc : memref<!tpu.dma_semaphore, #tpu.memory_space<semaphore_mem>>
            %dma_start3A_48 = arith.constant 0 : i32
            %dma_start3A_49 = tpu.memref_slice %arg10[%scan3A_25, %dma_start3A_48] : memref<40x128xi32, #tpu.memory_space<vmem>> -> memref<1x128xi32, #tpu.memory_space<vmem>>
            %dma_start3A_50 = tpu.memref_squeeze %dma_start3A_49 : memref<1x128xi32, #tpu.memory_space<vmem>> -> memref<128xi32, #tpu.memory_space<vmem>>
            %dma_start3A_51 = arith.constant 0 : i32
            %dma_start3A_52 = arith.constant 0 : i32
            %dma_start3A_53 = tpu.memref_slice %arg13[%dma_start3A_51, %dma_start3A_52] : memref<10112x128xf32, #tpu.memory_space<vmem_shared>> -> memref<10112x128xf32, #tpu.memory_space<vmem_shared>>
            tpu.enqueue_indirect_dma source(%arg11 : memref<128x128xf32, #tpu.memory_space<vmem>>) target(%dma_start3A_53 : memref<10112x128xf32, #tpu.memory_space<vmem_shared>>) offsets(%dma_start3A_50 : memref<128xi32, #tpu.memory_space<vmem>>) semaphore(%run_scoped3A : memref<!tpu.dma_semaphore, #tpu.memory_space<semaphore_mem>>) {add = true}
            %dma_wait3A_54 = arith.constant 0 : i32
            %dma_wait3A_55 = tpu.memref_slice %arg10[%scan3A_25, %dma_wait3A_54] : memref<40x128xi32, #tpu.memory_space<vmem>> -> memref<1x128xi32, #tpu.memory_space<vmem>>
            %dma_wait3A_56 = tpu.memref_squeeze %dma_wait3A_55 : memref<1x128xi32, #tpu.memory_space<vmem>> -> memref<128xi32, #tpu.memory_space<vmem>>
            %dma_wait3A_57 = arith.constant 0 : i32
            %dma_wait3A_58 = arith.constant 0 : i32
            %dma_wait3A_59 = tpu.memref_slice %arg13[%dma_wait3A_57, %dma_wait3A_58] : memref<10112x128xf32, #tpu.memory_space<vmem_shared>> -> memref<10112x128xf32, #tpu.memory_space<vmem_shared>>
            tpu.wait_indirect_dma semaphore(%run_scoped3A : memref<!tpu.dma_semaphore, #tpu.memory_space<semaphore_mem>>) src(%arg11 : memref<128x128xf32, #tpu.memory_space<vmem>>) dst(%dma_wait3A_59 : memref<10112x128xf32, #tpu.memory_space<vmem_shared>>)
            tpu.yield
          }) : () -> ()
          "tpu.region"() ({
            %run_scoped3A = tpu.sem_alloc : memref<!tpu.dma_semaphore, #tpu.memory_space<semaphore_mem>>
            %dma_start3A_48 = arith.constant 0 : i32
            %dma_start3A_49 = tpu.memref_slice %arg9[%scan3A_25, %dma_start3A_48] : memref<40x128xi32, #tpu.memory_space<vmem>> -> memref<1x128xi32, #tpu.memory_space<vmem>>
            %dma_start3A_50 = tpu.memref_squeeze %dma_start3A_49 : memref<1x128xi32, #tpu.memory_space<vmem>> -> memref<128xi32, #tpu.memory_space<vmem>>
            %dma_start3A_51 = arith.constant 0 : i32
            %dma_start3A_52 = arith.constant 0 : i32
            %dma_start3A_53 = tpu.memref_slice %arg13[%dma_start3A_51, %dma_start3A_52] : memref<10112x128xf32, #tpu.memory_space<vmem_shared>> -> memref<10112x128xf32, #tpu.memory_space<vmem_shared>>
            tpu.enqueue_indirect_dma source(%arg12 : memref<128x128xf32, #tpu.memory_space<vmem>>) target(%dma_start3A_53 : memref<10112x128xf32, #tpu.memory_space<vmem_shared>>) offsets(%dma_start3A_50 : memref<128xi32, #tpu.memory_space<vmem>>) semaphore(%run_scoped3A : memref<!tpu.dma_semaphore, #tpu.memory_space<semaphore_mem>>) {add = true}
            %dma_wait3A_54 = arith.constant 0 : i32
            %dma_wait3A_55 = tpu.memref_slice %arg9[%scan3A_25, %dma_wait3A_54] : memref<40x128xi32, #tpu.memory_space<vmem>> -> memref<1x128xi32, #tpu.memory_space<vmem>>
            %dma_wait3A_56 = tpu.memref_squeeze %dma_wait3A_55 : memref<1x128xi32, #tpu.memory_space<vmem>> -> memref<128xi32, #tpu.memory_space<vmem>>
            %dma_wait3A_57 = arith.constant 0 : i32
            %dma_wait3A_58 = arith.constant 0 : i32
            %dma_wait3A_59 = tpu.memref_slice %arg13[%dma_wait3A_57, %dma_wait3A_58] : memref<10112x128xf32, #tpu.memory_space<vmem_shared>> -> memref<10112x128xf32, #tpu.memory_space<vmem_shared>>
            tpu.wait_indirect_dma semaphore(%run_scoped3A : memref<!tpu.dma_semaphore, #tpu.memory_space<semaphore_mem>>) src(%arg12 : memref<128x128xf32, #tpu.memory_space<vmem>>) dst(%dma_wait3A_59 : memref<10112x128xf32, #tpu.memory_space<vmem_shared>>)
            tpu.yield
          }) : () -> ()
        }
        %scan3A_24 = arith.constant 40 : i32
      }
      %scan3A_14 = arith.constant 4 : i32
      %barrier3A_15 = arith.constant 0 : index
      tpu.barrier barrier_id(%barrier3A_15)
      "tpu.region"() ({
        %run_scoped3A = tpu.sem_alloc : memref<!tpu.dma_semaphore, #tpu.memory_space<semaphore_mem>>
        %dma_start3A = arith.constant 0 : i32
        %dma_start3A_16 = tpu.memref_slice %arg7[%mul3A_0, %dma_start3A] : memref<10112x128xf32, #tpu.memory_space<hbm>> -> memref<632x128xf32, #tpu.memory_space<hbm>>
        %dma_start3A_17 = arith.constant 0 : i32
        %dma_start3A_18 = tpu.memref_slice %arg13[%mul3A_0, %dma_start3A_17] : memref<10112x128xf32, #tpu.memory_space<vmem_shared>> -> memref<632x128xf32, #tpu.memory_space<vmem_shared>>
        tpu.enqueue_dma source(%dma_start3A_18 : memref<632x128xf32, #tpu.memory_space<vmem_shared>>) target(%dma_start3A_16 : memref<632x128xf32, #tpu.memory_space<hbm>>) target_semaphore(%run_scoped3A : memref<!tpu.dma_semaphore, #tpu.memory_space<semaphore_mem>>)
        %dma_wait3A = arith.constant 0 : i32
        %dma_wait3A_19 = tpu.memref_slice %arg7[%mul3A_0, %dma_wait3A] : memref<10112x128xf32, #tpu.memory_space<hbm>> -> memref<632x128xf32, #tpu.memory_space<hbm>>
        %dma_wait3A_20 = arith.constant 0 : i32
        %dma_wait3A_21 = tpu.memref_slice %arg13[%mul3A_0, %dma_wait3A_20] : memref<10112x128xf32, #tpu.memory_space<vmem_shared>> -> memref<632x128xf32, #tpu.memory_space<vmem_shared>>
        tpu.wait_dma2 semaphore(%run_scoped3A : memref<!tpu.dma_semaphore, #tpu.memory_space<semaphore_mem>>) src(%dma_wait3A_21 : memref<632x128xf32, #tpu.memory_space<vmem_shared>>) dst(%dma_wait3A_19 : memref<632x128xf32, #tpu.memory_space<hbm>>)
        tpu.yield
      }) : () -> ()
    } else {
    }
    %eq3A_5 = arith.constant 1 : i32
    %eq3A_6 = arith.cmpi eq, %arg0, %eq3A_5 : i32
    %convert_element_type3A_7 = arith.extui %eq3A_6 : i1 to i32
    %cond3A_8 = arith.constant 0 : i32
    %cond3A_9 = arith.cmpi ne, %convert_element_type3A_7, %cond3A_8 : i32
    scf.if %cond3A_9 {
      "tpu.region"() ({
        %run_scoped3A = tpu.sem_alloc : memref<!tpu.dma_semaphore, #tpu.memory_space<semaphore_mem>>
        %dma_start3A = arith.constant 0 : i32
        %dma_start3A_16 = tpu.memref_slice %arg13[%mul3A_0, %dma_start3A] : memref<10112x128xf32, #tpu.memory_space<vmem_shared>> -> memref<632x128xf32, #tpu.memory_space<vmem_shared>>
        %dma_start3A_17 = arith.constant 0 : i32
        %dma_start3A_18 = tpu.memref_slice %arg6[%mul3A_0, %dma_start3A_17] : memref<10112x128xf32, #tpu.memory_space<hbm>> -> memref<632x128xf32, #tpu.memory_space<hbm>>
        tpu.enqueue_dma source(%dma_start3A_18 : memref<632x128xf32, #tpu.memory_space<hbm>>) target(%dma_start3A_16 : memref<632x128xf32, #tpu.memory_space<vmem_shared>>) target_semaphore(%run_scoped3A : memref<!tpu.dma_semaphore, #tpu.memory_space<semaphore_mem>>)
        %dma_wait3A = arith.constant 0 : i32
        %dma_wait3A_19 = tpu.memref_slice %arg13[%mul3A_0, %dma_wait3A] : memref<10112x128xf32, #tpu.memory_space<vmem_shared>> -> memref<632x128xf32, #tpu.memory_space<vmem_shared>>
        %dma_wait3A_20 = arith.constant 0 : i32
        %dma_wait3A_21 = tpu.memref_slice %arg6[%mul3A_0, %dma_wait3A_20] : memref<10112x128xf32, #tpu.memory_space<hbm>> -> memref<632x128xf32, #tpu.memory_space<hbm>>
        tpu.wait_dma2 semaphore(%run_scoped3A : memref<!tpu.dma_semaphore, #tpu.memory_space<semaphore_mem>>) src(%dma_wait3A_21 : memref<632x128xf32, #tpu.memory_space<hbm>>) dst(%dma_wait3A_19 : memref<632x128xf32, #tpu.memory_space<vmem_shared>>)
        tpu.yield
      }) : () -> ()
      %barrier3A = arith.constant 0 : index
      tpu.barrier barrier_id(%barrier3A)
      %scan3A = arith.constant 0 : i32
      %scan3A_10 = arith.constant 0 : i32
      %scan3A_11 = arith.constant 4 : i32
      %scan3A_12 = arith.addi %scan3A_10, %scan3A_11 : i32
      %scan3A_13 = arith.constant 1 : i32
      scf.for %scan3A_16 = %scan3A_10 to %scan3A_12 step %scan3A_13  : i32 {
        %mul3A_17 = arith.constant 40 : i32
        %mul3A_18 = arith.muli %scan3A_16, %mul3A_17 : i32
        %add3A = arith.addi %mul3A_2, %mul3A_18 : i32
        "tpu.region"() ({
          %run_scoped3A = tpu.sem_alloc : memref<!tpu.dma_semaphore, #tpu.memory_space<semaphore_mem>>
          %dma_start3A = arith.constant 0 : i32
          %dma_start3A_25 = tpu.memref_slice %arg4[%add3A, %dma_start3A] : memref<2560x128xi32, #tpu.memory_space<hbm>> -> memref<40x128xi32, #tpu.memory_space<hbm>>
          %dma_start3A_26 = arith.constant 0 : i32
          %dma_start3A_27 = tpu.memref_slice %arg4[%add3A, %dma_start3A_26] : memref<2560x128xi32, #tpu.memory_space<hbm>> -> memref<40x128xi32, #tpu.memory_space<hbm>>
          tpu.enqueue_dma source(%dma_start3A_27 : memref<40x128xi32, #tpu.memory_space<hbm>>) target(%arg9 : memref<40x128xi32, #tpu.memory_space<vmem>>) target_semaphore(%run_scoped3A : memref<!tpu.dma_semaphore, #tpu.memory_space<semaphore_mem>>)
          %dma_wait3A = arith.constant 0 : i32
          %dma_wait3A_28 = tpu.memref_slice %arg4[%add3A, %dma_wait3A] : memref<2560x128xi32, #tpu.memory_space<hbm>> -> memref<40x128xi32, #tpu.memory_space<hbm>>
          %dma_wait3A_29 = arith.constant 0 : i32
          %dma_wait3A_30 = tpu.memref_slice %arg4[%add3A, %dma_wait3A_29] : memref<2560x128xi32, #tpu.memory_space<hbm>> -> memref<40x128xi32, #tpu.memory_space<hbm>>
          tpu.wait_dma2 semaphore(%run_scoped3A : memref<!tpu.dma_semaphore, #tpu.memory_space<semaphore_mem>>) src(%dma_wait3A_30 : memref<40x128xi32, #tpu.memory_space<hbm>>) dst(%arg9 : memref<40x128xi32, #tpu.memory_space<vmem>>)
          tpu.yield
        }) : () -> ()
        "tpu.region"() ({
          %run_scoped3A = tpu.sem_alloc : memref<!tpu.dma_semaphore, #tpu.memory_space<semaphore_mem>>
          %dma_start3A = arith.constant 0 : i32
          %dma_start3A_25 = tpu.memref_slice %arg5[%add3A, %dma_start3A] : memref<2560x128xi32, #tpu.memory_space<hbm>> -> memref<40x128xi32, #tpu.memory_space<hbm>>
          %dma_start3A_26 = arith.constant 0 : i32
          %dma_start3A_27 = tpu.memref_slice %arg5[%add3A, %dma_start3A_26] : memref<2560x128xi32, #tpu.memory_space<hbm>> -> memref<40x128xi32, #tpu.memory_space<hbm>>
          tpu.enqueue_dma source(%dma_start3A_27 : memref<40x128xi32, #tpu.memory_space<hbm>>) target(%arg10 : memref<40x128xi32, #tpu.memory_space<vmem>>) target_semaphore(%run_scoped3A : memref<!tpu.dma_semaphore, #tpu.memory_space<semaphore_mem>>)
          %dma_wait3A = arith.constant 0 : i32
          %dma_wait3A_28 = tpu.memref_slice %arg5[%add3A, %dma_wait3A] : memref<2560x128xi32, #tpu.memory_space<hbm>> -> memref<40x128xi32, #tpu.memory_space<hbm>>
          %dma_wait3A_29 = arith.constant 0 : i32
          %dma_wait3A_30 = tpu.memref_slice %arg5[%add3A, %dma_wait3A_29] : memref<2560x128xi32, #tpu.memory_space<hbm>> -> memref<40x128xi32, #tpu.memory_space<hbm>>
          tpu.wait_dma2 semaphore(%run_scoped3A : memref<!tpu.dma_semaphore, #tpu.memory_space<semaphore_mem>>) src(%dma_wait3A_30 : memref<40x128xi32, #tpu.memory_space<hbm>>) dst(%arg10 : memref<40x128xi32, #tpu.memory_space<vmem>>)
          tpu.yield
        }) : () -> ()
        %scan3A_19 = arith.constant 0 : i32
        %scan3A_20 = arith.constant 0 : i32
        %scan3A_21 = arith.constant 40 : i32
        %scan3A_22 = arith.addi %scan3A_20, %scan3A_21 : i32
        %scan3A_23 = arith.constant 1 : i32
        scf.for %scan3A_25 = %scan3A_20 to %scan3A_22 step %scan3A_23  : i32 {
          %dma_start3A = arith.constant 0 : i32
          %dma_start3A_26 = tpu.memref_slice %arg9[%scan3A_25, %dma_start3A] : memref<40x128xi32, #tpu.memory_space<vmem>> -> memref<1x128xi32, #tpu.memory_space<vmem>>
          %dma_start3A_27 = tpu.memref_squeeze %dma_start3A_26 : memref<1x128xi32, #tpu.memory_space<vmem>> -> memref<128xi32, #tpu.memory_space<vmem>>
          %dma_start3A_28 = arith.constant 0 : i32
          %dma_start3A_29 = arith.constant 0 : i32
          %dma_start3A_30 = tpu.memref_slice %arg3[%dma_start3A_28, %dma_start3A_29] : memref<10112x128xf32, #tpu.memory_space<hbm>> -> memref<10112x128xf32, #tpu.memory_space<hbm>>
          tpu.enqueue_indirect_dma source(%dma_start3A_30 : memref<10112x128xf32, #tpu.memory_space<hbm>>) target(%arg11 : memref<128x128xf32, #tpu.memory_space<vmem>>) offsets(%dma_start3A_27 : memref<128xi32, #tpu.memory_space<vmem>>) semaphore(%arg14 : memref<!tpu.dma_semaphore, #tpu.memory_space<semaphore_mem>>)
          %dma_wait3A = arith.constant 0 : i32
          %dma_wait3A_31 = tpu.memref_slice %arg9[%scan3A_25, %dma_wait3A] : memref<40x128xi32, #tpu.memory_space<vmem>> -> memref<1x128xi32, #tpu.memory_space<vmem>>
          %dma_wait3A_32 = tpu.memref_squeeze %dma_wait3A_31 : memref<1x128xi32, #tpu.memory_space<vmem>> -> memref<128xi32, #tpu.memory_space<vmem>>
          %dma_wait3A_33 = arith.constant 0 : i32
          %dma_wait3A_34 = arith.constant 0 : i32
          %dma_wait3A_35 = tpu.memref_slice %arg3[%dma_wait3A_33, %dma_wait3A_34] : memref<10112x128xf32, #tpu.memory_space<hbm>> -> memref<10112x128xf32, #tpu.memory_space<hbm>>
          tpu.wait_indirect_dma semaphore(%arg14 : memref<!tpu.dma_semaphore, #tpu.memory_space<semaphore_mem>>) src(%dma_wait3A_35 : memref<10112x128xf32, #tpu.memory_space<hbm>>) dst(%arg11 : memref<128x128xf32, #tpu.memory_space<vmem>>)
          %dma_start3A_36 = arith.constant 0 : i32
          %dma_start3A_37 = tpu.memref_slice %arg10[%scan3A_25, %dma_start3A_36] : memref<40x128xi32, #tpu.memory_space<vmem>> -> memref<1x128xi32, #tpu.memory_space<vmem>>
          %dma_start3A_38 = tpu.memref_squeeze %dma_start3A_37 : memref<1x128xi32, #tpu.memory_space<vmem>> -> memref<128xi32, #tpu.memory_space<vmem>>
          %dma_start3A_39 = arith.constant 0 : i32
          %dma_start3A_40 = arith.constant 0 : i32
          %dma_start3A_41 = tpu.memref_slice %arg3[%dma_start3A_39, %dma_start3A_40] : memref<10112x128xf32, #tpu.memory_space<hbm>> -> memref<10112x128xf32, #tpu.memory_space<hbm>>
          tpu.enqueue_indirect_dma source(%dma_start3A_41 : memref<10112x128xf32, #tpu.memory_space<hbm>>) target(%arg12 : memref<128x128xf32, #tpu.memory_space<vmem>>) offsets(%dma_start3A_38 : memref<128xi32, #tpu.memory_space<vmem>>) semaphore(%arg15 : memref<!tpu.dma_semaphore, #tpu.memory_space<semaphore_mem>>)
          %dma_wait3A_42 = arith.constant 0 : i32
          %dma_wait3A_43 = tpu.memref_slice %arg10[%scan3A_25, %dma_wait3A_42] : memref<40x128xi32, #tpu.memory_space<vmem>> -> memref<1x128xi32, #tpu.memory_space<vmem>>
          %dma_wait3A_44 = tpu.memref_squeeze %dma_wait3A_43 : memref<1x128xi32, #tpu.memory_space<vmem>> -> memref<128xi32, #tpu.memory_space<vmem>>
          %dma_wait3A_45 = arith.constant 0 : i32
          %dma_wait3A_46 = arith.constant 0 : i32
          %dma_wait3A_47 = tpu.memref_slice %arg3[%dma_wait3A_45, %dma_wait3A_46] : memref<10112x128xf32, #tpu.memory_space<hbm>> -> memref<10112x128xf32, #tpu.memory_space<hbm>>
          tpu.wait_indirect_dma semaphore(%arg15 : memref<!tpu.dma_semaphore, #tpu.memory_space<semaphore_mem>>) src(%dma_wait3A_47 : memref<10112x128xf32, #tpu.memory_space<hbm>>) dst(%arg12 : memref<128x128xf32, #tpu.memory_space<vmem>>)
          "tpu.region"() ({
            %run_scoped3A = tpu.sem_alloc : memref<!tpu.dma_semaphore, #tpu.memory_space<semaphore_mem>>
            %dma_start3A_48 = arith.constant 0 : i32
            %dma_start3A_49 = tpu.memref_slice %arg10[%scan3A_25, %dma_start3A_48] : memref<40x128xi32, #tpu.memory_space<vmem>> -> memref<1x128xi32, #tpu.memory_space<vmem>>
            %dma_start3A_50 = tpu.memref_squeeze %dma_start3A_49 : memref<1x128xi32, #tpu.memory_space<vmem>> -> memref<128xi32, #tpu.memory_space<vmem>>
            %dma_start3A_51 = arith.constant 0 : i32
            %dma_start3A_52 = arith.constant 0 : i32
            %dma_start3A_53 = tpu.memref_slice %arg13[%dma_start3A_51, %dma_start3A_52] : memref<10112x128xf32, #tpu.memory_space<vmem_shared>> -> memref<10112x128xf32, #tpu.memory_space<vmem_shared>>
            tpu.enqueue_indirect_dma source(%arg11 : memref<128x128xf32, #tpu.memory_space<vmem>>) target(%dma_start3A_53 : memref<10112x128xf32, #tpu.memory_space<vmem_shared>>) offsets(%dma_start3A_50 : memref<128xi32, #tpu.memory_space<vmem>>) semaphore(%run_scoped3A : memref<!tpu.dma_semaphore, #tpu.memory_space<semaphore_mem>>) {add = true}
            %dma_wait3A_54 = arith.constant 0 : i32
            %dma_wait3A_55 = tpu.memref_slice %arg10[%scan3A_25, %dma_wait3A_54] : memref<40x128xi32, #tpu.memory_space<vmem>> -> memref<1x128xi32, #tpu.memory_space<vmem>>
            %dma_wait3A_56 = tpu.memref_squeeze %dma_wait3A_55 : memref<1x128xi32, #tpu.memory_space<vmem>> -> memref<128xi32, #tpu.memory_space<vmem>>
            %dma_wait3A_57 = arith.constant 0 : i32
            %dma_wait3A_58 = arith.constant 0 : i32
            %dma_wait3A_59 = tpu.memref_slice %arg13[%dma_wait3A_57, %dma_wait3A_58] : memref<10112x128xf32, #tpu.memory_space<vmem_shared>> -> memref<10112x128xf32, #tpu.memory_space<vmem_shared>>
            tpu.wait_indirect_dma semaphore(%run_scoped3A : memref<!tpu.dma_semaphore, #tpu.memory_space<semaphore_mem>>) src(%arg11 : memref<128x128xf32, #tpu.memory_space<vmem>>) dst(%dma_wait3A_59 : memref<10112x128xf32, #tpu.memory_space<vmem_shared>>)
            tpu.yield
          }) : () -> ()
          "tpu.region"() ({
            %run_scoped3A = tpu.sem_alloc : memref<!tpu.dma_semaphore, #tpu.memory_space<semaphore_mem>>
            %dma_start3A_48 = arith.constant 0 : i32
            %dma_start3A_49 = tpu.memref_slice %arg9[%scan3A_25, %dma_start3A_48] : memref<40x128xi32, #tpu.memory_space<vmem>> -> memref<1x128xi32, #tpu.memory_space<vmem>>
            %dma_start3A_50 = tpu.memref_squeeze %dma_start3A_49 : memref<1x128xi32, #tpu.memory_space<vmem>> -> memref<128xi32, #tpu.memory_space<vmem>>
            %dma_start3A_51 = arith.constant 0 : i32
            %dma_start3A_52 = arith.constant 0 : i32
            %dma_start3A_53 = tpu.memref_slice %arg13[%dma_start3A_51, %dma_start3A_52] : memref<10112x128xf32, #tpu.memory_space<vmem_shared>> -> memref<10112x128xf32, #tpu.memory_space<vmem_shared>>
            tpu.enqueue_indirect_dma source(%arg12 : memref<128x128xf32, #tpu.memory_space<vmem>>) target(%dma_start3A_53 : memref<10112x128xf32, #tpu.memory_space<vmem_shared>>) offsets(%dma_start3A_50 : memref<128xi32, #tpu.memory_space<vmem>>) semaphore(%run_scoped3A : memref<!tpu.dma_semaphore, #tpu.memory_space<semaphore_mem>>) {add = true}
            %dma_wait3A_54 = arith.constant 0 : i32
            %dma_wait3A_55 = tpu.memref_slice %arg9[%scan3A_25, %dma_wait3A_54] : memref<40x128xi32, #tpu.memory_space<vmem>> -> memref<1x128xi32, #tpu.memory_space<vmem>>
            %dma_wait3A_56 = tpu.memref_squeeze %dma_wait3A_55 : memref<1x128xi32, #tpu.memory_space<vmem>> -> memref<128xi32, #tpu.memory_space<vmem>>
            %dma_wait3A_57 = arith.constant 0 : i32
            %dma_wait3A_58 = arith.constant 0 : i32
            %dma_wait3A_59 = tpu.memref_slice %arg13[%dma_wait3A_57, %dma_wait3A_58] : memref<10112x128xf32, #tpu.memory_space<vmem_shared>> -> memref<10112x128xf32, #tpu.memory_space<vmem_shared>>
            tpu.wait_indirect_dma semaphore(%run_scoped3A : memref<!tpu.dma_semaphore, #tpu.memory_space<semaphore_mem>>) src(%arg12 : memref<128x128xf32, #tpu.memory_space<vmem>>) dst(%dma_wait3A_59 : memref<10112x128xf32, #tpu.memory_space<vmem_shared>>)
            tpu.yield
          }) : () -> ()
        }
        %scan3A_24 = arith.constant 40 : i32
      }
      %scan3A_14 = arith.constant 4 : i32
      %barrier3A_15 = arith.constant 0 : index
      tpu.barrier barrier_id(%barrier3A_15)
      "tpu.region"() ({
        %run_scoped3A = tpu.sem_alloc : memref<!tpu.dma_semaphore, #tpu.memory_space<semaphore_mem>>
        %dma_start3A = arith.constant 0 : i32
        %dma_start3A_16 = tpu.memref_slice %arg8[%mul3A_0, %dma_start3A] : memref<10112x128xf32, #tpu.memory_space<hbm>> -> memref<632x128xf32, #tpu.memory_space<hbm>>
        %dma_start3A_17 = arith.constant 0 : i32
        %dma_start3A_18 = tpu.memref_slice %arg13[%mul3A_0, %dma_start3A_17] : memref<10112x128xf32, #tpu.memory_space<vmem_shared>> -> memref<632x128xf32, #tpu.memory_space<vmem_shared>>
        tpu.enqueue_dma source(%dma_start3A_18 : memref<632x128xf32, #tpu.memory_space<vmem_shared>>) target(%dma_start3A_16 : memref<632x128xf32, #tpu.memory_space<hbm>>) target_semaphore(%run_scoped3A : memref<!tpu.dma_semaphore, #tpu.memory_space<semaphore_mem>>)
        %dma_wait3A = arith.constant 0 : i32
        %dma_wait3A_19 = tpu.memref_slice %arg8[%mul3A_0, %dma_wait3A] : memref<10112x128xf32, #tpu.memory_space<hbm>> -> memref<632x128xf32, #tpu.memory_space<hbm>>
        %dma_wait3A_20 = arith.constant 0 : i32
        %dma_wait3A_21 = tpu.memref_slice %arg13[%mul3A_0, %dma_wait3A_20] : memref<10112x128xf32, #tpu.memory_space<vmem_shared>> -> memref<632x128xf32, #tpu.memory_space<vmem_shared>>
        tpu.wait_dma2 semaphore(%run_scoped3A : memref<!tpu.dma_semaphore, #tpu.memory_space<semaphore_mem>>) src(%dma_wait3A_21 : memref<632x128xf32, #tpu.memory_space<vmem_shared>>) dst(%dma_wait3A_19 : memref<632x128xf32, #tpu.memory_space<hbm>>)
        tpu.yield
      }) : () -> ()
    } else {
    }
    return
  }
}

module attributes {stable_mosaic.version = 14 : i64} {
  func.func @_vq_body(%arg0: i32, %arg1: memref<256x256xf32, #tpu.memory_space<vmem>>, %arg2: memref<256x4096xf32, #tpu.memory_space<vmem>>, %arg3: memref<1x4096xf32, #tpu.memory_space<vmem>>, %arg4: memref<4096x256xf32, #tpu.memory_space<vmem>>, %arg5: memref<4096x128xf32, #tpu.memory_space<vmem>>, %arg6: memref<1x128xf32, #tpu.memory_space<vmem>>, %arg7: memref<256x4096xf32, #tpu.memory_space<vmem>>, %arg8: memref<256x256xf32, #tpu.memory_space<vmem>>, %arg9: memref<256x128xf32, #tpu.memory_space<vmem>>, %arg10: memref<1x4096xf32, #tpu.memory_space<vmem>>, %arg11: memref<1x1xf32, #tpu.memory_space<vmem>>) attributes {dimension_semantics = [#tpu.dimension_semantics<arbitrary>], iteration_bounds = array<i64: 16>, scalar_prefetch = 0 : i64, scratch_operands = 0 : i64, tpu.core_type = #tpu.core_type<tc>, window_params = [{transform_indices = @transform_0, window_bounds = array<i64: 256, 256>}, {pipeline_mode = #tpu.pipeline_mode<synchronous>, transform_indices = @transform_1, window_bounds = array<i64: 256, 4096>}, {pipeline_mode = #tpu.pipeline_mode<synchronous>, transform_indices = @transform_2, window_bounds = array<i64: 1, 4096>}, {pipeline_mode = #tpu.pipeline_mode<synchronous>, transform_indices = @transform_3, window_bounds = array<i64: 4096, 256>}, {pipeline_mode = #tpu.pipeline_mode<synchronous>, transform_indices = @transform_4, window_bounds = array<i64: 4096, 128>}, {pipeline_mode = #tpu.pipeline_mode<synchronous>, transform_indices = @transform_5, window_bounds = array<i64: 1, 128>}, {transform_indices = @transform_6, window_bounds = array<i64: 256, 4096>}, {transform_indices = @transform_7, window_bounds = array<i64: 256, 256>}, {transform_indices = @transform_8, window_bounds = array<i64: 256, 128>}, {pipeline_mode = #tpu.pipeline_mode<synchronous>, transform_indices = @transform_9, window_bounds = array<i64: 1, 4096>}, {pipeline_mode = #tpu.pipeline_mode<synchronous>, transform_indices = @transform_10, window_bounds = array<i64: 1, 1>}]} {
    %get3A = arith.constant 0 : index
    %get3A_0 = arith.constant 0 : index
    %get3A_1 = vector.load %arg1[%get3A, %get3A_0] : memref<256x256xf32, #tpu.memory_space<vmem>>, vector<256x256xf32>
    %get3A_2 = arith.constant 0 : index
    %get3A_3 = arith.constant 0 : index
    %get3A_4 = vector.load %arg2[%get3A_2, %get3A_3] : memref<256x4096xf32, #tpu.memory_space<vmem>>, vector<256x4096xf32>
    %dot_general3A = arith.constant dense<0.000000e+00> : vector<256x4096xf32>
    %dot_general3A_5 = tpu.matmul %get3A_1, %get3A_4, %dot_general3A {dimension_numbers = #tpu.dot_dimension_numbers<[1], [0], [0], [1], [0, 0, 1, 1], [], []>, transpose_lhs_hint = false} : vector<256x256xf32>, vector<256x4096xf32>, vector<256x4096xf32> -> vector<256x4096xf32>
    %get3A_6 = arith.constant 0 : index
    %get3A_7 = arith.constant 0 : index
    %get3A_8 = vector.load %arg3[%get3A_6, %get3A_7] : memref<1x4096xf32, #tpu.memory_space<vmem>>, vector<1x4096xf32>
    %add3A = vector.broadcast %get3A_8 : vector<1x4096xf32> to vector<256x4096xf32>
    %add3A_9 = arith.addf %dot_general3A_5, %add3A : vector<256x4096xf32>
    %swap3A = arith.constant 0 : index
    %swap3A_10 = arith.constant 0 : index
    %swap3A_11 = vector.load %arg7[%swap3A, %swap3A_10] : memref<256x4096xf32, #tpu.memory_space<vmem>>, vector<256x4096xf32>
    tpu.vector_store %arg7[%swap3A, %swap3A_10], %add3A_9 {strides = array<i32>} : memref<256x4096xf32, #tpu.memory_space<vmem>>, vector<256x4096xf32>,
    %reduce_max3A = arith.constant dense<0xFF800000> : vector<256xf32>
    %reduce_max3A_12 = vector.multi_reduction <maximumf>, %add3A_9, %reduce_max3A [1] : vector<256x4096xf32> to vector<256xf32>
    %broadcast_in_dim3A = vector.shape_cast %reduce_max3A_12 : vector<256xf32> to vector<256x1xf32>
    %sub3A = vector.broadcast %broadcast_in_dim3A : vector<256x1xf32> to vector<256x4096xf32>
    %sub3A_13 = arith.subf %add3A_9, %sub3A : vector<256x4096xf32>
    %exp3A = math.exp %sub3A_13 : vector<256x4096xf32>
    %reduce_sum3A = arith.constant dense<0.000000e+00> : vector<256xf32>
    %reduce_sum3A_14 = vector.multi_reduction <add>, %exp3A, %reduce_sum3A [1] : vector<256x4096xf32> to vector<256xf32>
    %broadcast_in_dim3A_15 = vector.shape_cast %reduce_sum3A_14 : vector<256xf32> to vector<256x1xf32>
    %div3A = vector.broadcast %broadcast_in_dim3A_15 : vector<256x1xf32> to vector<256x4096xf32>
    %div3A_16 = arith.divf %exp3A, %div3A : vector<256x4096xf32>
    %get3A_17 = arith.constant 0 : index
    %get3A_18 = arith.constant 0 : index
    %get3A_19 = vector.load %arg4[%get3A_17, %get3A_18] : memref<4096x256xf32, #tpu.memory_space<vmem>>, vector<4096x256xf32>
    %dot_general3A_20 = arith.constant dense<0.000000e+00> : vector<256x256xf32>
    %dot_general3A_21 = tpu.matmul %div3A_16, %get3A_19, %dot_general3A_20 {dimension_numbers = #tpu.dot_dimension_numbers<[1], [0], [0], [1], [0, 0, 1, 1], [], []>, transpose_lhs_hint = false} : vector<256x4096xf32>, vector<4096x256xf32>, vector<256x256xf32> -> vector<256x256xf32>
    %swap3A_22 = arith.constant 0 : index
    %swap3A_23 = arith.constant 0 : index
    %swap3A_24 = vector.load %arg8[%swap3A_22, %swap3A_23] : memref<256x256xf32, #tpu.memory_space<vmem>>, vector<256x256xf32>
    tpu.vector_store %arg8[%swap3A_22, %swap3A_23], %dot_general3A_21 {strides = array<i32>} : memref<256x256xf32, #tpu.memory_space<vmem>>, vector<256x256xf32>,
    %get3A_25 = arith.constant 0 : index
    %get3A_26 = arith.constant 0 : index
    %get3A_27 = vector.load %arg5[%get3A_25, %get3A_26] : memref<4096x128xf32, #tpu.memory_space<vmem>>, vector<4096x128xf32>
    %dot_general3A_28 = arith.constant dense<0.000000e+00> : vector<256x128xf32>
    %dot_general3A_29 = tpu.matmul %add3A_9, %get3A_27, %dot_general3A_28 {dimension_numbers = #tpu.dot_dimension_numbers<[1], [0], [0], [1], [0, 0, 1, 1], [], []>, transpose_lhs_hint = false} : vector<256x4096xf32>, vector<4096x128xf32>, vector<256x128xf32> -> vector<256x128xf32>
    %get3A_30 = arith.constant 0 : index
    %get3A_31 = arith.constant 0 : index
    %get3A_32 = vector.load %arg6[%get3A_30, %get3A_31] : memref<1x128xf32, #tpu.memory_space<vmem>>, vector<1x128xf32>
    %add3A_33 = vector.broadcast %get3A_32 : vector<1x128xf32> to vector<256x128xf32>
    %add3A_34 = arith.addf %dot_general3A_29, %add3A_33 : vector<256x128xf32>
    %swap3A_35 = arith.constant 0 : index
    %swap3A_36 = arith.constant 0 : index
    %swap3A_37 = vector.load %arg9[%swap3A_35, %swap3A_36] : memref<256x128xf32, #tpu.memory_space<vmem>>, vector<256x128xf32>
    tpu.vector_store %arg9[%swap3A_35, %swap3A_36], %add3A_34 {strides = array<i32>} : memref<256x128xf32, #tpu.memory_space<vmem>>, vector<256x128xf32>,
    %reduce_sum3A_38 = arith.constant dense<0.000000e+00> : vector<4096xf32>
    %reduce_sum3A_39 = vector.multi_reduction <add>, %div3A_16, %reduce_sum3A_38 [0] : vector<256x4096xf32> to vector<4096xf32>
    %broadcast_in_dim3A_40 = vector.shape_cast %reduce_sum3A_39 : vector<4096xf32> to vector<1x4096xf32>
    %mul3A = arith.constant 4.096000e+03 : f32
    %mul3A_41 = vector.broadcast %mul3A : f32 to vector<256x4096xf32>
    %mul3A_42 = arith.mulf %div3A_16, %mul3A_41 : vector<256x4096xf32>
    %add3A_43 = arith.constant 1.000000e-10 : f32
    %add3A_44 = vector.broadcast %add3A_43 : f32 to vector<256x4096xf32>
    %add3A_45 = arith.addf %mul3A_42, %add3A_44 : vector<256x4096xf32>
    %log3A = math.log %add3A_45 : vector<256x4096xf32>
    %mul3A_46 = arith.mulf %div3A_16, %log3A : vector<256x4096xf32>
    %reduce_sum3A_47 = vector.shape_cast %mul3A_46 : vector<256x4096xf32> to vector<1x256x4096xf32>
    %reduce_sum3A_48 = arith.constant dense<0.000000e+00> : vector<1xf32>
    %reduce_sum3A_49 = vector.multi_reduction <add>, %reduce_sum3A_47, %reduce_sum3A_48 [1, 2] : vector<1x256x4096xf32> to vector<1xf32>
    %reduce_sum3A_50 = vector.shape_cast %reduce_sum3A_49 : vector<1xf32> to vector<1x1x1xf32>
    %reduce_sum3A_51 = vector.extract %reduce_sum3A_50[0, 0, 0] : f32 from vector<1x1x1xf32>
    %eq3A = arith.constant 0 : i32
    %eq3A_52 = arith.cmpi eq, %arg0, %eq3A : i32
    %convert_element_type3A = arith.extui %eq3A_52 : i1 to i32
    %cond3A = arith.constant 0 : i32
    %cond3A_53 = arith.cmpi ne, %convert_element_type3A, %cond3A : i32
    scf.if %cond3A_53 {
      %swap3A_58 = arith.constant 0 : index
      %swap3A_59 = arith.constant 0 : index
      %swap3A_60 = vector.load %arg10[%swap3A_58, %swap3A_59] : memref<1x4096xf32, #tpu.memory_space<vmem>>, vector<1x4096xf32>
      tpu.vector_store %arg10[%swap3A_58, %swap3A_59], %broadcast_in_dim3A_40 {strides = array<i32>} : memref<1x4096xf32, #tpu.memory_space<vmem>>, vector<1x4096xf32>,
      %broadcast_in_dim3A_61 = vector.broadcast %reduce_sum3A_51 : f32 to vector<1x1xf32>
      %swap3A_62 = arith.constant 0 : index
      %swap3A_63 = arith.constant 0 : index
      %swap3A_64 = vector.load %arg11[%swap3A_62, %swap3A_63] : memref<1x1xf32, #tpu.memory_space<vmem>>, vector<1x1xf32>
      tpu.vector_store %arg11[%swap3A_62, %swap3A_63], %broadcast_in_dim3A_61 {strides = array<i32>} : memref<1x1xf32, #tpu.memory_space<vmem>>, vector<1x1xf32>,
    } else {
    }
    %gt3A = arith.constant 0 : i32
    %gt3A_54 = arith.cmpi sgt, %arg0, %gt3A : i32
    %convert_element_type3A_55 = arith.extui %gt3A_54 : i1 to i32
    %cond3A_56 = arith.constant 0 : i32
    %cond3A_57 = arith.cmpi ne, %convert_element_type3A_55, %cond3A_56 : i32
    scf.if %cond3A_57 {
      %get3A_58 = arith.constant 0 : index
      %get3A_59 = arith.constant 0 : index
      %get3A_60 = vector.load %arg10[%get3A_58, %get3A_59] : memref<1x4096xf32, #tpu.memory_space<vmem>>, vector<1x4096xf32>
      %add3A_61 = arith.addf %get3A_60, %broadcast_in_dim3A_40 : vector<1x4096xf32>
      %swap3A_62 = arith.constant 0 : index
      %swap3A_63 = arith.constant 0 : index
      %swap3A_64 = vector.load %arg10[%swap3A_62, %swap3A_63] : memref<1x4096xf32, #tpu.memory_space<vmem>>, vector<1x4096xf32>
      tpu.vector_store %arg10[%swap3A_62, %swap3A_63], %add3A_61 {strides = array<i32>} : memref<1x4096xf32, #tpu.memory_space<vmem>>, vector<1x4096xf32>,
      %get3A_65 = arith.constant 0 : index
      %get3A_66 = arith.constant 0 : index
      %get3A_67 = vector.load %arg11[%get3A_65, %get3A_66] : memref<1x1xf32, #tpu.memory_space<vmem>>, vector<1x1xf32>
      %broadcast_in_dim3A_68 = vector.broadcast %reduce_sum3A_51 : f32 to vector<1x1xf32>
      %add3A_69 = arith.addf %get3A_67, %broadcast_in_dim3A_68 : vector<1x1xf32>
      %swap3A_70 = arith.constant 0 : index
      %swap3A_71 = arith.constant 0 : index
      %swap3A_72 = vector.load %arg11[%swap3A_70, %swap3A_71] : memref<1x1xf32, #tpu.memory_space<vmem>>, vector<1x1xf32>
      tpu.vector_store %arg11[%swap3A_70, %swap3A_71], %add3A_69 {strides = array<i32>} : memref<1x1xf32, #tpu.memory_space<vmem>>, vector<1x1xf32>,
    } else {
    }
    return
  }
  func.func @transform_0(%arg0: i32) -> (i32, i32) {
    %c0_i32 = arith.constant 0 : i32
    %c0_i32_0 = arith.constant 0 : i32
    return %arg0, %c0_i32 : i32, i32
  }
  func.func @transform_1(%arg0: i32) -> (i32, i32) {
    %c0_i32 = arith.constant 0 : i32
    %c0_i32_0 = arith.constant 0 : i32
    %c0_i32_1 = arith.constant 0 : i32
    return %c0_i32, %c0_i32_0 : i32, i32
  }
  func.func @transform_2(%arg0: i32) -> (i32, i32) {
    %c0_i32 = arith.constant 0 : i32
    %c0_i32_0 = arith.constant 0 : i32
    %c0_i32_1 = arith.constant 0 : i32
    return %c0_i32, %c0_i32_0 : i32, i32
  }
  func.func @transform_3(%arg0: i32) -> (i32, i32) {
    %c0_i32 = arith.constant 0 : i32
    %c0_i32_0 = arith.constant 0 : i32
    %c0_i32_1 = arith.constant 0 : i32
    return %c0_i32, %c0_i32_0 : i32, i32
  }
  func.func @transform_4(%arg0: i32) -> (i32, i32) {
    %c0_i32 = arith.constant 0 : i32
    %c0_i32_0 = arith.constant 0 : i32
    %c0_i32_1 = arith.constant 0 : i32
    return %c0_i32, %c0_i32_0 : i32, i32
  }
  func.func @transform_5(%arg0: i32) -> (i32, i32) {
    %c0_i32 = arith.constant 0 : i32
    %c0_i32_0 = arith.constant 0 : i32
    %c0_i32_1 = arith.constant 0 : i32
    return %c0_i32, %c0_i32_0 : i32, i32
  }
  func.func @transform_6(%arg0: i32) -> (i32, i32) {
    %c0_i32 = arith.constant 0 : i32
    %c0_i32_0 = arith.constant 0 : i32
    return %arg0, %c0_i32 : i32, i32
  }
  func.func @transform_7(%arg0: i32) -> (i32, i32) {
    %c0_i32 = arith.constant 0 : i32
    %c0_i32_0 = arith.constant 0 : i32
    return %arg0, %c0_i32 : i32, i32
  }
  func.func @transform_8(%arg0: i32) -> (i32, i32) {
    %c0_i32 = arith.constant 0 : i32
    %c0_i32_0 = arith.constant 0 : i32
    return %arg0, %c0_i32 : i32, i32
  }
  func.func @transform_9(%arg0: i32) -> (i32, i32) {
    %c0_i32 = arith.constant 0 : i32
    %c0_i32_0 = arith.constant 0 : i32
    %c0_i32_1 = arith.constant 0 : i32
    return %c0_i32, %c0_i32_0 : i32, i32
  }
  func.func @transform_10(%arg0: i32) -> (i32, i32) {
    %c0_i32 = arith.constant 0 : i32
    %c0_i32_0 = arith.constant 0 : i32
    %c0_i32_1 = arith.constant 0 : i32
    return %c0_i32, %c0_i32_0 : i32, i32
  }
}

</mosaic_0001>

<sc_bundles>
// kernel: kernel.12.cloned.1.call-start
scs
__scs_entry_jumppad:
0x0: {  	(pc) =	sbr.rel $0x88, $3  }
0x1: {  	(tag) =	ssettag $0x0;
	lr =	simm.s32 $0x1  }
0x2: {  	[smem:$0x3F83] =	sst lr;
	_ =	strace $0xD0000000  }
0x3: {  	_ = 	snop  }
0x4: {  	_ = 	snop  }
0x5: {  	_ = 	snop  }
0x6: {  	_ = 	snop  }
0x7: {  	_ = 	snop  }
__scs_overlays_trampoline_lowered:
0x8: {  	[smem:$0x3F92] =	sst s0  }
0x9: {  	[smem:$0x3F93] =	sst s1  }
0xa: {  	[smem:$0x3F94] =	sst s2  }
0xb: {  	[smem:$0x3F95] =	sst s3  }
0xc: {  	[smem:$0x3F96] =	sst s4  }
0xd: {  	[smem:$0x3F97] =	sst s5  }
0xe: {  	[smem:$0x3F98] =	sst s6  }
0xf: {  	[smem:$0x3F99] =	sst s7  }
0x10: {  	[smem:$0x3F9A] =	sst s8  }
0x11: {  	[smem:$0x3F9B] =	sst s9;
	s0 =	simm.s32 @!p0 $0x0  }
0x12: {  	s1 =	sld [smem:$0x3F81];
	s0 =	simm.s32 @p0 $0x1  }
0x13: {  	[smem:$0x3F9C] =	sst s0;
	s0 =	simm.s32 @!p1 $0x0  }
0x14: {  	s2 =	sld [smem:$0x3F80];
	s0 =	simm.s32 @p1 $0x1  }
0x15: {  	[smem:$0x3F9D] =	sst s0;
	s0 =	simm.s32 @!p2 $0x0  }
0x16: {  	s3 =	sld [smem:$0x3FDB];
	s0 =	simm.s32 @p2 $0x1  }
0x17: {  	s4 =	simm.s32 $0x1BF5;
	[smem:$0x3F9F] =	sst s0  }
0x18: {  	s0 =	sld [smem:$0x3F82];
	_ =	swait.ge [sflag:s4], $0x0  }
0x19: {  	s7 =	sld [smem:$0x3F83]  }
0x1a: {  	s8 =	sadd.s32 $0xFFFFE003, lr  }
0x1b: {  	s9 =	sadd.s32 $0xFFFFFEF7, lr;
	s5 =	simm.s32 $0xFFFFFFFF;
	p2 =	slt.u32 s8, $0xFFFFF086  }
0x1c: {  	p1 =	slt.u32 s9, $0xF7A;
	s5 =	simm.s32 @!p2 $0x0  }
0x1d: {  	s5 =	simm.s32 @p1 $0x1;
	p0 =	seq.s32 s7, s2  }
0x1e: {  	s7 =	smul.u32 @!p0 $0xF7A, s2;
	p2 =	seq.s32 @!p0 s5, $0x0  }
0x1f: {  	s9 =	smul.u32 $0xF7A, s1;
	s8 =	simm.s32 @!p0 $0x1BF5;
	p2 =	por !p2, p0  }
0x20: {  	[sflag:s8] =	ssyncset.s32 @!p0 $0xFFFFF086;
	s6 =	sadd.s32 @!p0 s3, s7;
	s7 =	simm.s32 @!p0 $0x108  }
0x21: {  	s3 =	sadd.s32 s3, s9;
	s6 =	sadd.s32 @!p0 $0x88, s6;
	s7 =	simm.s32 @p2 $0x1082  }
0x22: {  	[simem:s7], [sflag:s8] =	dma.local @!p0 [hbm:s6], $0xF7A  }
0x23: {  	s9 =	sor.u32 $0xD0000000, s2;
	s6 =	simm.s32 $0x108;
	_ =	swait.ge @!p0 [sflag:s8], $0x0  }
0x24: {  	s3 =	sadd.s32 $0x88, s3;
	s6 =	simm.s32 @!p1 $0x1082;
	[sflag:s4] =	ssyncset.s32 $0xFFFFF086  }
0x25: {  	[simem:s6], [sflag:s4] =	dma.local [hbm:s3], $0xF7A  }
0x26: {  	[smem:$0x3F83] =	sst s1;
	(tag) =	ssettag s2;
	_ =	strace s9  }
0x27: {  	s1 =	sld [smem:$0x3F93]  }
0x28: {  	s2 =	sld [smem:$0x3F94]  }
0x29: {  	s4 =	sld [smem:$0x3F96]  }
0x2a: {  	p0 =	seq.s32 s5, $0x0;
	s5 =	sld [smem:$0x3F97]  }
0x2b: {  	s6 =	sld [smem:$0x3F98]  }
0x2c: {  	s7 =	sld [smem:$0x3F99]  }
0x2d: {  	s3 =	simm.s32 $0x108;
	s8 =	sld [smem:$0x3F9A]  }
0x2e: {  	s3 =	simm.s32 @!p0 $0x1082;
	s9 =	sld [smem:$0x3F9B]  }
0x2f: {  	lr =	sadd.s32 s0, s3;
	s0 =	sld [smem:$0x3F92]  }
0x30: {  	s3 =	sld [smem:$0x3F95]  }
0x31: {  	[smem:$0x3F9E] =	sst s10  }
0x32: {  	s10 =	sld [smem:$0x3F9C];
	_ =	sdelay $0x3  }
0x33: {  	p0 =	seq.s32 s10, $0x1;
	s10 =	sld [smem:$0x3F9E];
	_ =	sdelay $0x3  }
0x34: {  	[smem:$0x3F9E] =	sst s10  }
0x35: {  	s10 =	sld [smem:$0x3F9D];
	_ =	sdelay $0x3  }
0x36: {  	p1 =	seq.s32 s10, $0x1;
	s10 =	sld [smem:$0x3F9E];
	_ =	sdelay $0x3  }
0x37: {  	[smem:$0x3F9E] =	sst s10  }
0x38: {  	s10 =	sld [smem:$0x3F9F]  }
0x39: {  	_ = 	snop;
	(pc) =	sbr.ind lr, $3  }
0x3a: {  	_ = 	snop  }
0x3b: {  	_ = 	snop  }
0x3c: {  	p2 =	seq.s32 s10, $0x1;
	s10 =	sld [smem:$0x3F9E]  }
0x3d: {  	_ =	shalt  }
0x3e: {  	_ =	shalt  }
0x3f: {  	_ =	shalt  }
0x40: {  	_ =	shalt  }
0x41: {  	_ =	shalt  }
0x42: {  	_ =	shalt  }
0x43: {  	_ =	shalt  }
0x44: {  	_ =	shalt  }
0x45: {  	_ =	shalt  }
0x46: {  	_ =	shalt  }
0x47: {  	_ =	shalt  }
0x48: {  	_ =	shalt  }
0x49: {  	_ =	shalt  }
0x4a: {  	_ =	shalt  }
0x4b: {  	_ =	shalt  }
0x4c: {  	_ =	shalt  }
0x4d: {  	_ =	shalt  }
0x4e: {  	_ =	shalt  }
0x4f: {  	_ =	shalt  }
0x50: {  	_ =	shalt  }
0x51: {  	_ =	shalt  }
0x52: {  	_ =	shalt  }
0x53: {  	_ =	shalt  }
0x54: {  	_ =	shalt  }
0x55: {  	_ =	shalt  }
0x56: {  	_ =	shalt  }
0x57: {  	_ =	shalt  }
0x58: {  	_ =	shalt  }
0x59: {  	_ =	shalt  }
0x5a: {  	_ =	shalt  }
0x5b: {  	_ =	shalt  }
0x5c: {  	_ =	shalt  }
0x5d: {  	_ =	shalt  }
0x5e: {  	_ =	shalt  }
0x5f: {  	_ =	shalt  }
0x60: {  	_ =	shalt  }
0x61: {  	_ =	shalt  }
0x62: {  	_ =	shalt  }
0x63: {  	_ =	shalt  }
0x64: {  	_ =	shalt  }
0x65: {  	_ =	shalt  }
0x66: {  	_ =	shalt  }
0x67: {  	_ =	shalt  }
0x68: {  	_ =	shalt  }
0x69: {  	_ =	shalt  }
0x6a: {  	_ =	shalt  }
0x6b: {  	_ =	shalt  }
0x6c: {  	_ =	shalt  }
0x6d: {  	_ =	shalt  }
0x6e: {  	_ =	shalt  }
0x6f: {  	_ =	shalt  }
0x70: {  	_ =	shalt  }
0x71: {  	_ =	shalt  }
0x72: {  	_ =	shalt  }
0x73: {  	_ =	shalt  }
0x74: {  	_ =	shalt  }
0x75: {  	_ =	shalt  }
0x76: {  	_ =	shalt  }
0x77: {  	_ =	shalt  }
0x78: {  	_ =	shalt  }
0x79: {  	_ =	shalt  }
0x7a: {  	_ =	shalt  }
0x7b: {  	_ =	shalt  }
0x7c: {  	_ =	shalt  }
0x7d: {  	_ =	shalt  }
0x7e: {  	_ =	shalt  }
0x7f: {  	_ =	shalt  }
0x80: {  	_ =	shalt  }
0x81: {  	_ =	shalt  }
0x82: {  	_ =	shalt  }
0x83: {  	_ =	shalt  }
0x84: {  	_ =	shalt  }
0x85: {  	_ =	shalt  }
0x86: {  	_ =	shalt  }
0x87: {  	_ =	shalt  }
.Lfunc_end0:
.L_simem_size_0:
called_computation.4_lowered:
.L_overlay_start_0:
0x88: {  	s2 =	sld [smem:$0x3FD9]  }
0x89: {  	s3 =	sld [smem:$0x3FFE];
	_ =	sdelay $0x1  }
0x8a: {  	s1 =	srdreg.scid  }
0x8b: {  	s0 =	sand.u32 $0x1, s1  }
0x8c: {  	s14 =	sshll.u32 s0, $0xA;
	s2 =	sadd.s32 s3, s2  }
0x8d: {  	s2 =	sadd.s32 s2, s14  }
0x8e: {  	[smem:$0x3FAA] =	sst s2  }
0x8f: {  	_ = 	snop  }
0x90: {  	s2 =	sld [smem:$0x3FD0];
	_ =	sdelay $0x2  }
0x91: {  	s15 =	simm.s32 $0xB;
	s4 =	simm.s32 $0x10  }
0x92: {  	[smem:s4], [sflag:s15] =	dma.local [hbm:s2], $0x1  }
0x93: {  	_ =	swait.eq [sflag:s15], $0x1  }
0x94: {  	[sflag:s15] =	ssyncset.done $0x0  }
0x95: {  	s16 =	sld [smem:$0x13];
	[sflag:s15] =	ssyncadd.s32 $0xFFFFFFFF  }
0x96: {  	s17 =	sld [smem:$0x15];
	(tm) =	ssettm $0x1  }
0x97: {  	s18 =	sld [smem:$0x3FFB];
	_ =	sdelay $0x3  }
0x98: {  	_ =	strace s18  }
0x99: {  	s4 =	sld [smem:$0x3FFC];
	_ =	sdelay $0x3  }
0x9a: {  	_ =	strace s4  }
0x9b: {  	s4 =	sld [smem:$0x3FFD];
	_ =	sdelay $0x3  }
0x9c: {  	_ =	strace s4  }
0x9d: {  	_ =	strace $0x8FFFFFFF  }
0x9e: {  	s19 =	sld [smem:$0x3FDB];
	_ =	sdelay $0x1  }
0x9f: {  	s5 =	simm.s32 $_scs_section_size  }
0xa0: {  	s6 =	simm.s32 $_size__tile_overlayer_lowered;
	s7 =	simm.s32 $_tile_overlayer_lowered  }
0xa1: {  	s22 =	simm.s32 $0x1BFF;
	s21 =	sshll.u32 s7, $0x1;
	s4 =	sadd.s32 s5, s19  }
0xa2: {  	s8 =	simm.s32 $0x0;
	s20 =	sshll.u32 s6, $0x1;
	s6 =	sadd.s32 s21, s4  }
0xa3: {  	[timem:s8], [sflag:s22] =	dma.local [hbm:s6], s20  }
0xa4: {  	_ =	swait.ge [sflag:s22], s20  }
0xa5: {  	s5 =	ssub.s32 $0x0, s20;
	[sflag:s22] =	ssyncset.done $0x0  }
0xa6: {  	[sflag:s22] =	ssyncadd.s32 s5;
	_ =	sdelay $0x1  }
0xa7: {  	s23 =	simm.s32 $0x1B8B  }
0xa8: {  	_ =	swait.ge [sflag:s23], $0x1  }
0xa9: {  	[sflag:s23] =	ssyncset.done $0x0  }
0xaa: {  	s25 =	simm.s32 $0x1B8E;
	s24 =	sld [smem:$0x3FFE];
	[sflag:s23] =	ssyncadd.s32 $0xFFFFFFFF  }
0xab: {  	s26 =	simm.s32 $execute0_lowered;
	[smem:$0x3FD2] =	sst s25  }
0xac: {  	s6 =	sshll.u32 s26, $0x1;
	_ =	strace $0x8000004F;
	[dreg:$0x1] =	wrdreg $0xFFFFFFFF  }
0xad: {  	s28 =	simm.s32 $_size_execute0_lowered;
	s4 =	sadd.s32 s4, s6;
	[dreg:$0x0] =	wrdreg $0x0  }
0xae: {  	s6 =	sshll.u32 s28, $0x1;
	[dreg:$0x2] =	wrdreg s4  }
0xaf: {  	[dreg:$0x3] =	wrdreg s6  }
0xb0: {  	[dreg:$0x4] =	wrdreg $0xC0  }
0xb1: {  	_ =	task [dreg:s8], $0x5FFFF  }
0xb2: {  	[dreg:$0x1] =	wrdreg $0xFFFFFFFF  }
0xb3: {  	[dreg:$0x0] =	wrdreg $0x60  }
0xb4: {  	[dreg:$0x2] =	wrdreg s24  }
0xb5: {  	[dreg:$0x3] =	wrdreg s17  }
0xb6: {  	[dreg:$0x4] =	wrdreg s16  }
0xb7: {  	[dreg:$0x5] =	wrdreg $0xA8000  }
0xb8: {  	[dreg:$0x6] =	wrdreg $0xA  }
0xb9: {  	_ =	task.clear_ibuf [dreg:s8], $0x7FFFF;
	_ =	strace $0x9000004F  }
0xba: {  	s29 =	simm.s32 $0xA;
	_ =	strace $0x80000051  }
0xbb: {  	_ =	swait.ge [sflag:s29], $0x1  }
0xbc: {  	[sflag:s29] =	ssyncadd.s32 $0xFFFFFFFF  }
0xbd: {  	_ =	strace $0x90000051  }
0xbe: {  	_ =	sfence  }
0xbf: {  	s30 =	sld [smem:$0x0];
	_ =	sdelay $0x2  }
0xc0: {  	s31 =	sshll.u32 s1, $0xD;
	s1 =	sshrl.u32 s1, $0x2  }
0xc1: {  	s3 =	sand.u32 $0x4000, s31;
	s1 =	sadd.s32 s1, s30  }
0xc2: {  	s0 =	sor.u32 s3, s0;
	s1 =	sshll.u32 s1, $0x11  }
0xc3: {  	s0 =	sor.u32 s1, s0  }
0xc4: {  	s0 =	sadd.s32 $0x8F2B, s0  }
0xc5: {  	[sflag:s0] =	ssyncadd.remote.s32 $0x1  }
0xc6: {  	_ =	sfence.sel $0xFFFF  }
0xc7: {  	[dreg:$0x0] =	wrdreg $0xFFFFFFFF;
	(pc) =	sbr.abs _section_cstart, $3  }
0xc8: {  	[dreg:$0x1] =	wrdreg $0xFFFFFFFF  }
0xc9: {  	_ =	task.clear_ibuf [dreg:s8], $0x2FFFF;
	_ =	strace $0x9FFFFFFF  }
0xca: {  	(tm) =	ssettm $0x7FFFFFFF  }
0xcb: {  	_ =	shalt  }
tec
execute0_lowered:
.L_overlay_start_1:
0x0: {  	(tag) =	ssettag $0x1  }
0x1: {  	s12 =	rddreg [dreg:$0x0]  }
0x2: {  	s1 =	rddreg [dreg:$0x1]  }
0x3: {  	s2 =	rddreg [dreg:$0x2]  }
0x4: {  	s3 =	rddreg [dreg:$0x3]  }
0x5: {  	s0 =	rddreg [dreg:$0x4];
	s4 =	simm.s32 $0x0;
	s7 =	srdreg.scid  }
0x6: {  	s5 =	stileid.u32;
	s16 =	simm.s32 $0x3;
	s17 =	simm.s32 $0x1400  }
0x7: {  	s18 =	simm.s32 $0x80;
	s19 =	simm.s32 $0x2800;
	s20 =	simm.s32 $0x1  }
0x8: {  	s21 =	simm.s32 $0x6800;
	s22 =	simm.s32 $0x2;
	[smem:$0x7FF] =	sst s4  }
0x9: {  	s6 =	sadd.s32 $0x27800, s12;
	s13 =	sand.u32 $0x1, s7;
	s7 =	sadd.s32 $0x4F000, s12  }
0xa: {  	s11 =	smul.u32 $0x4F000, s5;
	s8 =	sadd.s32 $0x9E000, s12;
	s9 =	sadd.s32 $0x76800, s12  }
.Ltmp0:
0xb: {  	s31 =	sshll.u32 s5, $0x6;
	s10 =	ssub.s32 $0x2, s13;
	(pc) =	sbr.rel .LBB2_1-.Ltmp0, $4  }
0xc: {  	_ =	strace $0x80000050;
	p0 =	seq.s32 s13, $0x1;
	s14 =	sshrl.u32 s10, $0x1  }
0xd: {  	s15 =	sshrl.u32 s11, $0x2;
	s14 =	ssub.s32 s10, s14;
	s10 =	smul.u32 $0x2780, s5  }
0xe: {  	s11 =	smul.u32 $0xA0, s5;
	s15 =	sadd.s32 s15, s3;
	s13 =	smax.u32 s14, $0x1  }
0xf: {  	s14 =	sor.u32 $0x1C03, s31;
	s15 =	sshrl.u32 s15, $0x3;
	s12 =	sadd.s32 s12, s10  }
.LBB2_10:
0x10: {  	s4 =	sadd.s32 $0x1, s4  }
0x11: {  	p1 =	sne.s32 s4, s13  }
.Ltmp1:
0x12: {  	s23 =	sadd.s32 s23, s10;
	[bflag:$0x0] =	sbarrier.arrive $0xFFFF;
	(pc) =	sbr.rel @!p1 .LBB2_11-.Ltmp1, $4  }
0x13: {  	[hbm:s23], [sflag:s14] =	dma.local [spmem:s15], $0x2780  }
0x14: {  	_ =	swait.ge [sflag:s16], $0x2780  }
0x15: {  	[sflag:s16] =	ssyncset.done $0x0  }
0x16: {  	[sflag:s16] =	ssyncadd.s32 $0xFFFFD880  }
.LBB2_1:
0x17: {  	[spmem:s15], [sflag:s14] =	dma.local [hbm:s12], $0x2780  }
.Ltmp2:
0x18: {  	_ =	swait.ge [sflag:s16], $0x2780;
	(pc) =	sbr.rel @!p0 .LBB2_2-.Ltmp2, $4  }
0x19: {  	[sflag:s16] =	ssyncset.done $0x0  }
0x1a: {  	[sflag:s16] =	ssyncadd.s32 $0xFFFFD880  }
0x1b: {  	[bflag:$0x0] =	sbarrier.arrive $0xFFFF  }
0x1c: {  	s23 =	simm.s32 $0x0;
	s24 =	simm.s32 $0x0  }
.LBB2_6:
0x1d: {  	s23 =	smul.u32 $0x28, s24;
	_ =	sdelay $0x1  }
0x1e: {  	s23 =	sadd.s32 s11, s23  }
0x1f: {  	s23 =	sshll.u32 s23, $0x4  }
0x20: {  	s26 =	simm.s32 $0x0;
	s25 =	sadd.s32 s1, s23  }
0x21: {  	[tilespmem:s26], [sflag:$0x3] =	stream.linear.gather [hbm4b:s25+s26], $0x1400, $0x38;
	[tilespmem:$0x1E400] =	vst v63  }
0x22: {  	_ =	swait.ge [sflag:s16], $0x1400  }
0x23: {  	[sflag:s16] =	ssyncset.done $0x0  }
0x24: {  	s23 =	sadd.s32 s2, s23;
	[sflag:s16] =	ssyncadd.s32 $0xFFFFEC00  }
0x25: {  	[tilespmem:s17], [sflag:$0x3] =	stream.linear.gather [hbm4b:s23+s26], $0x1400, $0x38;
	[tilespmem:$0x1E400] =	vst v63  }
0x26: {  	_ =	swait.ge [sflag:s16], $0x1400  }
0x27: {  	[sflag:s16] =	ssyncset.done $0x0  }
0x28: {  	s30 =	simm.s32 $0x0;
	[sflag:s16] =	ssyncadd.s32 $0xFFFFEC00  }
0x29: {  	[tilespmem:s19], [sflag:$0x1] =	stream.indirect.gather [hbm4b:s7+s18], $0x80, s30, s18, $0xb8;
	[tilespmem:$0x1E400] =	vst v63  }
0x2a: {  	_ =	swait.ge [sflag:s20], $0x4000  }
0x2b: {  	[sflag:s20] =	ssyncset.done $0x0  }
0x2c: {  	s31 =	simm.s32 $0x1400;
	[sflag:s20] =	ssyncadd.s32 $0xFFFFC000  }
0x2d: {  	[tilespmem:s21], [sflag:$0x2] =	stream.indirect.gather [hbm4b:s7+s18], $0x80, s31, s18, $0xb8;
	[tilespmem:$0x1E400] =	vst v63  }
0x2e: {  	_ =	swait.ge [sflag:s22], $0x4000  }
0x2f: {  	[sflag:s22] =	ssyncset.done $0x0  }
0x30: {  	[sflag:s22] =	ssyncadd.s32 $0xFFFFC000  }
0x31: {  	[spmem:s3] =	stream.indirect.scatter.add.f32 [tilespmem:s19], [sflag:$0x3], $0x80, s31, s18, $0xb8;
	[tilespmem:$0x1E400] =	vst v63  }
0x32: {  	_ =	swait.ge [sflag:s16], $0x4000  }
0x33: {  	[sflag:s16] =	ssyncset.done $0x0  }
0x34: {  	[sflag:s16] =	ssyncadd.s32 $0xFFFFC000  }
0x35: {  	[spmem:s3] =	stream.indirect.scatter.add.f32 [tilespmem:s21], [sflag:$0x3], $0x80, s30, s18, $0xb8;
	[tilespmem:$0x1E400] =	vst v63  }
0x36: {  	_ =	swait.ge [sflag:s16], $0x4000  }
0x37: {  	s25 =	simm.s32 $0x400;
	s23 =	simm.s32 $0x200;
	[sflag:s16] =	ssyncset.done $0x0  }
.LBB2_7:
0x38: {  	s26 =	sshra.s32 s23, $0x2  }
0x39: {  	[sflag:s16] =	ssyncadd.s32 $0xFFFFC000;
	s23 =	smov.u32 s25;
	s28 =	sadd.s32 $0x200, s25  }
0x3a: {  	[tilespmem:s19], [sflag:$0x1] =	stream.indirect.gather [hbm4b:s7+s18], $0x80, s26, s18, $0xb8;
	[tilespmem:$0x1E400] =	vst v63  }
0x3b: {  	p1 =	sne.s32 s25, $0x4E00;
	_ =	swait.ge [sflag:s20], $0x4000  }
0x3c: {  	[sflag:s20] =	ssyncset.done $0x0  }
0x3d: {  	s25 =	sadd.s32 $0x1400, s26;
	[sflag:s20] =	ssyncadd.s32 $0xFFFFC000  }
0x3e: {  	[tilespmem:s21], [sflag:$0x2] =	stream.indirect.gather [hbm4b:s7+s18], $0x80, s25, s18, $0xb8;
	[tilespmem:$0x1E400] =	vst v63  }
0x3f: {  	_ =	swait.ge [sflag:s22], $0x4000  }
0x40: {  	[sflag:s22] =	ssyncset.done $0x0  }
0x41: {  	[sflag:s22] =	ssyncadd.s32 $0xFFFFC000  }
0x42: {  	[spmem:s3] =	stream.indirect.scatter.add.f32 [tilespmem:s19], [sflag:$0x3], $0x80, s25, s18, $0xb8;
	[tilespmem:$0x1E400] =	vst v63  }
0x43: {  	_ =	swait.ge [sflag:s16], $0x4000  }
.Ltmp3:
0x44: {  	[sflag:s16] =	ssyncset.done $0x0;
	(pc) =	sbr.rel @p1 .LBB2_7-.Ltmp3, $4  }
0x45: {  	[sflag:s16] =	ssyncadd.s32 $0xFFFFC000  }
0x46: {  	[spmem:s3] =	stream.indirect.scatter.add.f32 [tilespmem:s21], [sflag:$0x3], $0x80, s26, s18, $0xb8;
	[tilespmem:$0x1E400] =	vst v63  }
0x47: {  	_ =	swait.ge [sflag:s16], $0x4000  }
0x48: {  	s25 =	smov.u32 s28;
	[sflag:s16] =	ssyncset.done $0x0  }
0x49: {  	s23 =	sshra.s32 s23, $0x2;
	[sflag:s16] =	ssyncadd.s32 $0xFFFFC000  }
0x4a: {  	[tilespmem:s19], [sflag:$0x1] =	stream.indirect.gather [hbm4b:s7+s18], $0x80, s23, s18, $0xb8;
	[tilespmem:$0x1E400] =	vst v63  }
0x4b: {  	_ =	swait.ge [sflag:s20], $0x4000  }
0x4c: {  	[sflag:s20] =	ssyncset.done $0x0  }
0x4d: {  	s25 =	sadd.s32 $0x1400, s23;
	[sflag:s20] =	ssyncadd.s32 $0xFFFFC000  }
0x4e: {  	[tilespmem:s21], [sflag:$0x2] =	stream.indirect.gather [hbm4b:s7+s18], $0x80, s25, s18, $0xb8;
	[tilespmem:$0x1E400] =	vst v63  }
0x4f: {  	_ =	swait.ge [sflag:s22], $0x4000  }
0x50: {  	[sflag:s22] =	ssyncset.done $0x0  }
0x51: {  	[sflag:s22] =	ssyncadd.s32 $0xFFFFC000  }
0x52: {  	[spmem:s3] =	stream.indirect.scatter.add.f32 [tilespmem:s19], [sflag:$0x3], $0x80, s25, s18, $0xb8;
	[tilespmem:$0x1E400] =	vst v63  }
0x53: {  	s24 =	sadd.s32 $0x1, s24;
	_ =	swait.ge [sflag:s16], $0x4000  }
0x54: {  	p1 =	sne.s32 s24, $0x4;
	[sflag:s16] =	ssyncset.done $0x0  }
.Ltmp4:
0x55: {  	[sflag:s16] =	ssyncadd.s32 $0xFFFFC000;
	(pc) =	sbr.rel @p1 .LBB2_6-.Ltmp4, $4  }
0x56: {  	[spmem:s3] =	stream.indirect.scatter.add.f32 [tilespmem:s21], [sflag:$0x3], $0x80, s23, s18, $0xb8;
	[tilespmem:$0x1E400] =	vst v63  }
0x57: {  	_ =	swait.ge [sflag:s16], $0x4000  }
0x58: {  	[sflag:s16] =	ssyncset.done $0x0  }
0x59: {  	[sflag:s16] =	ssyncadd.s32 $0xFFFFC000  }
.Ltmp5:
0x5a: {  	(pc) =	sbr.rel .LBB2_10-.Ltmp5, $2  }
0x5b: {  	_ =	sdelay $0x2  }
0x5c: {  	s23 =	smov.u32 s9  }
.LBB2_2:
0x5d: {  	s24 =	smul.u32 $0x28, s23;
	_ =	sdelay $0x1  }
0x5e: {  	s24 =	sadd.s32 s11, s24  }
0x5f: {  	s24 =	sshll.u32 s24, $0x4  }
0x60: {  	s26 =	simm.s32 $0x0;
	s25 =	sadd.s32 s1, s24  }
0x61: {  	[tilespmem:s26], [sflag:$0x3] =	stream.linear.gather [hbm4b:s25+s26], $0x1400, $0x38;
	[tilespmem:$0x1E400] =	vst v63  }
0x62: {  	_ =	swait.ge [sflag:s16], $0x1400  }
0x63: {  	[sflag:s16] =	ssyncset.done $0x0  }
0x64: {  	s24 =	sadd.s32 s2, s24;
	[sflag:s16] =	ssyncadd.s32 $0xFFFFEC00  }
0x65: {  	[tilespmem:s17], [sflag:$0x3] =	stream.linear.gather [hbm4b:s24+s26], $0x1400, $0x38;
	[tilespmem:$0x1E400] =	vst v63  }
0x66: {  	_ =	swait.ge [sflag:s16], $0x1400  }
0x67: {  	[sflag:s16] =	ssyncset.done $0x0  }
0x68: {  	s30 =	simm.s32 $0x0;
	[sflag:s16] =	ssyncadd.s32 $0xFFFFEC00  }
0x69: {  	[tilespmem:s19], [sflag:$0x1] =	stream.indirect.gather [hbm4b:s6+s18], $0x80, s30, s18, $0xb8;
	[tilespmem:$0x1E400] =	vst v63  }
0x6a: {  	_ =	swait.ge [sflag:s20], $0x4000  }
0x6b: {  	[sflag:s20] =	ssyncset.done $0x0  }
0x6c: {  	s31 =	simm.s32 $0x1400;
	[sflag:s20] =	ssyncadd.s32 $0xFFFFC000  }
0x6d: {  	[tilespmem:s21], [sflag:$0x2] =	stream.indirect.gather [hbm4b:s6+s18], $0x80, s31, s18, $0xb8;
	[tilespmem:$0x1E400] =	vst v63  }
0x6e: {  	_ =	swait.ge [sflag:s22], $0x4000  }
0x6f: {  	[sflag:s22] =	ssyncset.done $0x0  }
0x70: {  	[sflag:s22] =	ssyncadd.s32 $0xFFFFC000  }
0x71: {  	[spmem:s3] =	stream.indirect.scatter.add.f32 [tilespmem:s19], [sflag:$0x3], $0x80, s31, s18, $0xb8;
	[tilespmem:$0x1E400] =	vst v63  }
0x72: {  	_ =	swait.ge [sflag:s16], $0x4000  }
0x73: {  	[sflag:s16] =	ssyncset.done $0x0  }
0x74: {  	[sflag:s16] =	ssyncadd.s32 $0xFFFFC000  }
0x75: {  	[spmem:s3] =	stream.indirect.scatter.add.f32 [tilespmem:s21], [sflag:$0x3], $0x80, s30, s18, $0xb8;
	[tilespmem:$0x1E400] =	vst v63  }
0x76: {  	_ =	swait.ge [sflag:s16], $0x4000  }
0x77: {  	s25 =	simm.s32 $0x400;
	s24 =	simm.s32 $0x200;
	[sflag:s16] =	ssyncset.done $0x0  }
.LBB2_3:
0x78: {  	s26 =	sshra.s32 s24, $0x2  }
0x79: {  	[sflag:s16] =	ssyncadd.s32 $0xFFFFC000;
	s24 =	smov.u32 s25;
	s28 =	sadd.s32 $0x200, s25  }
0x7a: {  	[tilespmem:s19], [sflag:$0x1] =	stream.indirect.gather [hbm4b:s6+s18], $0x80, s26, s18, $0xb8;
	[tilespmem:$0x1E400] =	vst v63  }
0x7b: {  	p1 =	sne.s32 s25, $0x4E00;
	_ =	swait.ge [sflag:s20], $0x4000  }
0x7c: {  	[sflag:s20] =	ssyncset.done $0x0  }
0x7d: {  	s25 =	sadd.s32 $0x1400, s26;
	[sflag:s20] =	ssyncadd.s32 $0xFFFFC000  }
0x7e: {  	[tilespmem:s21], [sflag:$0x2] =	stream.indirect.gather [hbm4b:s6+s18], $0x80, s25, s18, $0xb8;
	[tilespmem:$0x1E400] =	vst v63  }
0x7f: {  	_ =	swait.ge [sflag:s22], $0x4000  }
0x80: {  	[sflag:s22] =	ssyncset.done $0x0  }
0x81: {  	[sflag:s22] =	ssyncadd.s32 $0xFFFFC000  }
0x82: {  	[spmem:s3] =	stream.indirect.scatter.add.f32 [tilespmem:s19], [sflag:$0x3], $0x80, s25, s18, $0xb8;
	[tilespmem:$0x1E400] =	vst v63  }
0x83: {  	_ =	swait.ge [sflag:s16], $0x4000  }
.Ltmp6:
0x84: {  	[sflag:s16] =	ssyncset.done $0x0;
	(pc) =	sbr.rel @p1 .LBB2_3-.Ltmp6, $4  }
0x85: {  	[sflag:s16] =	ssyncadd.s32 $0xFFFFC000  }
0x86: {  	[spmem:s3] =	stream.indirect.scatter.add.f32 [tilespmem:s21], [sflag:$0x3], $0x80, s26, s18, $0xb8;
	[tilespmem:$0x1E400] =	vst v63  }
0x87: {  	_ =	swait.ge [sflag:s16], $0x4000  }
0x88: {  	s25 =	smov.u32 s28;
	[sflag:s16] =	ssyncset.done $0x0  }
0x89: {  	s24 =	sshra.s32 s24, $0x2;
	[sflag:s16] =	ssyncadd.s32 $0xFFFFC000  }
0x8a: {  	[tilespmem:s19], [sflag:$0x1] =	stream.indirect.gather [hbm4b:s6+s18], $0x80, s24, s18, $0xb8;
	[tilespmem:$0x1E400] =	vst v63  }
0x8b: {  	_ =	swait.ge [sflag:s20], $0x4000  }
0x8c: {  	[sflag:s20] =	ssyncset.done $0x0  }
0x8d: {  	s25 =	sadd.s32 $0x1400, s24;
	[sflag:s20] =	ssyncadd.s32 $0xFFFFC000  }
0x8e: {  	[tilespmem:s21], [sflag:$0x2] =	stream.indirect.gather [hbm4b:s6+s18], $0x80, s25, s18, $0xb8;
	[tilespmem:$0x1E400] =	vst v63  }
0x8f: {  	_ =	swait.ge [sflag:s22], $0x4000  }
0x90: {  	[sflag:s22] =	ssyncset.done $0x0  }
0x91: {  	[sflag:s22] =	ssyncadd.s32 $0xFFFFC000  }
0x92: {  	[spmem:s3] =	stream.indirect.scatter.add.f32 [tilespmem:s19], [sflag:$0x3], $0x80, s25, s18, $0xb8;
	[tilespmem:$0x1E400] =	vst v63  }
0x93: {  	s23 =	sadd.s32 $0x1, s23;
	_ =	swait.ge [sflag:s16], $0x4000  }
0x94: {  	p1 =	seq.s32 s23, $0x4;
	[sflag:s16] =	ssyncset.done $0x0  }
.Ltmp7:
0x95: {  	[sflag:s16] =	ssyncadd.s32 $0xFFFFC000;
	(pc) =	sbr.rel @!p1 .LBB2_2-.Ltmp7, $4  }
0x96: {  	[spmem:s3] =	stream.indirect.scatter.add.f32 [tilespmem:s21], [sflag:$0x3], $0x80, s24, s18, $0xb8;
	[tilespmem:$0x1E400] =	vst v63  }
0x97: {  	_ =	swait.ge [sflag:s16], $0x4000  }
0x98: {  	[sflag:s16] =	ssyncset.done $0x0  }
0x99: {  	[sflag:s16] =	ssyncadd.s32 $0xFFFFC000  }
.Ltmp8:
0x9a: {  	(pc) =	sbr.rel .LBB2_10-.Ltmp8, $2  }
0x9b: {  	_ =	sdelay $0x2  }
0x9c: {  	s23 =	smov.u32 s8  }
.LBB2_11:
0x9d: {  	_ =	sfence.sel $0x180000  }
0x9e: {  	[bflag:$0x0] =	sbarrier.arrive $0xFFFF  }
0x9f: {  	p0 =	sne.s32 s5, $0x0;
	_ =	strace $0x90000050  }
0xa0: {  	s0 =	sadd.s32 @!p0 $0x100000, s0;
	[bflag:$0x2] =	sbarrier.arrive $0xFFFF  }
0xa1: {  	[sflag:s0] =	ssyncadd.tile.s32 @!p0 $0x1;
	_ =	shalt  }
.Lfunc_end2:
_tile_overlayer_lowered:
.L_overlay_start_2:
0xa2: {  	(tag) =	ssettag $0x2  }
0xa3: {  	s0 =	rddreg [dreg:$0x0];
	s2 =	stileid.u32  }
0xa4: {  	s1 =	rddreg [dreg:$0x1];
	p0 =	sne.s32 s2, $0x0  }
0xa5: {  	s3 =	rddreg [dreg:$0x2];
	[bflag:$0x3] =	sbarrier.arrive $0xFFFF;
	s2 =	simm.s32 @!p0 $0x1C03  }
0xa6: {  	[timem:s3], [sflag:s2] =	dma.local @!p0 [hbm:s0], s1  }
0xa7: {  	s0 =	simm.s32 @!p0 $0x3  }
0xa8: {  	_ =	swait.ge @!p0 [sflag:s0], s1  }
0xa9: {  	s1 =	ssub.s32 @!p0 $0x0, s1;
	[sflag:s0] =	ssyncset.done @!p0 $0x0  }
0xaa: {  	[sflag:s0] =	ssyncadd.s32 @!p0 s1  }
0xab: {  	[bflag:$0x3] =	sbarrier.arrive $0xFFFF  }
0xac: {  	_ =	shalt  }

// kernel: kernel.6.cloned.1.call-start
scs
__scs_entry_jumppad:
0x0: {  	(pc) =	sbr.rel $0x88, $3  }
0x1: {  	(tag) =	ssettag $0x0;
	lr =	simm.s32 $0x1  }
0x2: {  	[smem:$0x3F83] =	sst lr;
	_ =	strace $0xD0000000  }
0x3: {  	_ = 	snop  }
0x4: {  	_ = 	snop  }
0x5: {  	_ = 	snop  }
0x6: {  	_ = 	snop  }
0x7: {  	_ = 	snop  }
__scs_overlays_trampoline_lowered:
0x8: {  	[smem:$0x3F92] =	sst s0  }
0x9: {  	[smem:$0x3F93] =	sst s1  }
0xa: {  	[smem:$0x3F94] =	sst s2  }
0xb: {  	[smem:$0x3F95] =	sst s3  }
0xc: {  	[smem:$0x3F96] =	sst s4  }
0xd: {  	[smem:$0x3F97] =	sst s5  }
0xe: {  	[smem:$0x3F98] =	sst s6  }
0xf: {  	[smem:$0x3F99] =	sst s7  }
0x10: {  	[smem:$0x3F9A] =	sst s8  }
0x11: {  	[smem:$0x3F9B] =	sst s9;
	s0 =	simm.s32 @!p0 $0x0  }
0x12: {  	s1 =	sld [smem:$0x3F81];
	s0 =	simm.s32 @p0 $0x1  }
0x13: {  	[smem:$0x3F9C] =	sst s0;
	s0 =	simm.s32 @!p1 $0x0  }
0x14: {  	s2 =	sld [smem:$0x3F80];
	s0 =	simm.s32 @p1 $0x1  }
0x15: {  	[smem:$0x3F9D] =	sst s0;
	s0 =	simm.s32 @!p2 $0x0  }
0x16: {  	s3 =	sld [smem:$0x3FDB];
	s0 =	simm.s32 @p2 $0x1  }
0x17: {  	s4 =	simm.s32 $0x1BF5;
	[smem:$0x3F9F] =	sst s0  }
0x18: {  	s0 =	sld [smem:$0x3F82];
	_ =	swait.ge [sflag:s4], $0x0  }
0x19: {  	s7 =	sld [smem:$0x3F83]  }
0x1a: {  	s8 =	sadd.s32 $0xFFFFE003, lr  }
0x1b: {  	s9 =	sadd.s32 $0xFFFFFEF7, lr;
	s5 =	simm.s32 $0xFFFFFFFF;
	p2 =	slt.u32 s8, $0xFFFFF086  }
0x1c: {  	p1 =	slt.u32 s9, $0xF7A;
	s5 =	simm.s32 @!p2 $0x0  }
0x1d: {  	s5 =	simm.s32 @p1 $0x1;
	p0 =	seq.s32 s7, s2  }
0x1e: {  	s7 =	smul.u32 @!p0 $0xF7A, s2;
	p2 =	seq.s32 @!p0 s5, $0x0  }
0x1f: {  	s9 =	smul.u32 $0xF7A, s1;
	s8 =	simm.s32 @!p0 $0x1BF5;
	p2 =	por !p2, p0  }
0x20: {  	[sflag:s8] =	ssyncset.s32 @!p0 $0xFFFFF086;
	s6 =	sadd.s32 @!p0 s3, s7;
	s7 =	simm.s32 @!p0 $0x108  }
0x21: {  	s3 =	sadd.s32 s3, s9;
	s6 =	sadd.s32 @!p0 $0x88, s6;
	s7 =	simm.s32 @p2 $0x1082  }
0x22: {  	[simem:s7], [sflag:s8] =	dma.local @!p0 [hbm:s6], $0xF7A  }
0x23: {  	s9 =	sor.u32 $0xD0000000, s2;
	s6 =	simm.s32 $0x108;
	_ =	swait.ge @!p0 [sflag:s8], $0x0  }
0x24: {  	s3 =	sadd.s32 $0x88, s3;
	s6 =	simm.s32 @!p1 $0x1082;
	[sflag:s4] =	ssyncset.s32 $0xFFFFF086  }
0x25: {  	[simem:s6], [sflag:s4] =	dma.local [hbm:s3], $0xF7A  }
0x26: {  	[smem:$0x3F83] =	sst s1;
	(tag) =	ssettag s2;
	_ =	strace s9  }
0x27: {  	s1 =	sld [smem:$0x3F93]  }
0x28: {  	s2 =	sld [smem:$0x3F94]  }
0x29: {  	s4 =	sld [smem:$0x3F96]  }
0x2a: {  	p0 =	seq.s32 s5, $0x0;
	s5 =	sld [smem:$0x3F97]  }
0x2b: {  	s6 =	sld [smem:$0x3F98]  }
0x2c: {  	s7 =	sld [smem:$0x3F99]  }
0x2d: {  	s3 =	simm.s32 $0x108;
	s8 =	sld [smem:$0x3F9A]  }
0x2e: {  	s3 =	simm.s32 @!p0 $0x1082;
	s9 =	sld [smem:$0x3F9B]  }
0x2f: {  	lr =	sadd.s32 s0, s3;
	s0 =	sld [smem:$0x3F92]  }
0x30: {  	s3 =	sld [smem:$0x3F95]  }
0x31: {  	[smem:$0x3F9E] =	sst s10  }
0x32: {  	s10 =	sld [smem:$0x3F9C];
	_ =	sdelay $0x3  }
0x33: {  	p0 =	seq.s32 s10, $0x1;
	s10 =	sld [smem:$0x3F9E];
	_ =	sdelay $0x3  }
0x34: {  	[smem:$0x3F9E] =	sst s10  }
0x35: {  	s10 =	sld [smem:$0x3F9D];
	_ =	sdelay $0x3  }
0x36: {  	p1 =	seq.s32 s10, $0x1;
	s10 =	sld [smem:$0x3F9E];
	_ =	sdelay $0x3  }
0x37: {  	[smem:$0x3F9E] =	sst s10  }
0x38: {  	s10 =	sld [smem:$0x3F9F]  }
0x39: {  	_ = 	snop;
	(pc) =	sbr.ind lr, $3  }
0x3a: {  	_ = 	snop  }
0x3b: {  	_ = 	snop  }
0x3c: {  	p2 =	seq.s32 s10, $0x1;
	s10 =	sld [smem:$0x3F9E]  }
0x3d: {  	_ =	shalt  }
0x3e: {  	_ =	shalt  }
0x3f: {  	_ =	shalt  }
0x40: {  	_ =	shalt  }
0x41: {  	_ =	shalt  }
0x42: {  	_ =	shalt  }
0x43: {  	_ =	shalt  }
0x44: {  	_ =	shalt  }
0x45: {  	_ =	shalt  }
0x46: {  	_ =	shalt  }
0x47: {  	_ =	shalt  }
0x48: {  	_ =	shalt  }
0x49: {  	_ =	shalt  }
0x4a: {  	_ =	shalt  }
0x4b: {  	_ =	shalt  }
0x4c: {  	_ =	shalt  }
0x4d: {  	_ =	shalt  }
0x4e: {  	_ =	shalt  }
0x4f: {  	_ =	shalt  }
0x50: {  	_ =	shalt  }
0x51: {  	_ =	shalt  }
0x52: {  	_ =	shalt  }
0x53: {  	_ =	shalt  }
0x54: {  	_ =	shalt  }
0x55: {  	_ =	shalt  }
0x56: {  	_ =	shalt  }
0x57: {  	_ =	shalt  }
0x58: {  	_ =	shalt  }
0x59: {  	_ =	shalt  }
0x5a: {  	_ =	shalt  }
0x5b: {  	_ =	shalt  }
0x5c: {  	_ =	shalt  }
0x5d: {  	_ =	shalt  }
0x5e: {  	_ =	shalt  }
0x5f: {  	_ =	shalt  }
0x60: {  	_ =	shalt  }
0x61: {  	_ =	shalt  }
0x62: {  	_ =	shalt  }
0x63: {  	_ =	shalt  }
0x64: {  	_ =	shalt  }
0x65: {  	_ =	shalt  }
0x66: {  	_ =	shalt  }
0x67: {  	_ =	shalt  }
0x68: {  	_ =	shalt  }
0x69: {  	_ =	shalt  }
0x6a: {  	_ =	shalt  }
0x6b: {  	_ =	shalt  }
0x6c: {  	_ =	shalt  }
0x6d: {  	_ =	shalt  }
0x6e: {  	_ =	shalt  }
0x6f: {  	_ =	shalt  }
0x70: {  	_ =	shalt  }
0x71: {  	_ =	shalt  }
0x72: {  	_ =	shalt  }
0x73: {  	_ =	shalt  }
0x74: {  	_ =	shalt  }
0x75: {  	_ =	shalt  }
0x76: {  	_ =	shalt  }
0x77: {  	_ =	shalt  }
0x78: {  	_ =	shalt  }
0x79: {  	_ =	shalt  }
0x7a: {  	_ =	shalt  }
0x7b: {  	_ =	shalt  }
0x7c: {  	_ =	shalt  }
0x7d: {  	_ =	shalt  }
0x7e: {  	_ =	shalt  }
0x7f: {  	_ =	shalt  }
0x80: {  	_ =	shalt  }
0x81: {  	_ =	shalt  }
0x82: {  	_ =	shalt  }
0x83: {  	_ =	shalt  }
0x84: {  	_ =	shalt  }
0x85: {  	_ =	shalt  }
0x86: {  	_ =	shalt  }
0x87: {  	_ =	shalt  }
.Lfunc_end0:
.L_simem_size_0:
called_computation.2_lowered:
.L_overlay_start_0:
0x88: {  	s2 =	sld [smem:$0x3FD9]  }
0x89: {  	s3 =	sld [smem:$0x3FFE];
	_ =	sdelay $0x1  }
0x8a: {  	s1 =	srdreg.scid  }
0x8b: {  	s0 =	sand.u32 $0x1, s1  }
0x8c: {  	s14 =	sshll.u32 s0, $0xA;
	s2 =	sadd.s32 s3, s2  }
0x8d: {  	s2 =	sadd.s32 s2, s14  }
0x8e: {  	[smem:$0x3FAA] =	sst s2  }
0x8f: {  	_ = 	snop  }
0x90: {  	s2 =	sld [smem:$0x3FD0];
	_ =	sdelay $0x2  }
0x91: {  	s15 =	simm.s32 $0xB;
	s4 =	simm.s32 $0x10  }
0x92: {  	[smem:s4], [sflag:s15] =	dma.local [hbm:s2], $0x1  }
0x93: {  	_ =	swait.eq [sflag:s15], $0x1  }
0x94: {  	s16 =	sld [smem:$0x12];
	[sflag:s15] =	ssyncset.done $0x0  }
0x95: {  	s17 =	sld [smem:$0x13];
	[sflag:s15] =	ssyncadd.s32 $0xFFFFFFFF  }
0x96: {  	s18 =	sld [smem:$0x15];
	(tm) =	ssettm $0x1  }
0x97: {  	s5 =	sld [smem:$0x3FFB];
	_ =	sdelay $0x3  }
0x98: {  	_ =	strace s5  }
0x99: {  	s5 =	sld [smem:$0x3FFC];
	_ =	sdelay $0x3  }
0x9a: {  	_ =	strace s5  }
0x9b: {  	s5 =	sld [smem:$0x3FFD];
	_ =	sdelay $0x3  }
0x9c: {  	_ =	strace s5  }
0x9d: {  	_ =	strace $0x8FFFFFFF  }
0x9e: {  	s19 =	sld [smem:$0x3FDB];
	_ =	sdelay $0x1  }
0x9f: {  	s6 =	simm.s32 $_scs_section_size  }
0xa0: {  	s7 =	simm.s32 $_size__tile_overlayer_lowered;
	s8 =	simm.s32 $_tile_overlayer_lowered  }
0xa1: {  	s22 =	simm.s32 $0x1BFF;
	s21 =	sshll.u32 s8, $0x1;
	s5 =	sadd.s32 s6, s19  }
0xa2: {  	s9 =	simm.s32 $0x0;
	s20 =	sshll.u32 s7, $0x1;
	s7 =	sadd.s32 s21, s5  }
0xa3: {  	[timem:s9], [sflag:s22] =	dma.local [hbm:s7], s20  }
0xa4: {  	_ =	swait.ge [sflag:s22], s20  }
0xa5: {  	s6 =	ssub.s32 $0x0, s20;
	[sflag:s22] =	ssyncset.done $0x0  }
0xa6: {  	[sflag:s22] =	ssyncadd.s32 s6;
	_ =	sdelay $0x1  }
0xa7: {  	s23 =	simm.s32 $0x1B8B  }
0xa8: {  	_ =	swait.ge [sflag:s23], $0x1  }
0xa9: {  	[sflag:s23] =	ssyncset.done $0x0  }
0xaa: {  	s25 =	simm.s32 $0x1B8E;
	s24 =	sld [smem:$0x3FFE];
	[sflag:s23] =	ssyncadd.s32 $0xFFFFFFFF  }
0xab: {  	s26 =	simm.s32 $execute0_lowered;
	[smem:$0x3FD2] =	sst s25  }
0xac: {  	s7 =	sshll.u32 s26, $0x1;
	_ =	strace $0x8000004C;
	[dreg:$0x1] =	wrdreg $0xFFFFFFFF  }
0xad: {  	s28 =	simm.s32 $_size_execute0_lowered;
	s5 =	sadd.s32 s5, s7;
	[dreg:$0x0] =	wrdreg $0x0  }
0xae: {  	s7 =	sshll.u32 s28, $0x1;
	[dreg:$0x2] =	wrdreg s5  }
0xaf: {  	[dreg:$0x3] =	wrdreg s7  }
0xb0: {  	[dreg:$0x4] =	wrdreg $0xC0  }
0xb1: {  	_ =	task [dreg:s9], $0x5FFFF  }
0xb2: {  	[dreg:$0x1] =	wrdreg $0xFFFFFFFF  }
0xb3: {  	[dreg:$0x0] =	wrdreg $0x60  }
0xb4: {  	[dreg:$0x2] =	wrdreg s16  }
0xb5: {  	[dreg:$0x3] =	wrdreg s18  }
0xb6: {  	[dreg:$0x4] =	wrdreg s17  }
0xb7: {  	[dreg:$0x5] =	wrdreg s24  }
0xb8: {  	[dreg:$0x6] =	wrdreg $0xA8000  }
0xb9: {  	[dreg:$0x7] =	wrdreg $0x9  }
0xba: {  	_ =	task.clear_ibuf [dreg:s9], $0x8FFFF;
	_ =	strace $0x9000004C  }
0xbb: {  	s29 =	simm.s32 $0x9;
	_ =	strace $0x8000004E  }
0xbc: {  	_ =	swait.ge [sflag:s29], $0x1  }
0xbd: {  	[sflag:s29] =	ssyncadd.s32 $0xFFFFFFFF  }
0xbe: {  	_ =	strace $0x9000004E  }
0xbf: {  	_ =	sfence  }
0xc0: {  	s30 =	sld [smem:$0x0];
	_ =	sdelay $0x2  }
0xc1: {  	s31 =	sshll.u32 s1, $0xD;
	s1 =	sshrl.u32 s1, $0x2  }
0xc2: {  	s3 =	sand.u32 $0x4000, s31;
	s1 =	sadd.s32 s1, s30  }
0xc3: {  	s0 =	sor.u32 s3, s0;
	s1 =	sshll.u32 s1, $0x11  }
0xc4: {  	s0 =	sor.u32 s1, s0  }
0xc5: {  	s0 =	sadd.s32 $0x8F2B, s0  }
0xc6: {  	[sflag:s0] =	ssyncadd.remote.s32 $0x1  }
0xc7: {  	_ =	sfence.sel $0xFFFF  }
0xc8: {  	[dreg:$0x0] =	wrdreg $0xFFFFFFFF;
	(pc) =	sbr.abs _section_cstart, $3  }
0xc9: {  	[dreg:$0x1] =	wrdreg $0xFFFFFFFF  }
0xca: {  	_ =	task.clear_ibuf [dreg:s9], $0x2FFFF;
	_ =	strace $0x9FFFFFFF  }
0xcb: {  	(tm) =	ssettm $0x7FFFFFFF  }
tec
execute0_lowered:
.L_overlay_start_1:
0x0: {  	(tag) =	ssettag $0x1  }
0x1: {  	s1 =	rddreg [dreg:$0x0]  }
0x2: {  	s16 =	rddreg [dreg:$0x1]  }
0x3: {  	s17 =	rddreg [dreg:$0x2]  }
0x4: {  	s8 =	rddreg [dreg:$0x3]  }
0x5: {  	s2 =	rddreg [dreg:$0x4]  }
0x6: {  	s0 =	rddreg [dreg:$0x5];
	s3 =	simm.s32 $0x0;
	s4 =	srdreg.scid  }
0x7: {  	s20 =	simm.s32 $0x3;
	s21 =	simm.s32 $0x1400;
	s22 =	simm.s32 $0x80  }
0x8: {  	s23 =	simm.s32 $0x2800;
	s24 =	simm.s32 $0x1;
	s25 =	simm.s32 $0x6800  }
0x9: {  	s26 =	simm.s32 $0x2;
	[smem:$0x7FF] =	sst s3;
	s9 =	sand.u32 $0x1, s4  }
0xa: {  	s4 =	stileid.u32;
	s5 =	sadd.s32 $0x27800, s8;
	s6 =	sadd.s32 $0x4F000, s8  }
0xb: {  	_ =	strace $0x8000004D;
	s7 =	ssub.s32 $0x2, s9;
	s11 =	smul.u32 $0x4F000, s4  }
0xc: {  	p0 =	seq.s32 s9, $0x1;
	s18 =	smul.u32 $0xA00, s4;
	s10 =	sshrl.u32 s7, $0x1  }
0xd: {  	s31 =	sshll.u32 s4, $0x6;
	s10 =	ssub.s32 s7, s10;
	s7 =	smul.u32 $0x2780, s4  }
0xe: {  	s30 =	sshrl.u32 s11, $0x2;
	s11 =	sadd.s32 s17, s18;
	s13 =	sadd.s32 $0x280, s18  }
.Ltmp0:
0xf: {  	s15 =	sadd.s32 $0x500, s18;
	s19 =	sadd.s32 s30, s2;
	(pc) =	sbr.rel .LBB2_1-.Ltmp0, $4  }
0x10: {  	s9 =	smax.u32 s10, $0x1;
	s10 =	sadd.s32 s16, s18;
	s12 =	sadd.s32 s16, s13  }
0x11: {  	s13 =	sadd.s32 s17, s13;
	s14 =	sadd.s32 s16, s15;
	s18 =	sadd.s32 $0x780, s18  }
0x12: {  	s15 =	sadd.s32 s17, s15;
	s8 =	sadd.s32 s8, s7;
	s16 =	sadd.s32 s16, s18  }
0x13: {  	s17 =	sadd.s32 s17, s18;
	s18 =	sor.u32 $0x1C03, s31;
	s19 =	sshrl.u32 s19, $0x3  }
.LBB2_11:
0x14: {  	s28 =	sshra.s32 s28, $0x2;
	[sflag:s20] =	ssyncadd.s32 $0xFFFFC000  }
0x15: {  	[tilespmem:s23], [sflag:$0x1] =	stream.indirect.gather [hbm4b:s1+s22], $0x80, s28, s22, $0xb8;
	[tilespmem:$0x1E400] =	vst v63  }
0x16: {  	_ =	swait.ge [sflag:s24], $0x4000  }
0x17: {  	[sflag:s24] =	ssyncset.done $0x0  }
0x18: {  	s29 =	sadd.s32 $0x1400, s28;
	[sflag:s24] =	ssyncadd.s32 $0xFFFFC000  }
0x19: {  	[tilespmem:s25], [sflag:$0x2] =	stream.indirect.gather [hbm4b:s1+s22], $0x80, s29, s22, $0xb8;
	[tilespmem:$0x1E400] =	vst v63  }
0x1a: {  	_ =	swait.ge [sflag:s26], $0x4000  }
0x1b: {  	[sflag:s26] =	ssyncset.done $0x0  }
0x1c: {  	[sflag:s26] =	ssyncadd.s32 $0xFFFFC000  }
0x1d: {  	[spmem:s2] =	stream.indirect.scatter.add.f32 [tilespmem:s23], [sflag:$0x3], $0x80, s29, s22, $0xb8;
	[tilespmem:$0x1E400] =	vst v63  }
0x1e: {  	_ =	swait.ge [sflag:s20], $0x4000  }
0x1f: {  	[sflag:s20] =	ssyncset.done $0x0  }
0x20: {  	[sflag:s20] =	ssyncadd.s32 $0xFFFFC000  }
0x21: {  	[spmem:s2] =	stream.indirect.scatter.add.f32 [tilespmem:s25], [sflag:$0x3], $0x80, s28, s22, $0xb8;
	[tilespmem:$0x1E400] =	vst v63  }
0x22: {  	_ =	swait.ge [sflag:s20], $0x4000  }
0x23: {  	[sflag:s20] =	ssyncset.done $0x0  }
0x24: {  	s28 =	smov.u32 s6;
	[sflag:s20] =	ssyncadd.s32 $0xFFFFC000  }
.LBB2_12:
0x25: {  	s3 =	sadd.s32 $0x1, s3  }
0x26: {  	p1 =	sne.s32 s3, s9  }
.Ltmp1:
0x27: {  	s28 =	sadd.s32 s28, s7;
	[bflag:$0x0] =	sbarrier.arrive $0xFFFF;
	(pc) =	sbr.rel @!p1 .LBB2_13-.Ltmp1, $4  }
0x28: {  	[hbm:s28], [sflag:s18] =	dma.local [spmem:s19], $0x2780  }
0x29: {  	_ =	swait.ge [sflag:s20], $0x2780  }
0x2a: {  	[sflag:s20] =	ssyncset.done $0x0  }
0x2b: {  	[sflag:s20] =	ssyncadd.s32 $0xFFFFD880  }
.LBB2_1:
0x2c: {  	[spmem:s19], [sflag:s18] =	dma.local [hbm:s8], $0x2780  }
.Ltmp2:
0x2d: {  	_ =	swait.ge [sflag:s20], $0x2780;
	(pc) =	sbr.rel @!p0 .LBB2_2-.Ltmp2, $4  }
0x2e: {  	[sflag:s20] =	ssyncset.done $0x0  }
0x2f: {  	[sflag:s20] =	ssyncadd.s32 $0xFFFFD880  }
0x30: {  	[bflag:$0x0] =	sbarrier.arrive $0xFFFF  }
0x31: {  	s28 =	simm.s32 $0x0  }
0x32: {  	[tilespmem:s28], [sflag:$0x3] =	stream.linear.gather [hbm4b:s14+s28], $0x1400, $0x38;
	[tilespmem:$0x1E400] =	vst v63  }
0x33: {  	_ =	swait.ge [sflag:s20], $0x1400  }
0x34: {  	[sflag:s20] =	ssyncset.done $0x0  }
0x35: {  	[sflag:s20] =	ssyncadd.s32 $0xFFFFEC00  }
0x36: {  	[tilespmem:s21], [sflag:$0x3] =	stream.linear.gather [hbm4b:s15+s28], $0x1400, $0x38;
	[tilespmem:$0x1E400] =	vst v63  }
0x37: {  	_ =	swait.ge [sflag:s20], $0x1400  }
0x38: {  	[sflag:s20] =	ssyncset.done $0x0  }
0x39: {  	s28 =	simm.s32 $0x0;
	[sflag:s20] =	ssyncadd.s32 $0xFFFFEC00  }
0x3a: {  	[tilespmem:s23], [sflag:$0x1] =	stream.indirect.gather [hbm4b:s1+s22], $0x80, s28, s22, $0xb8;
	[tilespmem:$0x1E400] =	vst v63  }
0x3b: {  	_ =	swait.ge [sflag:s24], $0x4000  }
0x3c: {  	[sflag:s24] =	ssyncset.done $0x0  }
0x3d: {  	s29 =	simm.s32 $0x1400;
	[sflag:s24] =	ssyncadd.s32 $0xFFFFC000  }
0x3e: {  	[tilespmem:s25], [sflag:$0x2] =	stream.indirect.gather [hbm4b:s1+s22], $0x80, s29, s22, $0xb8;
	[tilespmem:$0x1E400] =	vst v63  }
0x3f: {  	_ =	swait.ge [sflag:s26], $0x4000  }
0x40: {  	[sflag:s26] =	ssyncset.done $0x0  }
0x41: {  	[sflag:s26] =	ssyncadd.s32 $0xFFFFC000  }
0x42: {  	[spmem:s2] =	stream.indirect.scatter.add.f32 [tilespmem:s23], [sflag:$0x3], $0x80, s29, s22, $0xb8;
	[tilespmem:$0x1E400] =	vst v63  }
0x43: {  	_ =	swait.ge [sflag:s20], $0x4000  }
0x44: {  	[sflag:s20] =	ssyncset.done $0x0  }
0x45: {  	[sflag:s20] =	ssyncadd.s32 $0xFFFFC000  }
0x46: {  	[spmem:s2] =	stream.indirect.scatter.add.f32 [tilespmem:s25], [sflag:$0x3], $0x80, s28, s22, $0xb8;
	[tilespmem:$0x1E400] =	vst v63  }
0x47: {  	_ =	swait.ge [sflag:s20], $0x4000  }
0x48: {  	s29 =	simm.s32 $0x400;
	s28 =	simm.s32 $0x200;
	[sflag:s20] =	ssyncset.done $0x0  }
.LBB2_8:
0x49: {  	s30 =	sshra.s32 s28, $0x2  }
0x4a: {  	[sflag:s20] =	ssyncadd.s32 $0xFFFFC000;
	s28 =	smov.u32 s29;
	s31 =	sadd.s32 $0x200, s29  }
0x4b: {  	[tilespmem:s23], [sflag:$0x1] =	stream.indirect.gather [hbm4b:s1+s22], $0x80, s30, s22, $0xb8;
	[tilespmem:$0x1E400] =	vst v63  }
0x4c: {  	p1 =	sne.s32 s29, $0x4E00;
	_ =	swait.ge [sflag:s24], $0x4000  }
0x4d: {  	[sflag:s24] =	ssyncset.done $0x0  }
0x4e: {  	s29 =	sadd.s32 $0x1400, s30;
	[sflag:s24] =	ssyncadd.s32 $0xFFFFC000  }
0x4f: {  	[tilespmem:s25], [sflag:$0x2] =	stream.indirect.gather [hbm4b:s1+s22], $0x80, s29, s22, $0xb8;
	[tilespmem:$0x1E400] =	vst v63  }
0x50: {  	_ =	swait.ge [sflag:s26], $0x4000  }
0x51: {  	[sflag:s26] =	ssyncset.done $0x0  }
0x52: {  	[sflag:s26] =	ssyncadd.s32 $0xFFFFC000  }
0x53: {  	[spmem:s2] =	stream.indirect.scatter.add.f32 [tilespmem:s23], [sflag:$0x3], $0x80, s29, s22, $0xb8;
	[tilespmem:$0x1E400] =	vst v63  }
0x54: {  	_ =	swait.ge [sflag:s20], $0x4000  }
.Ltmp3:
0x55: {  	[sflag:s20] =	ssyncset.done $0x0;
	(pc) =	sbr.rel @p1 .LBB2_8-.Ltmp3, $4  }
0x56: {  	[sflag:s20] =	ssyncadd.s32 $0xFFFFC000  }
0x57: {  	[spmem:s2] =	stream.indirect.scatter.add.f32 [tilespmem:s25], [sflag:$0x3], $0x80, s30, s22, $0xb8;
	[tilespmem:$0x1E400] =	vst v63  }
0x58: {  	_ =	swait.ge [sflag:s20], $0x4000  }
0x59: {  	s29 =	smov.u32 s31;
	[sflag:s20] =	ssyncset.done $0x0  }
0x5a: {  	s28 =	sshra.s32 s28, $0x2;
	[sflag:s20] =	ssyncadd.s32 $0xFFFFC000  }
0x5b: {  	[tilespmem:s23], [sflag:$0x1] =	stream.indirect.gather [hbm4b:s1+s22], $0x80, s28, s22, $0xb8;
	[tilespmem:$0x1E400] =	vst v63  }
0x5c: {  	_ =	swait.ge [sflag:s24], $0x4000  }
0x5d: {  	[sflag:s24] =	ssyncset.done $0x0  }
0x5e: {  	s29 =	sadd.s32 $0x1400, s28;
	[sflag:s24] =	ssyncadd.s32 $0xFFFFC000  }
0x5f: {  	[tilespmem:s25], [sflag:$0x2] =	stream.indirect.gather [hbm4b:s1+s22], $0x80, s29, s22, $0xb8;
	[tilespmem:$0x1E400] =	vst v63  }
0x60: {  	_ =	swait.ge [sflag:s26], $0x4000  }
0x61: {  	[sflag:s26] =	ssyncset.done $0x0  }
0x62: {  	[sflag:s26] =	ssyncadd.s32 $0xFFFFC000  }
0x63: {  	[spmem:s2] =	stream.indirect.scatter.add.f32 [tilespmem:s23], [sflag:$0x3], $0x80, s29, s22, $0xb8;
	[tilespmem:$0x1E400] =	vst v63  }
0x64: {  	_ =	swait.ge [sflag:s20], $0x4000  }
0x65: {  	[sflag:s20] =	ssyncset.done $0x0  }
0x66: {  	[sflag:s20] =	ssyncadd.s32 $0xFFFFC000  }
0x67: {  	[spmem:s2] =	stream.indirect.scatter.add.f32 [tilespmem:s25], [sflag:$0x3], $0x80, s28, s22, $0xb8;
	[tilespmem:$0x1E400] =	vst v63  }
0x68: {  	_ =	swait.ge [sflag:s20], $0x4000  }
0x69: {  	[sflag:s20] =	ssyncset.done $0x0  }
0x6a: {  	s28 =	simm.s32 $0x0;
	[sflag:s20] =	ssyncadd.s32 $0xFFFFC000  }
0x6b: {  	[tilespmem:s28], [sflag:$0x3] =	stream.linear.gather [hbm4b:s16+s28], $0x1400, $0x38;
	[tilespmem:$0x1E400] =	vst v63  }
0x6c: {  	_ =	swait.ge [sflag:s20], $0x1400  }
0x6d: {  	[sflag:s20] =	ssyncset.done $0x0  }
0x6e: {  	[sflag:s20] =	ssyncadd.s32 $0xFFFFEC00  }
0x6f: {  	[tilespmem:s21], [sflag:$0x3] =	stream.linear.gather [hbm4b:s17+s28], $0x1400, $0x38;
	[tilespmem:$0x1E400] =	vst v63  }
0x70: {  	_ =	swait.ge [sflag:s20], $0x1400  }
0x71: {  	[sflag:s20] =	ssyncset.done $0x0  }
0x72: {  	s28 =	simm.s32 $0x0;
	[sflag:s20] =	ssyncadd.s32 $0xFFFFEC00  }
0x73: {  	[tilespmem:s23], [sflag:$0x1] =	stream.indirect.gather [hbm4b:s1+s22], $0x80, s28, s22, $0xb8;
	[tilespmem:$0x1E400] =	vst v63  }
0x74: {  	_ =	swait.ge [sflag:s24], $0x4000  }
0x75: {  	[sflag:s24] =	ssyncset.done $0x0  }
0x76: {  	s29 =	simm.s32 $0x1400;
	[sflag:s24] =	ssyncadd.s32 $0xFFFFC000  }
0x77: {  	[tilespmem:s25], [sflag:$0x2] =	stream.indirect.gather [hbm4b:s1+s22], $0x80, s29, s22, $0xb8;
	[tilespmem:$0x1E400] =	vst v63  }
0x78: {  	_ =	swait.ge [sflag:s26], $0x4000  }
0x79: {  	[sflag:s26] =	ssyncset.done $0x0  }
0x7a: {  	[sflag:s26] =	ssyncadd.s32 $0xFFFFC000  }
0x7b: {  	[spmem:s2] =	stream.indirect.scatter.add.f32 [tilespmem:s23], [sflag:$0x3], $0x80, s29, s22, $0xb8;
	[tilespmem:$0x1E400] =	vst v63  }
0x7c: {  	_ =	swait.ge [sflag:s20], $0x4000  }
0x7d: {  	[sflag:s20] =	ssyncset.done $0x0  }
0x7e: {  	[sflag:s20] =	ssyncadd.s32 $0xFFFFC000  }
0x7f: {  	[spmem:s2] =	stream.indirect.scatter.add.f32 [tilespmem:s25], [sflag:$0x3], $0x80, s28, s22, $0xb8;
	[tilespmem:$0x1E400] =	vst v63  }
0x80: {  	_ =	swait.ge [sflag:s20], $0x4000  }
0x81: {  	s29 =	simm.s32 $0x400;
	s28 =	simm.s32 $0x200;
	[sflag:s20] =	ssyncset.done $0x0  }
.LBB2_10:
0x82: {  	s30 =	sshra.s32 s28, $0x2  }
0x83: {  	[sflag:s20] =	ssyncadd.s32 $0xFFFFC000;
	s28 =	smov.u32 s29;
	s31 =	sadd.s32 $0x200, s29  }
0x84: {  	[tilespmem:s23], [sflag:$0x1] =	stream.indirect.gather [hbm4b:s1+s22], $0x80, s30, s22, $0xb8;
	[tilespmem:$0x1E400] =	vst v63  }
0x85: {  	p1 =	sne.s32 s29, $0x4E00;
	_ =	swait.ge [sflag:s24], $0x4000  }
0x86: {  	[sflag:s24] =	ssyncset.done $0x0  }
0x87: {  	s29 =	sadd.s32 $0x1400, s30;
	[sflag:s24] =	ssyncadd.s32 $0xFFFFC000  }
0x88: {  	[tilespmem:s25], [sflag:$0x2] =	stream.indirect.gather [hbm4b:s1+s22], $0x80, s29, s22, $0xb8;
	[tilespmem:$0x1E400] =	vst v63  }
0x89: {  	_ =	swait.ge [sflag:s26], $0x4000  }
0x8a: {  	[sflag:s26] =	ssyncset.done $0x0  }
0x8b: {  	[sflag:s26] =	ssyncadd.s32 $0xFFFFC000  }
0x8c: {  	[spmem:s2] =	stream.indirect.scatter.add.f32 [tilespmem:s23], [sflag:$0x3], $0x80, s29, s22, $0xb8;
	[tilespmem:$0x1E400] =	vst v63  }
0x8d: {  	_ =	swait.ge [sflag:s20], $0x4000  }
.Ltmp4:
0x8e: {  	[sflag:s20] =	ssyncset.done $0x0;
	(pc) =	sbr.rel @p1 .LBB2_10-.Ltmp4, $4  }
0x8f: {  	[sflag:s20] =	ssyncadd.s32 $0xFFFFC000  }
0x90: {  	[spmem:s2] =	stream.indirect.scatter.add.f32 [tilespmem:s25], [sflag:$0x3], $0x80, s30, s22, $0xb8;
	[tilespmem:$0x1E400] =	vst v63  }
0x91: {  	_ =	swait.ge [sflag:s20], $0x4000  }
0x92: {  	s29 =	smov.u32 s31;
	[sflag:s20] =	ssyncset.done $0x0  }
.Ltmp5:
0x93: {  	_ = 	snop;
	(pc) =	sbr.rel .LBB2_11-.Ltmp5, $1  }
0x94: {  	_ =	sdelay $0x3  }
.LBB2_2:
0x95: {  	[tilespmem:s28], [sflag:$0x3] =	stream.linear.gather [hbm4b:s10+s28], $0x1400, $0x38;
	[tilespmem:$0x1E400] =	vst v63  }
0x96: {  	_ =	swait.ge [sflag:s20], $0x1400  }
0x97: {  	[sflag:s20] =	ssyncset.done $0x0  }
0x98: {  	[sflag:s20] =	ssyncadd.s32 $0xFFFFEC00  }
0x99: {  	[tilespmem:s21], [sflag:$0x3] =	stream.linear.gather [hbm4b:s11+s28], $0x1400, $0x38;
	[tilespmem:$0x1E400] =	vst v63  }
0x9a: {  	_ =	swait.ge [sflag:s20], $0x1400  }
0x9b: {  	[sflag:s20] =	ssyncset.done $0x0  }
0x9c: {  	s28 =	simm.s32 $0x0;
	[sflag:s20] =	ssyncadd.s32 $0xFFFFEC00  }
0x9d: {  	[tilespmem:s23], [sflag:$0x1] =	stream.indirect.gather [hbm4b:s1+s22], $0x80, s28, s22, $0xb8;
	[tilespmem:$0x1E400] =	vst v63  }
0x9e: {  	_ =	swait.ge [sflag:s24], $0x4000  }
0x9f: {  	[sflag:s24] =	ssyncset.done $0x0  }
0xa0: {  	s29 =	simm.s32 $0x1400;
	[sflag:s24] =	ssyncadd.s32 $0xFFFFC000  }
0xa1: {  	[tilespmem:s25], [sflag:$0x2] =	stream.indirect.gather [hbm4b:s1+s22], $0x80, s29, s22, $0xb8;
	[tilespmem:$0x1E400] =	vst v63  }
0xa2: {  	_ =	swait.ge [sflag:s26], $0x4000  }
0xa3: {  	[sflag:s26] =	ssyncset.done $0x0  }
0xa4: {  	[sflag:s26] =	ssyncadd.s32 $0xFFFFC000  }
0xa5: {  	[spmem:s2] =	stream.indirect.scatter.add.f32 [tilespmem:s23], [sflag:$0x3], $0x80, s29, s22, $0xb8;
	[tilespmem:$0x1E400] =	vst v63  }
0xa6: {  	_ =	swait.ge [sflag:s20], $0x4000  }
0xa7: {  	[sflag:s20] =	ssyncset.done $0x0  }
0xa8: {  	[sflag:s20] =	ssyncadd.s32 $0xFFFFC000  }
0xa9: {  	[spmem:s2] =	stream.indirect.scatter.add.f32 [tilespmem:s25], [sflag:$0x3], $0x80, s28, s22, $0xb8;
	[tilespmem:$0x1E400] =	vst v63  }
0xaa: {  	_ =	swait.ge [sflag:s20], $0x4000  }
0xab: {  	s29 =	simm.s32 $0x400;
	s28 =	simm.s32 $0x200;
	[sflag:s20] =	ssyncset.done $0x0  }
.LBB2_3:
0xac: {  	s30 =	sshra.s32 s28, $0x2  }
0xad: {  	[sflag:s20] =	ssyncadd.s32 $0xFFFFC000;
	s28 =	smov.u32 s29;
	s31 =	sadd.s32 $0x200, s29  }
0xae: {  	[tilespmem:s23], [sflag:$0x1] =	stream.indirect.gather [hbm4b:s1+s22], $0x80, s30, s22, $0xb8;
	[tilespmem:$0x1E400] =	vst v63  }
0xaf: {  	p1 =	sne.s32 s29, $0x4E00;
	_ =	swait.ge [sflag:s24], $0x4000  }
0xb0: {  	[sflag:s24] =	ssyncset.done $0x0  }
0xb1: {  	s29 =	sadd.s32 $0x1400, s30;
	[sflag:s24] =	ssyncadd.s32 $0xFFFFC000  }
0xb2: {  	[tilespmem:s25], [sflag:$0x2] =	stream.indirect.gather [hbm4b:s1+s22], $0x80, s29, s22, $0xb8;
	[tilespmem:$0x1E400] =	vst v63  }
0xb3: {  	_ =	swait.ge [sflag:s26], $0x4000  }
0xb4: {  	[sflag:s26] =	ssyncset.done $0x0  }
0xb5: {  	[sflag:s26] =	ssyncadd.s32 $0xFFFFC000  }
0xb6: {  	[spmem:s2] =	stream.indirect.scatter.add.f32 [tilespmem:s23], [sflag:$0x3], $0x80, s29, s22, $0xb8;
	[tilespmem:$0x1E400] =	vst v63  }
0xb7: {  	_ =	swait.ge [sflag:s20], $0x4000  }
.Ltmp6:
0xb8: {  	[sflag:s20] =	ssyncset.done $0x0;
	(pc) =	sbr.rel @p1 .LBB2_3-.Ltmp6, $4  }
0xb9: {  	[sflag:s20] =	ssyncadd.s32 $0xFFFFC000  }
0xba: {  	[spmem:s2] =	stream.indirect.scatter.add.f32 [tilespmem:s25], [sflag:$0x3], $0x80, s30, s22, $0xb8;
	[tilespmem:$0x1E400] =	vst v63  }
0xbb: {  	_ =	swait.ge [sflag:s20], $0x4000  }
0xbc: {  	s29 =	smov.u32 s31;
	[sflag:s20] =	ssyncset.done $0x0  }
0xbd: {  	s28 =	sshra.s32 s28, $0x2;
	[sflag:s20] =	ssyncadd.s32 $0xFFFFC000  }
0xbe: {  	[tilespmem:s23], [sflag:$0x1] =	stream.indirect.gather [hbm4b:s1+s22], $0x80, s28, s22, $0xb8;
	[tilespmem:$0x1E400] =	vst v63  }
0xbf: {  	_ =	swait.ge [sflag:s24], $0x4000  }
0xc0: {  	[sflag:s24] =	ssyncset.done $0x0  }
0xc1: {  	s29 =	sadd.s32 $0x1400, s28;
	[sflag:s24] =	ssyncadd.s32 $0xFFFFC000  }
0xc2: {  	[tilespmem:s25], [sflag:$0x2] =	stream.indirect.gather [hbm4b:s1+s22], $0x80, s29, s22, $0xb8;
	[tilespmem:$0x1E400] =	vst v63  }
0xc3: {  	_ =	swait.ge [sflag:s26], $0x4000  }
0xc4: {  	[sflag:s26] =	ssyncset.done $0x0  }
0xc5: {  	[sflag:s26] =	ssyncadd.s32 $0xFFFFC000  }
0xc6: {  	[spmem:s2] =	stream.indirect.scatter.add.f32 [tilespmem:s23], [sflag:$0x3], $0x80, s29, s22, $0xb8;
	[tilespmem:$0x1E400] =	vst v63  }
0xc7: {  	_ =	swait.ge [sflag:s20], $0x4000  }
0xc8: {  	[sflag:s20] =	ssyncset.done $0x0  }
0xc9: {  	[sflag:s20] =	ssyncadd.s32 $0xFFFFC000  }
0xca: {  	[spmem:s2] =	stream.indirect.scatter.add.f32 [tilespmem:s25], [sflag:$0x3], $0x80, s28, s22, $0xb8;
	[tilespmem:$0x1E400] =	vst v63  }
0xcb: {  	_ =	swait.ge [sflag:s20], $0x4000  }
0xcc: {  	[sflag:s20] =	ssyncset.done $0x0  }
0xcd: {  	s28 =	simm.s32 $0x0;
	[sflag:s20] =	ssyncadd.s32 $0xFFFFC000  }
0xce: {  	[tilespmem:s28], [sflag:$0x3] =	stream.linear.gather [hbm4b:s12+s28], $0x1400, $0x38;
	[tilespmem:$0x1E400] =	vst v63  }
0xcf: {  	_ =	swait.ge [sflag:s20], $0x1400  }
0xd0: {  	[sflag:s20] =	ssyncset.done $0x0  }
0xd1: {  	[sflag:s20] =	ssyncadd.s32 $0xFFFFEC00  }
0xd2: {  	[tilespmem:s21], [sflag:$0x3] =	stream.linear.gather [hbm4b:s13+s28], $0x1400, $0x38;
	[tilespmem:$0x1E400] =	vst v63  }
0xd3: {  	_ =	swait.ge [sflag:s20], $0x1400  }
0xd4: {  	[sflag:s20] =	ssyncset.done $0x0  }
0xd5: {  	s28 =	simm.s32 $0x0;
	[sflag:s20] =	ssyncadd.s32 $0xFFFFEC00  }
0xd6: {  	[tilespmem:s23], [sflag:$0x1] =	stream.indirect.gather [hbm4b:s1+s22], $0x80, s28, s22, $0xb8;
	[tilespmem:$0x1E400] =	vst v63  }
0xd7: {  	_ =	swait.ge [sflag:s24], $0x4000  }
0xd8: {  	[sflag:s24] =	ssyncset.done $0x0  }
0xd9: {  	s29 =	simm.s32 $0x1400;
	[sflag:s24] =	ssyncadd.s32 $0xFFFFC000  }
0xda: {  	[tilespmem:s25], [sflag:$0x2] =	stream.indirect.gather [hbm4b:s1+s22], $0x80, s29, s22, $0xb8;
	[tilespmem:$0x1E400] =	vst v63  }
0xdb: {  	_ =	swait.ge [sflag:s26], $0x4000  }
0xdc: {  	[sflag:s26] =	ssyncset.done $0x0  }
0xdd: {  	[sflag:s26] =	ssyncadd.s32 $0xFFFFC000  }
0xde: {  	[spmem:s2] =	stream.indirect.scatter.add.f32 [tilespmem:s23], [sflag:$0x3], $0x80, s29, s22, $0xb8;
	[tilespmem:$0x1E400] =	vst v63  }
0xdf: {  	_ =	swait.ge [sflag:s20], $0x4000  }
0xe0: {  	[sflag:s20] =	ssyncset.done $0x0  }
0xe1: {  	[sflag:s20] =	ssyncadd.s32 $0xFFFFC000  }
0xe2: {  	[spmem:s2] =	stream.indirect.scatter.add.f32 [tilespmem:s25], [sflag:$0x3], $0x80, s28, s22, $0xb8;
	[tilespmem:$0x1E400] =	vst v63  }
0xe3: {  	_ =	swait.ge [sflag:s20], $0x4000  }
0xe4: {  	s29 =	simm.s32 $0x400;
	s28 =	simm.s32 $0x200;
	[sflag:s20] =	ssyncset.done $0x0  }
.LBB2_5:
0xe5: {  	s30 =	sshra.s32 s28, $0x2  }
0xe6: {  	[sflag:s20] =	ssyncadd.s32 $0xFFFFC000;
	s28 =	smov.u32 s29;
	s31 =	sadd.s32 $0x200, s29  }
0xe7: {  	[tilespmem:s23], [sflag:$0x1] =	stream.indirect.gather [hbm4b:s1+s22], $0x80, s30, s22, $0xb8;
	[tilespmem:$0x1E400] =	vst v63  }
0xe8: {  	p1 =	seq.s32 s29, $0x4E00;
	_ =	swait.ge [sflag:s24], $0x4000  }
0xe9: {  	[sflag:s24] =	ssyncset.done $0x0  }
0xea: {  	s29 =	sadd.s32 $0x1400, s30;
	[sflag:s24] =	ssyncadd.s32 $0xFFFFC000  }
0xeb: {  	[tilespmem:s25], [sflag:$0x2] =	stream.indirect.gather [hbm4b:s1+s22], $0x80, s29, s22, $0xb8;
	[tilespmem:$0x1E400] =	vst v63  }
0xec: {  	_ =	swait.ge [sflag:s26], $0x4000  }
0xed: {  	[sflag:s26] =	ssyncset.done $0x0  }
0xee: {  	[sflag:s26] =	ssyncadd.s32 $0xFFFFC000  }
0xef: {  	[spmem:s2] =	stream.indirect.scatter.add.f32 [tilespmem:s23], [sflag:$0x3], $0x80, s29, s22, $0xb8;
	[tilespmem:$0x1E400] =	vst v63  }
0xf0: {  	_ =	swait.ge [sflag:s20], $0x4000  }
.Ltmp7:
0xf1: {  	[sflag:s20] =	ssyncset.done $0x0;
	(pc) =	sbr.rel @!p1 .LBB2_5-.Ltmp7, $4  }
0xf2: {  	[sflag:s20] =	ssyncadd.s32 $0xFFFFC000  }
0xf3: {  	[spmem:s2] =	stream.indirect.scatter.add.f32 [tilespmem:s25], [sflag:$0x3], $0x80, s30, s22, $0xb8;
	[tilespmem:$0x1E400] =	vst v63  }
0xf4: {  	_ =	swait.ge [sflag:s20], $0x4000  }
0xf5: {  	s29 =	smov.u32 s31;
	[sflag:s20] =	ssyncset.done $0x0  }
0xf6: {  	s28 =	sshra.s32 s28, $0x2;
	[sflag:s20] =	ssyncadd.s32 $0xFFFFC000  }
0xf7: {  	[tilespmem:s23], [sflag:$0x1] =	stream.indirect.gather [hbm4b:s1+s22], $0x80, s28, s22, $0xb8;
	[tilespmem:$0x1E400] =	vst v63  }
0xf8: {  	_ =	swait.ge [sflag:s24], $0x4000  }
0xf9: {  	[sflag:s24] =	ssyncset.done $0x0  }
0xfa: {  	s29 =	sadd.s32 $0x1400, s28;
	[sflag:s24] =	ssyncadd.s32 $0xFFFFC000  }
0xfb: {  	[tilespmem:s25], [sflag:$0x2] =	stream.indirect.gather [hbm4b:s1+s22], $0x80, s29, s22, $0xb8;
	[tilespmem:$0x1E400] =	vst v63  }
0xfc: {  	_ =	swait.ge [sflag:s26], $0x4000  }
0xfd: {  	[sflag:s26] =	ssyncset.done $0x0  }
0xfe: {  	[sflag:s26] =	ssyncadd.s32 $0xFFFFC000  }
0xff: {  	[spmem:s2] =	stream.indirect.scatter.add.f32 [tilespmem:s23], [sflag:$0x3], $0x80, s29, s22, $0xb8;
	[tilespmem:$0x1E400] =	vst v63  }
0x100: {  	_ =	swait.ge [sflag:s20], $0x4000  }
0x101: {  	[sflag:s20] =	ssyncset.done $0x0  }
.Ltmp8:
0x102: {  	[sflag:s20] =	ssyncadd.s32 $0xFFFFC000;
	(pc) =	sbr.rel .LBB2_12-.Ltmp8, $4  }
0x103: {  	[spmem:s2] =	stream.indirect.scatter.add.f32 [tilespmem:s25], [sflag:$0x3], $0x80, s28, s22, $0xb8;
	[tilespmem:$0x1E400] =	vst v63  }
0x104: {  	_ =	swait.ge [sflag:s20], $0x4000  }
0x105: {  	[sflag:s20] =	ssyncset.done $0x0  }
0x106: {  	s28 =	smov.u32 s5;
	[sflag:s20] =	ssyncadd.s32 $0xFFFFC000  }
.LBB2_13:
0x107: {  	_ =	sfence.sel $0x180000  }
0x108: {  	[bflag:$0x0] =	sbarrier.arrive $0xFFFF  }
0x109: {  	p0 =	sne.s32 s4, $0x0;
	_ =	strace $0x9000004D  }
0x10a: {  	s0 =	sadd.s32 @!p0 $0x100000, s0;
	[bflag:$0x2] =	sbarrier.arrive $0xFFFF  }
0x10b: {  	[sflag:s0] =	ssyncadd.tile.s32 @!p0 $0x1;
	_ =	shalt  }
.Lfunc_end2:
_tile_overlayer_lowered:
.L_overlay_start_2:
0x10c: {  	(tag) =	ssettag $0x2  }
0x10d: {  	s0 =	rddreg [dreg:$0x0];
	s2 =	stileid.u32  }
0x10e: {  	s1 =	rddreg [dreg:$0x1];
	p0 =	sne.s32 s2, $0x0  }
0x10f: {  	s3 =	rddreg [dreg:$0x2];
	[bflag:$0x3] =	sbarrier.arrive $0xFFFF;
	s2 =	simm.s32 @!p0 $0x1C03  }
0x110: {  	[timem:s3], [sflag:s2] =	dma.local @!p0 [hbm:s0], s1  }
0x111: {  	s0 =	simm.s32 @!p0 $0x3  }
0x112: {  	_ =	swait.ge @!p0 [sflag:s0], s1  }
0x113: {  	s1 =	ssub.s32 @!p0 $0x0, s1;
	[sflag:s0] =	ssyncset.done @!p0 $0x0  }
0x114: {  	[sflag:s0] =	ssyncadd.s32 @!p0 s1  }
0x115: {  	[bflag:$0x3] =	sbarrier.arrive $0xFFFF  }
0x116: {  	_ =	shalt  }

// kernel: kernel.9.cloned.1.call-start
scs
__scs_entry_jumppad:
0x0: {  	(pc) =	sbr.rel $0x88, $3  }
0x1: {  	(tag) =	ssettag $0x0;
	lr =	simm.s32 $0x1  }
0x2: {  	[smem:$0x3F83] =	sst lr;
	_ =	strace $0xD0000000  }
0x3: {  	_ = 	snop  }
0x4: {  	_ = 	snop  }
0x5: {  	_ = 	snop  }
0x6: {  	_ = 	snop  }
0x7: {  	_ = 	snop  }
__scs_overlays_trampoline_lowered:
0x8: {  	[smem:$0x3F92] =	sst s0  }
0x9: {  	[smem:$0x3F93] =	sst s1  }
0xa: {  	[smem:$0x3F94] =	sst s2  }
0xb: {  	[smem:$0x3F95] =	sst s3  }
0xc: {  	[smem:$0x3F96] =	sst s4  }
0xd: {  	[smem:$0x3F97] =	sst s5  }
0xe: {  	[smem:$0x3F98] =	sst s6  }
0xf: {  	[smem:$0x3F99] =	sst s7  }
0x10: {  	[smem:$0x3F9A] =	sst s8  }
0x11: {  	[smem:$0x3F9B] =	sst s9;
	s0 =	simm.s32 @!p0 $0x0  }
0x12: {  	s1 =	sld [smem:$0x3F81];
	s0 =	simm.s32 @p0 $0x1  }
0x13: {  	[smem:$0x3F9C] =	sst s0;
	s0 =	simm.s32 @!p1 $0x0  }
0x14: {  	s2 =	sld [smem:$0x3F80];
	s0 =	simm.s32 @p1 $0x1  }
0x15: {  	[smem:$0x3F9D] =	sst s0;
	s0 =	simm.s32 @!p2 $0x0  }
0x16: {  	s3 =	sld [smem:$0x3FDB];
	s0 =	simm.s32 @p2 $0x1  }
0x17: {  	s4 =	simm.s32 $0x1BF5;
	[smem:$0x3F9F] =	sst s0  }
0x18: {  	s0 =	sld [smem:$0x3F82];
	_ =	swait.ge [sflag:s4], $0x0  }
0x19: {  	s7 =	sld [smem:$0x3F83]  }
0x1a: {  	s8 =	sadd.s32 $0xFFFFE003, lr  }
0x1b: {  	s9 =	sadd.s32 $0xFFFFFEF7, lr;
	s5 =	simm.s32 $0xFFFFFFFF;
	p2 =	slt.u32 s8, $0xFFFFF086  }
0x1c: {  	p1 =	slt.u32 s9, $0xF7A;
	s5 =	simm.s32 @!p2 $0x0  }
0x1d: {  	s5 =	simm.s32 @p1 $0x1;
	p0 =	seq.s32 s7, s2  }
0x1e: {  	s7 =	smul.u32 @!p0 $0xF7A, s2;
	p2 =	seq.s32 @!p0 s5, $0x0  }
0x1f: {  	s9 =	smul.u32 $0xF7A, s1;
	s8 =	simm.s32 @!p0 $0x1BF5;
	p2 =	por !p2, p0  }
0x20: {  	[sflag:s8] =	ssyncset.s32 @!p0 $0xFFFFF086;
	s6 =	sadd.s32 @!p0 s3, s7;
	s7 =	simm.s32 @!p0 $0x108  }
0x21: {  	s3 =	sadd.s32 s3, s9;
	s6 =	sadd.s32 @!p0 $0x88, s6;
	s7 =	simm.s32 @p2 $0x1082  }
0x22: {  	[simem:s7], [sflag:s8] =	dma.local @!p0 [hbm:s6], $0xF7A  }
0x23: {  	s9 =	sor.u32 $0xD0000000, s2;
	s6 =	simm.s32 $0x108;
	_ =	swait.ge @!p0 [sflag:s8], $0x0  }
0x24: {  	s3 =	sadd.s32 $0x88, s3;
	s6 =	simm.s32 @!p1 $0x1082;
	[sflag:s4] =	ssyncset.s32 $0xFFFFF086  }
0x25: {  	[simem:s6], [sflag:s4] =	dma.local [hbm:s3], $0xF7A  }
0x26: {  	[smem:$0x3F83] =	sst s1;
	(tag) =	ssettag s2;
	_ =	strace s9  }
0x27: {  	s1 =	sld [smem:$0x3F93]  }
0x28: {  	s2 =	sld [smem:$0x3F94]  }
0x29: {  	s4 =	sld [smem:$0x3F96]  }
0x2a: {  	p0 =	seq.s32 s5, $0x0;
	s5 =	sld [smem:$0x3F97]  }
0x2b: {  	s6 =	sld [smem:$0x3F98]  }
0x2c: {  	s7 =	sld [smem:$0x3F99]  }
0x2d: {  	s3 =	simm.s32 $0x108;
	s8 =	sld [smem:$0x3F9A]  }
0x2e: {  	s3 =	simm.s32 @!p0 $0x1082;
	s9 =	sld [smem:$0x3F9B]  }
0x2f: {  	lr =	sadd.s32 s0, s3;
	s0 =	sld [smem:$0x3F92]  }
0x30: {  	s3 =	sld [smem:$0x3F95]  }
0x31: {  	[smem:$0x3F9E] =	sst s10  }
0x32: {  	s10 =	sld [smem:$0x3F9C];
	_ =	sdelay $0x3  }
0x33: {  	p0 =	seq.s32 s10, $0x1;
	s10 =	sld [smem:$0x3F9E];
	_ =	sdelay $0x3  }
0x34: {  	[smem:$0x3F9E] =	sst s10  }
0x35: {  	s10 =	sld [smem:$0x3F9D];
	_ =	sdelay $0x3  }
0x36: {  	p1 =	seq.s32 s10, $0x1;
	s10 =	sld [smem:$0x3F9E];
	_ =	sdelay $0x3  }
0x37: {  	[smem:$0x3F9E] =	sst s10  }
0x38: {  	s10 =	sld [smem:$0x3F9F]  }
0x39: {  	_ = 	snop;
	(pc) =	sbr.ind lr, $3  }
0x3a: {  	_ = 	snop  }
0x3b: {  	_ = 	snop  }
0x3c: {  	p2 =	seq.s32 s10, $0x1;
	s10 =	sld [smem:$0x3F9E]  }
0x3d: {  	_ =	shalt  }
0x3e: {  	_ =	shalt  }
0x3f: {  	_ =	shalt  }
0x40: {  	_ =	shalt  }
0x41: {  	_ =	shalt  }
0x42: {  	_ =	shalt  }
0x43: {  	_ =	shalt  }
0x44: {  	_ =	shalt  }
0x45: {  	_ =	shalt  }
0x46: {  	_ =	shalt  }
0x47: {  	_ =	shalt  }
0x48: {  	_ =	shalt  }
0x49: {  	_ =	shalt  }
0x4a: {  	_ =	shalt  }
0x4b: {  	_ =	shalt  }
0x4c: {  	_ =	shalt  }
0x4d: {  	_ =	shalt  }
0x4e: {  	_ =	shalt  }
0x4f: {  	_ =	shalt  }
0x50: {  	_ =	shalt  }
0x51: {  	_ =	shalt  }
0x52: {  	_ =	shalt  }
0x53: {  	_ =	shalt  }
0x54: {  	_ =	shalt  }
0x55: {  	_ =	shalt  }
0x56: {  	_ =	shalt  }
0x57: {  	_ =	shalt  }
0x58: {  	_ =	shalt  }
0x59: {  	_ =	shalt  }
0x5a: {  	_ =	shalt  }
0x5b: {  	_ =	shalt  }
0x5c: {  	_ =	shalt  }
0x5d: {  	_ =	shalt  }
0x5e: {  	_ =	shalt  }
0x5f: {  	_ =	shalt  }
0x60: {  	_ =	shalt  }
0x61: {  	_ =	shalt  }
0x62: {  	_ =	shalt  }
0x63: {  	_ =	shalt  }
0x64: {  	_ =	shalt  }
0x65: {  	_ =	shalt  }
0x66: {  	_ =	shalt  }
0x67: {  	_ =	shalt  }
0x68: {  	_ =	shalt  }
0x69: {  	_ =	shalt  }
0x6a: {  	_ =	shalt  }
0x6b: {  	_ =	shalt  }
0x6c: {  	_ =	shalt  }
0x6d: {  	_ =	shalt  }
0x6e: {  	_ =	shalt  }
0x6f: {  	_ =	shalt  }
0x70: {  	_ =	shalt  }
0x71: {  	_ =	shalt  }
0x72: {  	_ =	shalt  }
0x73: {  	_ =	shalt  }
0x74: {  	_ =	shalt  }
0x75: {  	_ =	shalt  }
0x76: {  	_ =	shalt  }
0x77: {  	_ =	shalt  }
0x78: {  	_ =	shalt  }
0x79: {  	_ =	shalt  }
0x7a: {  	_ =	shalt  }
0x7b: {  	_ =	shalt  }
0x7c: {  	_ =	shalt  }
0x7d: {  	_ =	shalt  }
0x7e: {  	_ =	shalt  }
0x7f: {  	_ =	shalt  }
0x80: {  	_ =	shalt  }
0x81: {  	_ =	shalt  }
0x82: {  	_ =	shalt  }
0x83: {  	_ =	shalt  }
0x84: {  	_ =	shalt  }
0x85: {  	_ =	shalt  }
0x86: {  	_ =	shalt  }
0x87: {  	_ =	shalt  }
.Lfunc_end0:
.L_simem_size_0:
called_computation.3_lowered:
.L_overlay_start_0:
0x88: {  	s2 =	sld [smem:$0x3FD9]  }
0x89: {  	s3 =	sld [smem:$0x3FFE];
	_ =	sdelay $0x1  }
0x8a: {  	s1 =	srdreg.scid  }
0x8b: {  	s0 =	sand.u32 $0x1, s1  }
0x8c: {  	s15 =	sshll.u32 s0, $0xA;
	s2 =	sadd.s32 s3, s2  }
0x8d: {  	s2 =	sadd.s32 s2, s15  }
0x8e: {  	[smem:$0x3FAA] =	sst s2  }
0x8f: {  	_ = 	snop  }
0x90: {  	s2 =	sld [smem:$0x3FD0];
	_ =	sdelay $0x2  }
0x91: {  	s4 =	simm.s32 $0xB;
	s16 =	simm.s32 $0x10  }
0x92: {  	[smem:s16], [sflag:s4] =	dma.local [hbm:s2], $0x1  }
0x93: {  	_ =	swait.eq [sflag:s4], $0x1  }
0x94: {  	[sflag:s4] =	ssyncset.done $0x0  }
0x95: {  	s17 =	sld [smem:$0x13];
	[sflag:s4] =	ssyncadd.s32 $0xFFFFFFFF  }
0x96: {  	s18 =	sld [smem:$0x15];
	(tm) =	ssettm $0x1  }
0x97: {  	s19 =	sld [smem:$0x3FFB];
	_ =	sdelay $0x3  }
0x98: {  	_ =	strace s19  }
0x99: {  	s2 =	sld [smem:$0x3FFC];
	_ =	sdelay $0x3  }
0x9a: {  	_ =	strace s2  }
0x9b: {  	s2 =	sld [smem:$0x3FFD];
	_ =	sdelay $0x3  }
0x9c: {  	_ =	strace s2  }
0x9d: {  	_ =	strace $0x8FFFFFFF  }
0x9e: {  	s20 =	sld [smem:$0x3FDB];
	_ =	sdelay $0x1  }
0x9f: {  	s5 =	simm.s32 $_scs_section_size  }
0xa0: {  	s6 =	simm.s32 $_size__tile_overlayer_lowered;
	s7 =	simm.s32 $_tile_overlayer_lowered  }
0xa1: {  	s8 =	simm.s32 $0x1BFF;
	s21 =	sshll.u32 s7, $0x1;
	s5 =	sadd.s32 s5, s20  }
0xa2: {  	s22 =	simm.s32 $0x0;
	s6 =	sshll.u32 s6, $0x1;
	s7 =	sadd.s32 s21, s5  }
0xa3: {  	[timem:s22], [sflag:s8] =	dma.local [hbm:s7], s6  }
0xa4: {  	_ =	swait.ge [sflag:s8], s6  }
0xa5: {  	s6 =	ssub.s32 $0x0, s6;
	[sflag:s8] =	ssyncset.done $0x0  }
0xa6: {  	[sflag:s8] =	ssyncadd.s32 s6;
	_ =	sdelay $0x1  }
0xa7: {  	s23 =	simm.s32 $0x1B8B  }
0xa8: {  	_ =	swait.ge [sflag:s23], $0x1  }
0xa9: {  	[sflag:s23] =	ssyncset.done $0x0  }
0xaa: {  	[sflag:s23] =	ssyncadd.s32 $0xFFFFFFFF  }
0xab: {  	s6 =	sld [smem:$0x0]  }
0xac: {  	s7 =	sand.u32 $0xFFFFFFFE, s1  }
0xad: {  	p0 =	sne.s32 s1, s7  }
0xae: {  	s7 =	sshll.u32 @p0 s7, $0xE  }
0xaf: {  	s7 =	sadd.s32 @p0 $0x11B8D, s7;
	s8 =	sshll.u32 @p0 s6, $0x11  }
0xb0: {  	s7 =	sor.u32 @p0 s8, s7  }
0xb1: {  	[sflag:s7] =	ssyncadd.remote.s32 @p0 $0x1;
	_ =	sdelay $0x1  }
0xb2: {  	s7 =	simm.s32 @p0 $0x1B8D  }
0xb3: {  	_ =	swait.eq @p0 [sflag:s7], $0x1  }
0xb4: {  	[sflag:s7] =	ssyncadd.s32 @p0 $0xFFFFFFFF  }
0xb5: {  	s8 =	sshll.u32 @!p0 s1, $0xE  }
0xb6: {  	s8 =	sor.u32 @!p0 $0x4000, s8;
	s7 =	simm.s32 @!p0 $0x1B8D  }
0xb7: {  	s6 =	sshll.u32 @!p0 s6, $0x11;
	s8 =	sadd.s32 @!p0 $0x11B8D, s8;
	_ =	swait.eq @!p0 [sflag:s7], $0x1  }
0xb8: {  	s6 =	sor.u32 @!p0 s6, s8;
	[sflag:s7] =	ssyncadd.s32 @!p0 $0xFFFFFFFF  }
0xb9: {  	s25 =	simm.s32 $0x1B8E;
	s24 =	sld [smem:$0x3FFE];
	[sflag:s6] =	ssyncadd.remote.s32 @!p0 $0x1  }
0xba: {  	s26 =	simm.s32 $execute0_lowered;
	[smem:$0x3FD2] =	sst s25  }
0xbb: {  	s7 =	sshll.u32 s26, $0x1;
	_ =	strace $0x80000052;
	[dreg:$0x1] =	wrdreg $0xFFFFFFFF  }
0xbc: {  	s28 =	simm.s32 $_size_execute0_lowered;
	s5 =	sadd.s32 s5, s7;
	[dreg:$0x0] =	wrdreg $0x0  }
0xbd: {  	s7 =	sshll.u32 s28, $0x1;
	[dreg:$0x2] =	wrdreg s5  }
0xbe: {  	[dreg:$0x3] =	wrdreg s7  }
0xbf: {  	[dreg:$0x4] =	wrdreg $0xC0  }
0xc0: {  	_ =	task [dreg:s22], $0x5FFFF  }
0xc1: {  	[dreg:$0x1] =	wrdreg $0xFFFFFFFF  }
0xc2: {  	[dreg:$0x0] =	wrdreg $0x60  }
0xc3: {  	[dreg:$0x2] =	wrdreg s24  }
0xc4: {  	[dreg:$0x3] =	wrdreg s18  }
0xc5: {  	[dreg:$0x4] =	wrdreg s17  }
0xc6: {  	[dreg:$0x5] =	wrdreg $0xA8000  }
0xc7: {  	[dreg:$0x6] =	wrdreg $0x9  }
0xc8: {  	_ =	task.clear_ibuf [dreg:s22], $0x7FFFF;
	_ =	strace $0x90000052  }
0xc9: {  	s29 =	simm.s32 $0x9;
	_ =	strace $0x80000054  }
0xca: {  	_ =	swait.ge [sflag:s29], $0x1  }
0xcb: {  	[sflag:s29] =	ssyncadd.s32 $0xFFFFFFFF  }
0xcc: {  	_ =	strace $0x90000054  }
0xcd: {  	_ =	sfence  }
0xce: {  	s30 =	sld [smem:$0x0];
	_ =	sdelay $0x2  }
0xcf: {  	s31 =	sshll.u32 s1, $0xD;
	s1 =	sshrl.u32 s1, $0x2  }
0xd0: {  	s4 =	sand.u32 $0x4000, s31;
	s1 =	sadd.s32 s1, s30  }
0xd1: {  	s0 =	sor.u32 s4, s0;
	s1 =	sshll.u32 s1, $0x11  }
0xd2: {  	s0 =	sor.u32 s1, s0  }
0xd3: {  	s0 =	sadd.s32 $0x8F2B, s0  }
0xd4: {  	[sflag:s0] =	ssyncadd.remote.s32 $0x1  }
0xd5: {  	_ =	sfence.sel $0xFFFF  }
0xd6: {  	[dreg:$0x0] =	wrdreg $0xFFFFFFFF;
	(pc) =	sbr.abs _section_cstart, $3  }
0xd7: {  	[dreg:$0x1] =	wrdreg $0xFFFFFFFF  }
0xd8: {  	_ =	task.clear_ibuf [dreg:s22], $0x2FFFF;
	_ =	strace $0x9FFFFFFF  }
0xd9: {  	(tm) =	ssettm $0x7FFFFFFF  }
tec
execute0_lowered:
.L_overlay_start_1:
0x0: {  	(tag) =	ssettag $0x1  }
0x1: {  	s12 =	rddreg [dreg:$0x0]  }
0x2: {  	s1 =	rddreg [dreg:$0x1]  }
0x3: {  	s2 =	rddreg [dreg:$0x2]  }
0x4: {  	s3 =	rddreg [dreg:$0x3]  }
0x5: {  	s0 =	rddreg [dreg:$0x4];
	s4 =	simm.s32 $0x0;
	s7 =	srdreg.scid  }
0x6: {  	s5 =	stileid.u32;
	s16 =	simm.s32 $0x3;
	s17 =	simm.s32 $0x1400  }
0x7: {  	s18 =	simm.s32 $0x80;
	s19 =	simm.s32 $0x2800;
	s20 =	simm.s32 $0x1  }
0x8: {  	s21 =	simm.s32 $0x6800;
	s22 =	simm.s32 $0x2;
	[smem:$0x7FF] =	sst s4  }
0x9: {  	s6 =	sadd.s32 $0xC5800, s12;
	s13 =	sand.u32 $0x1, s7;
	s7 =	sadd.s32 $0xED000, s12  }
0xa: {  	s11 =	smul.u32 $0x4F000, s5;
	s8 =	sadd.s32 $0x13C000, s12;
	s9 =	sadd.s32 $0x114800, s12  }
.Ltmp0:
0xb: {  	s31 =	sshll.u32 s5, $0x6;
	s10 =	ssub.s32 $0x2, s13;
	(pc) =	sbr.rel .LBB2_1-.Ltmp0, $4  }
0xc: {  	_ =	strace $0x80000053;
	p0 =	seq.s32 s13, $0x1;
	s14 =	sshrl.u32 s10, $0x1  }
0xd: {  	s15 =	sshrl.u32 s11, $0x2;
	s14 =	ssub.s32 s10, s14;
	s10 =	smul.u32 $0x2780, s5  }
0xe: {  	s11 =	smul.u32 $0xA0, s5;
	s15 =	sadd.s32 s15, s3;
	s13 =	smax.u32 s14, $0x1  }
0xf: {  	s14 =	sor.u32 $0x1C03, s31;
	s15 =	sshrl.u32 s15, $0x3;
	s12 =	sadd.s32 s12, s10  }
.LBB2_10:
0x10: {  	s4 =	sadd.s32 $0x1, s4  }
0x11: {  	p1 =	sne.s32 s4, s13  }
.Ltmp1:
0x12: {  	s23 =	sadd.s32 s23, s10;
	[bflag:$0x0] =	sbarrier.arrive $0xFFFF;
	(pc) =	sbr.rel @!p1 .LBB2_11-.Ltmp1, $4  }
0x13: {  	[hbm:s23], [sflag:s14] =	dma.local [spmem:s15], $0x2780  }
0x14: {  	_ =	swait.ge [sflag:s16], $0x2780  }
0x15: {  	[sflag:s16] =	ssyncset.done $0x0  }
0x16: {  	[sflag:s16] =	ssyncadd.s32 $0xFFFFD880  }
.LBB2_1:
0x17: {  	[spmem:s15], [sflag:s14] =	dma.local [hbm:s12], $0x2780  }
.Ltmp2:
0x18: {  	_ =	swait.ge [sflag:s16], $0x2780;
	(pc) =	sbr.rel @!p0 .LBB2_2-.Ltmp2, $4  }
0x19: {  	[sflag:s16] =	ssyncset.done $0x0  }
0x1a: {  	[sflag:s16] =	ssyncadd.s32 $0xFFFFD880  }
0x1b: {  	[bflag:$0x0] =	sbarrier.arrive $0xFFFF  }
0x1c: {  	s23 =	simm.s32 $0x0;
	s24 =	simm.s32 $0x0  }
.LBB2_6:
0x1d: {  	s23 =	smul.u32 $0x28, s24;
	_ =	sdelay $0x1  }
0x1e: {  	s23 =	sadd.s32 s11, s23  }
0x1f: {  	s23 =	sshll.u32 s23, $0x4  }
0x20: {  	s26 =	simm.s32 $0x0;
	s25 =	sadd.s32 s1, s23  }
0x21: {  	[tilespmem:s26], [sflag:$0x3] =	stream.linear.gather [hbm4b:s25+s26], $0x1400, $0x38;
	[tilespmem:$0x1E400] =	vst v63  }
0x22: {  	_ =	swait.ge [sflag:s16], $0x1400  }
0x23: {  	[sflag:s16] =	ssyncset.done $0x0  }
0x24: {  	s23 =	sadd.s32 s2, s23;
	[sflag:s16] =	ssyncadd.s32 $0xFFFFEC00  }
0x25: {  	[tilespmem:s17], [sflag:$0x3] =	stream.linear.gather [hbm4b:s23+s26], $0x1400, $0x38;
	[tilespmem:$0x1E400] =	vst v63  }
0x26: {  	_ =	swait.ge [sflag:s16], $0x1400  }
0x27: {  	[sflag:s16] =	ssyncset.done $0x0  }
0x28: {  	s30 =	simm.s32 $0x0;
	[sflag:s16] =	ssyncadd.s32 $0xFFFFEC00  }
0x29: {  	[tilespmem:s19], [sflag:$0x1] =	stream.indirect.gather [hbm4b:s7+s18], $0x80, s30, s18, $0xb8;
	[tilespmem:$0x1E400] =	vst v63  }
0x2a: {  	_ =	swait.ge [sflag:s20], $0x4000  }
0x2b: {  	[sflag:s20] =	ssyncset.done $0x0  }
0x2c: {  	s31 =	simm.s32 $0x1400;
	[sflag:s20] =	ssyncadd.s32 $0xFFFFC000  }
0x2d: {  	[tilespmem:s21], [sflag:$0x2] =	stream.indirect.gather [hbm4b:s7+s18], $0x80, s31, s18, $0xb8;
	[tilespmem:$0x1E400] =	vst v63  }
0x2e: {  	_ =	swait.ge [sflag:s22], $0x4000  }
0x2f: {  	[sflag:s22] =	ssyncset.done $0x0  }
0x30: {  	[sflag:s22] =	ssyncadd.s32 $0xFFFFC000  }
0x31: {  	[spmem:s3] =	stream.indirect.scatter.add.f32 [tilespmem:s19], [sflag:$0x3], $0x80, s31, s18, $0xb8;
	[tilespmem:$0x1E400] =	vst v63  }
0x32: {  	_ =	swait.ge [sflag:s16], $0x4000  }
0x33: {  	[sflag:s16] =	ssyncset.done $0x0  }
0x34: {  	[sflag:s16] =	ssyncadd.s32 $0xFFFFC000  }
0x35: {  	[spmem:s3] =	stream.indirect.scatter.add.f32 [tilespmem:s21], [sflag:$0x3], $0x80, s30, s18, $0xb8;
	[tilespmem:$0x1E400] =	vst v63  }
0x36: {  	_ =	swait.ge [sflag:s16], $0x4000  }
0x37: {  	s25 =	simm.s32 $0x400;
	s23 =	simm.s32 $0x200;
	[sflag:s16] =	ssyncset.done $0x0  }
.LBB2_7:
0x38: {  	s26 =	sshra.s32 s23, $0x2  }
0x39: {  	[sflag:s16] =	ssyncadd.s32 $0xFFFFC000;
	s23 =	smov.u32 s25;
	s28 =	sadd.s32 $0x200, s25  }
0x3a: {  	[tilespmem:s19], [sflag:$0x1] =	stream.indirect.gather [hbm4b:s7+s18], $0x80, s26, s18, $0xb8;
	[tilespmem:$0x1E400] =	vst v63  }
0x3b: {  	p1 =	sne.s32 s25, $0x4E00;
	_ =	swait.ge [sflag:s20], $0x4000  }
0x3c: {  	[sflag:s20] =	ssyncset.done $0x0  }
0x3d: {  	s25 =	sadd.s32 $0x1400, s26;
	[sflag:s20] =	ssyncadd.s32 $0xFFFFC000  }
0x3e: {  	[tilespmem:s21], [sflag:$0x2] =	stream.indirect.gather [hbm4b:s7+s18], $0x80, s25, s18, $0xb8;
	[tilespmem:$0x1E400] =	vst v63  }
0x3f: {  	_ =	swait.ge [sflag:s22], $0x4000  }
0x40: {  	[sflag:s22] =	ssyncset.done $0x0  }
0x41: {  	[sflag:s22] =	ssyncadd.s32 $0xFFFFC000  }
0x42: {  	[spmem:s3] =	stream.indirect.scatter.add.f32 [tilespmem:s19], [sflag:$0x3], $0x80, s25, s18, $0xb8;
	[tilespmem:$0x1E400] =	vst v63  }
0x43: {  	_ =	swait.ge [sflag:s16], $0x4000  }
.Ltmp3:
0x44: {  	[sflag:s16] =	ssyncset.done $0x0;
	(pc) =	sbr.rel @p1 .LBB2_7-.Ltmp3, $4  }
0x45: {  	[sflag:s16] =	ssyncadd.s32 $0xFFFFC000  }
0x46: {  	[spmem:s3] =	stream.indirect.scatter.add.f32 [tilespmem:s21], [sflag:$0x3], $0x80, s26, s18, $0xb8;
	[tilespmem:$0x1E400] =	vst v63  }
0x47: {  	_ =	swait.ge [sflag:s16], $0x4000  }
0x48: {  	s25 =	smov.u32 s28;
	[sflag:s16] =	ssyncset.done $0x0  }
0x49: {  	s23 =	sshra.s32 s23, $0x2;
	[sflag:s16] =	ssyncadd.s32 $0xFFFFC000  }
0x4a: {  	[tilespmem:s19], [sflag:$0x1] =	stream.indirect.gather [hbm4b:s7+s18], $0x80, s23, s18, $0xb8;
	[tilespmem:$0x1E400] =	vst v63  }
0x4b: {  	_ =	swait.ge [sflag:s20], $0x4000  }
0x4c: {  	[sflag:s20] =	ssyncset.done $0x0  }
0x4d: {  	s25 =	sadd.s32 $0x1400, s23;
	[sflag:s20] =	ssyncadd.s32 $0xFFFFC000  }
0x4e: {  	[tilespmem:s21], [sflag:$0x2] =	stream.indirect.gather [hbm4b:s7+s18], $0x80, s25, s18, $0xb8;
	[tilespmem:$0x1E400] =	vst v63  }
0x4f: {  	_ =	swait.ge [sflag:s22], $0x4000  }
0x50: {  	[sflag:s22] =	ssyncset.done $0x0  }
0x51: {  	[sflag:s22] =	ssyncadd.s32 $0xFFFFC000  }
0x52: {  	[spmem:s3] =	stream.indirect.scatter.add.f32 [tilespmem:s19], [sflag:$0x3], $0x80, s25, s18, $0xb8;
	[tilespmem:$0x1E400] =	vst v63  }
0x53: {  	s24 =	sadd.s32 $0x1, s24;
	_ =	swait.ge [sflag:s16], $0x4000  }
0x54: {  	p1 =	sne.s32 s24, $0x4;
	[sflag:s16] =	ssyncset.done $0x0  }
.Ltmp4:
0x55: {  	[sflag:s16] =	ssyncadd.s32 $0xFFFFC000;
	(pc) =	sbr.rel @p1 .LBB2_6-.Ltmp4, $4  }
0x56: {  	[spmem:s3] =	stream.indirect.scatter.add.f32 [tilespmem:s21], [sflag:$0x3], $0x80, s23, s18, $0xb8;
	[tilespmem:$0x1E400] =	vst v63  }
0x57: {  	_ =	swait.ge [sflag:s16], $0x4000  }
0x58: {  	[sflag:s16] =	ssyncset.done $0x0  }
0x59: {  	[sflag:s16] =	ssyncadd.s32 $0xFFFFC000  }
.Ltmp5:
0x5a: {  	(pc) =	sbr.rel .LBB2_10-.Ltmp5, $2  }
0x5b: {  	_ =	sdelay $0x2  }
0x5c: {  	s23 =	smov.u32 s9  }
.LBB2_2:
0x5d: {  	s24 =	smul.u32 $0x28, s23;
	_ =	sdelay $0x1  }
0x5e: {  	s24 =	sadd.s32 s11, s24  }
0x5f: {  	s24 =	sshll.u32 s24, $0x4  }
0x60: {  	s26 =	simm.s32 $0x0;
	s25 =	sadd.s32 s1, s24  }
0x61: {  	[tilespmem:s26], [sflag:$0x3] =	stream.linear.gather [hbm4b:s25+s26], $0x1400, $0x38;
	[tilespmem:$0x1E400] =	vst v63  }
0x62: {  	_ =	swait.ge [sflag:s16], $0x1400  }
0x63: {  	[sflag:s16] =	ssyncset.done $0x0  }
0x64: {  	s24 =	sadd.s32 s2, s24;
	[sflag:s16] =	ssyncadd.s32 $0xFFFFEC00  }
0x65: {  	[tilespmem:s17], [sflag:$0x3] =	stream.linear.gather [hbm4b:s24+s26], $0x1400, $0x38;
	[tilespmem:$0x1E400] =	vst v63  }
0x66: {  	_ =	swait.ge [sflag:s16], $0x1400  }
0x67: {  	[sflag:s16] =	ssyncset.done $0x0  }
0x68: {  	s30 =	simm.s32 $0x0;
	[sflag:s16] =	ssyncadd.s32 $0xFFFFEC00  }
0x69: {  	[tilespmem:s19], [sflag:$0x1] =	stream.indirect.gather [hbm4b:s6+s18], $0x80, s30, s18, $0xb8;
	[tilespmem:$0x1E400] =	vst v63  }
0x6a: {  	_ =	swait.ge [sflag:s20], $0x4000  }
0x6b: {  	[sflag:s20] =	ssyncset.done $0x0  }
0x6c: {  	s31 =	simm.s32 $0x1400;
	[sflag:s20] =	ssyncadd.s32 $0xFFFFC000  }
0x6d: {  	[tilespmem:s21], [sflag:$0x2] =	stream.indirect.gather [hbm4b:s6+s18], $0x80, s31, s18, $0xb8;
	[tilespmem:$0x1E400] =	vst v63  }
0x6e: {  	_ =	swait.ge [sflag:s22], $0x4000  }
0x6f: {  	[sflag:s22] =	ssyncset.done $0x0  }
0x70: {  	[sflag:s22] =	ssyncadd.s32 $0xFFFFC000  }
0x71: {  	[spmem:s3] =	stream.indirect.scatter.add.f32 [tilespmem:s19], [sflag:$0x3], $0x80, s31, s18, $0xb8;
	[tilespmem:$0x1E400] =	vst v63  }
0x72: {  	_ =	swait.ge [sflag:s16], $0x4000  }
0x73: {  	[sflag:s16] =	ssyncset.done $0x0  }
0x74: {  	[sflag:s16] =	ssyncadd.s32 $0xFFFFC000  }
0x75: {  	[spmem:s3] =	stream.indirect.scatter.add.f32 [tilespmem:s21], [sflag:$0x3], $0x80, s30, s18, $0xb8;
	[tilespmem:$0x1E400] =	vst v63  }
0x76: {  	_ =	swait.ge [sflag:s16], $0x4000  }
0x77: {  	s25 =	simm.s32 $0x400;
	s24 =	simm.s32 $0x200;
	[sflag:s16] =	ssyncset.done $0x0  }
.LBB2_3:
0x78: {  	s26 =	sshra.s32 s24, $0x2  }
0x79: {  	[sflag:s16] =	ssyncadd.s32 $0xFFFFC000;
	s24 =	smov.u32 s25;
	s28 =	sadd.s32 $0x200, s25  }
0x7a: {  	[tilespmem:s19], [sflag:$0x1] =	stream.indirect.gather [hbm4b:s6+s18], $0x80, s26, s18, $0xb8;
	[tilespmem:$0x1E400] =	vst v63  }
0x7b: {  	p1 =	sne.s32 s25, $0x4E00;
	_ =	swait.ge [sflag:s20], $0x4000  }
0x7c: {  	[sflag:s20] =	ssyncset.done $0x0  }
0x7d: {  	s25 =	sadd.s32 $0x1400, s26;
	[sflag:s20] =	ssyncadd.s32 $0xFFFFC000  }
0x7e: {  	[tilespmem:s21], [sflag:$0x2] =	stream.indirect.gather [hbm4b:s6+s18], $0x80, s25, s18, $0xb8;
	[tilespmem:$0x1E400] =	vst v63  }
0x7f: {  	_ =	swait.ge [sflag:s22], $0x4000  }
0x80: {  	[sflag:s22] =	ssyncset.done $0x0  }
0x81: {  	[sflag:s22] =	ssyncadd.s32 $0xFFFFC000  }
0x82: {  	[spmem:s3] =	stream.indirect.scatter.add.f32 [tilespmem:s19], [sflag:$0x3], $0x80, s25, s18, $0xb8;
	[tilespmem:$0x1E400] =	vst v63  }
0x83: {  	_ =	swait.ge [sflag:s16], $0x4000  }
.Ltmp6:
0x84: {  	[sflag:s16] =	ssyncset.done $0x0;
	(pc) =	sbr.rel @p1 .LBB2_3-.Ltmp6, $4  }
0x85: {  	[sflag:s16] =	ssyncadd.s32 $0xFFFFC000  }
0x86: {  	[spmem:s3] =	stream.indirect.scatter.add.f32 [tilespmem:s21], [sflag:$0x3], $0x80, s26, s18, $0xb8;
	[tilespmem:$0x1E400] =	vst v63  }
0x87: {  	_ =	swait.ge [sflag:s16], $0x4000  }
0x88: {  	s25 =	smov.u32 s28;
	[sflag:s16] =	ssyncset.done $0x0  }
0x89: {  	s24 =	sshra.s32 s24, $0x2;
	[sflag:s16] =	ssyncadd.s32 $0xFFFFC000  }
0x8a: {  	[tilespmem:s19], [sflag:$0x1] =	stream.indirect.gather [hbm4b:s6+s18], $0x80, s24, s18, $0xb8;
	[tilespmem:$0x1E400] =	vst v63  }
0x8b: {  	_ =	swait.ge [sflag:s20], $0x4000  }
0x8c: {  	[sflag:s20] =	ssyncset.done $0x0  }
0x8d: {  	s25 =	sadd.s32 $0x1400, s24;
	[sflag:s20] =	ssyncadd.s32 $0xFFFFC000  }
0x8e: {  	[tilespmem:s21], [sflag:$0x2] =	stream.indirect.gather [hbm4b:s6+s18], $0x80, s25, s18, $0xb8;
	[tilespmem:$0x1E400] =	vst v63  }
0x8f: {  	_ =	swait.ge [sflag:s22], $0x4000  }
0x90: {  	[sflag:s22] =	ssyncset.done $0x0  }
0x91: {  	[sflag:s22] =	ssyncadd.s32 $0xFFFFC000  }
0x92: {  	[spmem:s3] =	stream.indirect.scatter.add.f32 [tilespmem:s19], [sflag:$0x3], $0x80, s25, s18, $0xb8;
	[tilespmem:$0x1E400] =	vst v63  }
0x93: {  	s23 =	sadd.s32 $0x1, s23;
	_ =	swait.ge [sflag:s16], $0x4000  }
0x94: {  	p1 =	seq.s32 s23, $0x4;
	[sflag:s16] =	ssyncset.done $0x0  }
.Ltmp7:
0x95: {  	[sflag:s16] =	ssyncadd.s32 $0xFFFFC000;
	(pc) =	sbr.rel @!p1 .LBB2_2-.Ltmp7, $4  }
0x96: {  	[spmem:s3] =	stream.indirect.scatter.add.f32 [tilespmem:s21], [sflag:$0x3], $0x80, s24, s18, $0xb8;
	[tilespmem:$0x1E400] =	vst v63  }
0x97: {  	_ =	swait.ge [sflag:s16], $0x4000  }
0x98: {  	[sflag:s16] =	ssyncset.done $0x0  }
0x99: {  	[sflag:s16] =	ssyncadd.s32 $0xFFFFC000  }
.Ltmp8:
0x9a: {  	(pc) =	sbr.rel .LBB2_10-.Ltmp8, $2  }
0x9b: {  	_ =	sdelay $0x2  }
0x9c: {  	s23 =	smov.u32 s8  }
.LBB2_11:
0x9d: {  	_ =	sfence.sel $0x180000  }
0x9e: {  	[bflag:$0x0] =	sbarrier.arrive $0xFFFF  }
0x9f: {  	p0 =	sne.s32 s5, $0x0;
	_ =	strace $0x90000053  }
0xa0: {  	s0 =	sadd.s32 @!p0 $0x100000, s0;
	[bflag:$0x2] =	sbarrier.arrive $0xFFFF  }
0xa1: {  	[sflag:s0] =	ssyncadd.tile.s32 @!p0 $0x1;
	_ =	shalt  }
.Lfunc_end2:
_tile_overlayer_lowered:
.L_overlay_start_2:
0xa2: {  	(tag) =	ssettag $0x2  }
0xa3: {  	s0 =	rddreg [dreg:$0x0];
	s2 =	stileid.u32  }
0xa4: {  	s1 =	rddreg [dreg:$0x1];
	p0 =	sne.s32 s2, $0x0  }
0xa5: {  	s3 =	rddreg [dreg:$0x2];
	[bflag:$0x3] =	sbarrier.arrive $0xFFFF;
	s2 =	simm.s32 @!p0 $0x1C03  }
0xa6: {  	[timem:s3], [sflag:s2] =	dma.local @!p0 [hbm:s0], s1  }
0xa7: {  	s0 =	simm.s32 @!p0 $0x3  }
0xa8: {  	_ =	swait.ge @!p0 [sflag:s0], s1  }
0xa9: {  	s1 =	ssub.s32 @!p0 $0x0, s1;
	[sflag:s0] =	ssyncset.done @!p0 $0x0  }
0xaa: {  	[sflag:s0] =	ssyncadd.s32 @!p0 s1  }
0xab: {  	[bflag:$0x3] =	sbarrier.arrive $0xFFFF  }
0xac: {  	_ =	shalt  }

// kernel: scatter_offload_async_start.1
scs
__scs_entry_jumppad:
0x0: {  	(pc) =	sbr.rel $0x88, $3  }
0x1: {  	(tag) =	ssettag $0x0;
	lr =	simm.s32 $0x1  }
0x2: {  	[smem:$0x3F83] =	sst lr;
	_ =	strace $0xD0000000  }
0x3: {  	_ = 	snop  }
0x4: {  	_ = 	snop  }
0x5: {  	_ = 	snop  }
0x6: {  	_ = 	snop  }
0x7: {  	_ = 	snop  }
__scs_overlays_trampoline_lowered:
0x8: {  	[smem:$0x3F92] =	sst s0  }
0x9: {  	[smem:$0x3F93] =	sst s1  }
0xa: {  	[smem:$0x3F94] =	sst s2  }
0xb: {  	[smem:$0x3F95] =	sst s3  }
0xc: {  	[smem:$0x3F96] =	sst s4  }
0xd: {  	[smem:$0x3F97] =	sst s5  }
0xe: {  	[smem:$0x3F98] =	sst s6  }
0xf: {  	[smem:$0x3F99] =	sst s7  }
0x10: {  	[smem:$0x3F9A] =	sst s8  }
0x11: {  	[smem:$0x3F9B] =	sst s9;
	s0 =	simm.s32 @!p0 $0x0  }
0x12: {  	s1 =	sld [smem:$0x3F81];
	s0 =	simm.s32 @p0 $0x1  }
0x13: {  	[smem:$0x3F9C] =	sst s0;
	s0 =	simm.s32 @!p1 $0x0  }
0x14: {  	s2 =	sld [smem:$0x3F80];
	s0 =	simm.s32 @p1 $0x1  }
0x15: {  	[smem:$0x3F9D] =	sst s0;
	s0 =	simm.s32 @!p2 $0x0  }
0x16: {  	s3 =	sld [smem:$0x3FDB];
	s0 =	simm.s32 @p2 $0x1  }
0x17: {  	s4 =	simm.s32 $0x1BF5;
	[smem:$0x3F9F] =	sst s0  }
0x18: {  	s0 =	sld [smem:$0x3F82];
	_ =	swait.ge [sflag:s4], $0x0  }
0x19: {  	s7 =	sld [smem:$0x3F83]  }
0x1a: {  	s8 =	sadd.s32 $0xFFFFE003, lr  }
0x1b: {  	s9 =	sadd.s32 $0xFFFFFEF7, lr;
	s5 =	simm.s32 $0xFFFFFFFF;
	p2 =	slt.u32 s8, $0xFFFFF086  }
0x1c: {  	p1 =	slt.u32 s9, $0xF7A;
	s5 =	simm.s32 @!p2 $0x0  }
0x1d: {  	s5 =	simm.s32 @p1 $0x1;
	p0 =	seq.s32 s7, s2  }
0x1e: {  	s7 =	smul.u32 @!p0 $0xF7A, s2;
	p2 =	seq.s32 @!p0 s5, $0x0  }
0x1f: {  	s9 =	smul.u32 $0xF7A, s1;
	s8 =	simm.s32 @!p0 $0x1BF5;
	p2 =	por !p2, p0  }
0x20: {  	[sflag:s8] =	ssyncset.s32 @!p0 $0xFFFFF086;
	s6 =	sadd.s32 @!p0 s3, s7;
	s7 =	simm.s32 @!p0 $0x108  }
0x21: {  	s3 =	sadd.s32 s3, s9;
	s6 =	sadd.s32 @!p0 $0x88, s6;
	s7 =	simm.s32 @p2 $0x1082  }
0x22: {  	[simem:s7], [sflag:s8] =	dma.local @!p0 [hbm:s6], $0xF7A  }
0x23: {  	s9 =	sor.u32 $0xD0000000, s2;
	s6 =	simm.s32 $0x108;
	_ =	swait.ge @!p0 [sflag:s8], $0x0  }
0x24: {  	s3 =	sadd.s32 $0x88, s3;
	s6 =	simm.s32 @!p1 $0x1082;
	[sflag:s4] =	ssyncset.s32 $0xFFFFF086  }
0x25: {  	[simem:s6], [sflag:s4] =	dma.local [hbm:s3], $0xF7A  }
0x26: {  	[smem:$0x3F83] =	sst s1;
	(tag) =	ssettag s2;
	_ =	strace s9  }
0x27: {  	s1 =	sld [smem:$0x3F93]  }
0x28: {  	s2 =	sld [smem:$0x3F94]  }
0x29: {  	s4 =	sld [smem:$0x3F96]  }
0x2a: {  	p0 =	seq.s32 s5, $0x0;
	s5 =	sld [smem:$0x3F97]  }
0x2b: {  	s6 =	sld [smem:$0x3F98]  }
0x2c: {  	s7 =	sld [smem:$0x3F99]  }
0x2d: {  	s3 =	simm.s32 $0x108;
	s8 =	sld [smem:$0x3F9A]  }
0x2e: {  	s3 =	simm.s32 @!p0 $0x1082;
	s9 =	sld [smem:$0x3F9B]  }
0x2f: {  	lr =	sadd.s32 s0, s3;
	s0 =	sld [smem:$0x3F92]  }
0x30: {  	s3 =	sld [smem:$0x3F95]  }
0x31: {  	[smem:$0x3F9E] =	sst s10  }
0x32: {  	s10 =	sld [smem:$0x3F9C];
	_ =	sdelay $0x3  }
0x33: {  	p0 =	seq.s32 s10, $0x1;
	s10 =	sld [smem:$0x3F9E];
	_ =	sdelay $0x3  }
0x34: {  	[smem:$0x3F9E] =	sst s10  }
0x35: {  	s10 =	sld [smem:$0x3F9D];
	_ =	sdelay $0x3  }
0x36: {  	p1 =	seq.s32 s10, $0x1;
	s10 =	sld [smem:$0x3F9E];
	_ =	sdelay $0x3  }
0x37: {  	[smem:$0x3F9E] =	sst s10  }
0x38: {  	s10 =	sld [smem:$0x3F9F]  }
0x39: {  	_ = 	snop;
	(pc) =	sbr.ind lr, $3  }
0x3a: {  	_ = 	snop  }
0x3b: {  	_ = 	snop  }
0x3c: {  	p2 =	seq.s32 s10, $0x1;
	s10 =	sld [smem:$0x3F9E]  }
0x3d: {  	_ =	shalt  }
0x3e: {  	_ =	shalt  }
0x3f: {  	_ =	shalt  }
0x40: {  	_ =	shalt  }
0x41: {  	_ =	shalt  }
0x42: {  	_ =	shalt  }
0x43: {  	_ =	shalt  }
0x44: {  	_ =	shalt  }
0x45: {  	_ =	shalt  }
0x46: {  	_ =	shalt  }
0x47: {  	_ =	shalt  }
0x48: {  	_ =	shalt  }
0x49: {  	_ =	shalt  }
0x4a: {  	_ =	shalt  }
0x4b: {  	_ =	shalt  }
0x4c: {  	_ =	shalt  }
0x4d: {  	_ =	shalt  }
0x4e: {  	_ =	shalt  }
0x4f: {  	_ =	shalt  }
0x50: {  	_ =	shalt  }
0x51: {  	_ =	shalt  }
0x52: {  	_ =	shalt  }
0x53: {  	_ =	shalt  }
0x54: {  	_ =	shalt  }
0x55: {  	_ =	shalt  }
0x56: {  	_ =	shalt  }
0x57: {  	_ =	shalt  }
0x58: {  	_ =	shalt  }
0x59: {  	_ =	shalt  }
0x5a: {  	_ =	shalt  }
0x5b: {  	_ =	shalt  }
0x5c: {  	_ =	shalt  }
0x5d: {  	_ =	shalt  }
0x5e: {  	_ =	shalt  }
0x5f: {  	_ =	shalt  }
0x60: {  	_ =	shalt  }
0x61: {  	_ =	shalt  }
0x62: {  	_ =	shalt  }
0x63: {  	_ =	shalt  }
0x64: {  	_ =	shalt  }
0x65: {  	_ =	shalt  }
0x66: {  	_ =	shalt  }
0x67: {  	_ =	shalt  }
0x68: {  	_ =	shalt  }
0x69: {  	_ =	shalt  }
0x6a: {  	_ =	shalt  }
0x6b: {  	_ =	shalt  }
0x6c: {  	_ =	shalt  }
0x6d: {  	_ =	shalt  }
0x6e: {  	_ =	shalt  }
0x6f: {  	_ =	shalt  }
0x70: {  	_ =	shalt  }
0x71: {  	_ =	shalt  }
0x72: {  	_ =	shalt  }
0x73: {  	_ =	shalt  }
0x74: {  	_ =	shalt  }
0x75: {  	_ =	shalt  }
0x76: {  	_ =	shalt  }
0x77: {  	_ =	shalt  }
0x78: {  	_ =	shalt  }
0x79: {  	_ =	shalt  }
0x7a: {  	_ =	shalt  }
0x7b: {  	_ =	shalt  }
0x7c: {  	_ =	shalt  }
0x7d: {  	_ =	shalt  }
0x7e: {  	_ =	shalt  }
0x7f: {  	_ =	shalt  }
0x80: {  	_ =	shalt  }
0x81: {  	_ =	shalt  }
0x82: {  	_ =	shalt  }
0x83: {  	_ =	shalt  }
0x84: {  	_ =	shalt  }
0x85: {  	_ =	shalt  }
0x86: {  	_ =	shalt  }
0x87: {  	_ =	shalt  }
.Lfunc_end0:
.L_simem_size_0:
called_computation.1_lowered:
.L_overlay_start_0:
0x88: {  	s0 =	sld [smem:$0x3FD9]  }
0x89: {  	s1 =	sld [smem:$0x3FFE];
	_ =	sdelay $0x3  }
0x8a: {  	s0 =	sadd.s32 s1, s0  }
0x8b: {  	[smem:$0x3FAA] =	sst s0  }
0x8c: {  	_ = 	snop  }
0x8d: {  	s0 =	sld [smem:$0x3FD0];
	_ =	sdelay $0x2  }
0x8e: {  	s13 =	simm.s32 $0xB;
	s2 =	simm.s32 $0x10  }
0x8f: {  	[smem:s2], [sflag:s13] =	dma.local [hbm:s0], $0x1  }
0x90: {  	_ =	swait.eq [sflag:s13], $0x1  }
0x91: {  	[sflag:s13] =	ssyncset.done $0x0  }
0x92: {  	[sflag:s13] =	ssyncadd.s32 $0xFFFFFFFF  }
0x93: {  	s14 =	sld [smem:$0x10];
	(tm) =	ssettm $0x1  }
0x94: {  	s15 =	sld [smem:$0x3FFB];
	_ =	sdelay $0x3  }
0x95: {  	_ =	strace s15  }
0x96: {  	s1 =	sld [smem:$0x3FFC];
	_ =	sdelay $0x3  }
0x97: {  	_ =	strace s1  }
0x98: {  	s1 =	sld [smem:$0x3FFD];
	_ =	sdelay $0x3  }
0x99: {  	_ =	strace s1  }
0x9a: {  	_ =	strace $0x8FFFFFFF  }
0x9b: {  	s16 =	sld [smem:$0x3FDB];
	_ =	sdelay $0x1  }
0x9c: {  	s17 =	simm.s32 $_scs_section_size  }
0x9d: {  	s3 =	simm.s32 $_size__tile_overlayer_lowered;
	s4 =	simm.s32 $_tile_overlayer_lowered  }
0x9e: {  	s20 =	simm.s32 $0x1BFF;
	s19 =	sshll.u32 s4, $0x1;
	s1 =	sadd.s32 s17, s16  }
0x9f: {  	s5 =	simm.s32 $0x0;
	s18 =	sshll.u32 s3, $0x1;
	s3 =	sadd.s32 s19, s1  }
0xa0: {  	[timem:s5], [sflag:s20] =	dma.local [hbm:s3], s18  }
0xa1: {  	_ =	swait.ge [sflag:s20], s18  }
0xa2: {  	s2 =	ssub.s32 $0x0, s18;
	[sflag:s20] =	ssyncset.done $0x0  }
0xa3: {  	[sflag:s20] =	ssyncadd.s32 s2;
	_ =	sdelay $0x1  }
0xa4: {  	s21 =	simm.s32 $0x1B8B  }
0xa5: {  	_ =	swait.ge [sflag:s21], $0x1  }
0xa6: {  	[sflag:s21] =	ssyncset.done $0x0  }
0xa7: {  	s23 =	simm.s32 $0x1B8E;
	s22 =	sld [smem:$0x3FFE];
	[sflag:s21] =	ssyncadd.s32 $0xFFFFFFFF  }
0xa8: {  	s24 =	simm.s32 $execute0_lowered;
	[smem:$0x3FD2] =	sst s23  }
0xa9: {  	s3 =	sshll.u32 s24, $0x1;
	_ =	strace $0x80000049;
	[dreg:$0x1] =	wrdreg $0xFFFFFFFF  }
0xaa: {  	s25 =	simm.s32 $_size_execute0_lowered;
	s1 =	sadd.s32 s1, s3;
	[dreg:$0x0] =	wrdreg $0x0  }
0xab: {  	s3 =	sshll.u32 s25, $0x1;
	[dreg:$0x2] =	wrdreg s1  }
0xac: {  	[dreg:$0x3] =	wrdreg s3  }
0xad: {  	[dreg:$0x4] =	wrdreg $0xC0  }
0xae: {  	_ =	task [dreg:s5], $0x5FFFF  }
0xaf: {  	[dreg:$0x1] =	wrdreg $0xFFFFFFFF  }
0xb0: {  	[dreg:$0x0] =	wrdreg $0x60  }
0xb1: {  	[dreg:$0x2] =	wrdreg s14  }
0xb2: {  	[dreg:$0x3] =	wrdreg s22  }
0xb3: {  	[dreg:$0x4] =	wrdreg $0x9  }
0xb4: {  	_ =	task.clear_ibuf [dreg:s5], $0x5FFFF;
	_ =	strace $0x90000049  }
0xb5: {  	s26 =	simm.s32 $0x9;
	_ =	strace $0x8000004B  }
0xb6: {  	_ =	swait.ge [sflag:s26], $0x1  }
0xb7: {  	[sflag:s26] =	ssyncadd.s32 $0xFFFFFFFF  }
0xb8: {  	_ =	strace $0x9000004B  }
0xb9: {  	_ =	sfence  }
0xba: {  	s28 =	sld [smem:$0x0];
	_ =	sdelay $0x1  }
0xbb: {  	s29 =	srdreg.scid  }
0xbc: {  	s30 =	sshll.u32 s29, $0xD;
	s31 =	sshrl.u32 s29, $0x2  }
0xbd: {  	s2 =	sand.u32 $0x4000, s30;
	s1 =	sand.u32 $0x1, s29;
	s0 =	sadd.s32 s31, s28  }
0xbe: {  	s1 =	sor.u32 s2, s1;
	s0 =	sshll.u32 s0, $0x11  }
0xbf: {  	s0 =	sor.u32 s0, s1  }
0xc0: {  	s0 =	sadd.s32 $0x8F2B, s0  }
0xc1: {  	[sflag:s0] =	ssyncadd.remote.s32 $0x1  }
0xc2: {  	_ =	sfence.sel $0xFFFF  }
0xc3: {  	[dreg:$0x0] =	wrdreg $0xFFFFFFFF;
	(pc) =	sbr.abs _section_cstart, $3  }
0xc4: {  	[dreg:$0x1] =	wrdreg $0xFFFFFFFF  }
0xc5: {  	_ =	task.clear_ibuf [dreg:s5], $0x2FFFF;
	_ =	strace $0x9FFFFFFF  }
0xc6: {  	(tm) =	ssettm $0x7FFFFFFF  }
0xc7: {  	_ =	shalt  }
tec
execute0_lowered:
.L_overlay_start_1:
0x0: {  	(tag) =	ssettag $0x1  }
0x1: {  	s1 =	rddreg [dreg:$0x0]  }
0x2: {  	s0 =	rddreg [dreg:$0x1];
	_ =	strace $0x8000004A;
	s15 =	stileid.u32  }
0x3: {  	s2 =	simm.s32 $0x1;
	s4 =	smin.u32 s15, $0x8;
	s3 =	sshll.u32 s15, $0x1  }
0x4: {  	v1 =	vimm.s32 $0xFFFFFFFF;
	[sflag:s2] =	ssyncpa.u1 $0x0;
	s4 =	sadd.s32 s4, s3  }
0x5: {  	s5 =	simm.s32 $0x5DC0;
	p0 =	slt.u32 s15, $0x8;
	[tilespmem:$0x10] =	vst v1;
	s4 =	smul.u32 $0x1F40, s4  }
0x6: {  	v0 =	vimm.f32 $0.0e+00;
	[tilespmem:$0x20] =	vst v1;
	s5 =	simm.s32 @!p0 $0x3E80  }
0x7: {  	[tilespmem:$0x30] =	vst v0;
	s5 =	sadd.s32 s5, s4  }
0x8: {  	[tilespmem:$0x40] =	vst v0;
	s5 =	smin.u32 s5, $0x4E200  }
0x9: {  	s7 =	simm.s32 $0x2;
	[tilespmem:$0x50] =	vst v0;
	s9 =	ssub.s32 s5, s4  }
0xa: {  	s8 =	simm.s32 $0x8;
	s31 =	simm.s32 $0x9;
	[tilespmem:$0x60] =	vst v1;
	p0 =	sgt.s32 s9, $0x0  }
0xb: {  	s16 =	simm.s32 $0x0;
	s17 =	simm.s32 $0xF0;
	[tilespmem:$0x70] =	vst v1;
	s9 =	simm.s32 @!p0 $0x0  }
0xc: {  	s18 =	simm.s32 $0xFFFFFFFF;
	s19 =	simm.s32 $0xFFFFC280;
	[tilespmem:$0x80] =	vst v1;
	s6 =	smulhi.u32 $0x10624DD3, s9  }
0xd: {  	s20 =	simm.s32 $0xFFFFFFFE;
	s21 =	simm.s32 $0xF;
	s25 =	simm.s32 $0x0;
	v1 =	vimm.s32 $0x0;
	[tilespmem:$0xB0] =	vst v0  }
0xe: {  	s24 =	simm.s32 $0x0;
	s15 =	sshllo.u32 s15, $0x1;
	[tilespmem:$0x90] =	vst v1;
	s10 =	sshrl.u32 s6, $0x9  }
0xf: {  	[tilespmem:$0xA0] =	vst v1;
	[sflag:s7] =	ssyncpa.u1 $0x0;
	s7 =	simm.s32 $0x7;
	s11 =	smul.u32 $0x1F40, s10  }
.Ltmp0:
0x10: {  	s13 =	sor.u32 $0x80, s3;
	[sflag:s7] =	ssyncpa.u1 $0x0;
	(pc) =	sbr.rel .LBB2_1-.Ltmp0, $4  }
0x11: {  	s14 =	sor.u32 $0x81, s3;
	[sflag:s8] =	ssyncpa.u1 $0x0;
	p0 =	sne.s32 s9, s11  }
0x12: {  	s23 =	smov.u32 s4;
	[sflag:s31] =	ssyncpa.u1 $0x0;
	s2 =	simm.s32 @!p0 $0x0  }
0x13: {  	vm0 =	vmmov $0xffff;
	v2 =	vlaneseq.u32;
	s6 =	sadd.s32 $0x9E00, s0;
	s9 =	sadd.s32 $0x13C00, s0;
	s10 =	sadd.s32 s2, s10  }
0x14: {  	vm1 =	vmxor vm1, vm1;
	vm2 =	vmmov $0x1;
	vm3 =	vcmask $0x3F3C;
	p0 =	por $0x0, $0x0;
	s11 =	sadd.s32 $0x1, s10;
	s12 =	sadd.s32 $0x2, s10  }
.LBB2_9:
0x15: {  	p1 =	slt.u32 s24, $0x3  }
0x16: {  	s0 =	simm.s32 @!p1 $0x2  }
0x17: {  	_ =	swait.ge @!p1 [sflag:s0], $0x1F40  }
0x18: {  	[sflag:s0] =	ssyncset.done @!p1 $0x0  }
0x19: {  	[sflag:s0] =	ssyncadd.s32 @!p1 $0xFFFFE0C0;
	s0 =	simm.s32 @!p1 $0x9  }
0x1a: {  	_ =	swait.ge @!p1 [sflag:s0], $0x10  }
0x1b: {  	[sflag:s0] =	ssyncset.done @!p1 $0x0  }
0x1c: {  	[sflag:s0] =	ssyncadd.s32 @!p1 $0xFFFFFFF0;
	p1 =	sne.s32 s24, s12  }
.Ltmp1:
0x1d: {  	s2 =	sadd.s32 $0x1F40, s23;
	(pc) =	sbr.rel @!p1 .LBB2_10-.Ltmp1, $4  }
0x1e: {  	s22 =	smov.u32 s4;
	s31 =	sadd.s32 $0x1, s24;
	s17 =	sadd.s32 $0x1F40, s17  }
0x1f: {  	s18 =	sadd.s32 $0x1, s18;
	s25 =	smov.u32 s23;
	p2 =	slt.s32 s2, s5  }
0x20: {  	p0 =	por !p0, !p0;
	s19 =	sadd.s32 $0x1F40, s19;
	s22 =	smov.u32 @p2 s2  }
0x21: {  	s20 =	sadd.s32 $0x1, s20;
	s23 =	smov.u32 s22;
	s24 =	smov.u32 s31  }
.LBB2_1:
0x22: {  	p1 =	sge.u32 s24, s10  }
0x23: {  	s0 =	smulhi.u32 @!p1 $0xAAAAAAAB, s24;
	_ =	sdelay $0x1  }
0x24: {  	s0 =	sshrl.u32 @!p1 s0, $0x1  }
0x25: {  	s0 =	smul.u32 @!p1 $0x3, s0;
	_ =	sdelay $0x1  }
0x26: {  	s0 =	ssub.s32 @!p1 s24, s0  }
0x27: {  	s0 =	smul.u32 @!p1 $0x7D00, s0;
	_ =	sdelay $0x1  }
0x28: {  	s2 =	sshrl.u32 @!p1 s23, $0x3;
	s0 =	sshrl.u32 @!p1 s0, $0x2  }
0x29: {  	s22 =	sand.u32 @!p1 $0x7, s23;
	s2 =	sadd.s32 @!p1 s6, s2;
	s0 =	sadd.s32 @!p1 $0x100, s0  }
0x2a: {  	[tilespmem:s0], [sflag:$0x7] =	stream.linear.gather @!p1 [hbm4b:s2+s22], $0x1F40, $0x38;
	[tilespmem:$0x11A60] =	vst v63  }
0x2b: {  	s0 =	sadd.s32 $0xFFFFFFFF, s24  }
0x2c: {  	p1 =	sge.u32 s0, s10  }
.Ltmp2:
0x2d: {  	_ = 	snop;
	(pc) =	sbr.rel @p1 .LBB2_5-.Ltmp2, $1  }
0x2e: {  	_ =	sdelay $0x3  }
0x2f: {  	s2 =	smulhi.u32 $0xAAAAAAAB, s0;
	_ =	sdelay $0x1  }
0x30: {  	s2 =	sshrl.u32 s2, $0x1  }
0x31: {  	s2 =	smul.u32 $0x3, s2;
	_ =	sdelay $0x1  }
0x32: {  	s2 =	ssub.s32 s0, s2  }
0x33: {  	s2 =	smul.u32 $0x7D00, s2  }
0x34: {  	_ =	swait.ge [sflag:s7], $0x1F40  }
0x35: {  	[sflag:s7] =	ssyncset.done $0x0;
	s2 =	sshrl.u32 s2, $0x2  }
0x36: {  	[sflag:s7] =	ssyncadd.s32 $0xFFFFE0C0;
	(ifvalue) =	ssetifvalue $0xFFFFFFFF;
	v3 =	vld.msk [tilespmem:s2+$0x100 ss:$0x1], $0xffff;
	_ =	sdelay $0x2  }
0x37: {  	s30 =	smulhi.u32 $0xAAAAAAAB, s18;
	p1 =	sne.s32 s24, $0x1  }
0x38: {  	v4 =	vimm.s32 @!p1 $0x0  }
0x39: {  	s2 =	sshrl.u32 s30, $0x1;
	v4 =	vperm.xlane @!p1 v3, v4  }
0x3a: {  	s22 =	sshll.u32 s24, $0x4;
	s2 =	smul.u32 $0xFFFE8900, s2;
	vm4 =	vlt.u32 v3, $0x2800  }
0x3b: {  	s22 =	sand.u32 $0x10, s22;
	v3 =	vnsel vm4, $0xFFFFFFFE, v3;
	vm4 =	vlt.u32 @!p1 v4, $0x2800  }
0x3c: {  	s2 =	sshra.s32 s2, $0x2;
	[tilespmem:s22+$0x60] =	vst v3;
	v3 =	vnsel @!p1 vm4, $0xFFFFFFFE, v4  }
0x3d: {  	s28 =	sadd.s32 s2, s17;
	[tilespmem:$0x80] =	vst @!p1 v3  }
0x3e: {  	v3 =	vld.msk [tilespmem:s28+$0x0 ss:$0x1], $0xffff;
	_ =	sdelay $0x4  }
0x3f: {  	(xrf1) =	vunique.msk.u32 $0xffff, v3;
	_ =	sdelay $0xd  }
0x40: {  	v4 =	vimm.s32 $0xFFFFFFFF;
	v5, _, _ =	vpop (xrf1)  }
0x41: {  	vm5 =	vne.s32 v3, v4;
	vm4 =	veq.s32 v5, v2  }
0x42: {  	vm6 =	vlt.u32 v3, $0x2800;
	vm4 =	vmand vm5, vm4  }
0x43: {  	vm4 =	vmand vm6, vm4  }
0x44: {  	v4 =	vnsel vm4, $0xFFFFFFFF, v3  }
0x45: {  	s31 =	sand.u32 $0x1, s0  }
0x46: {  	s0 =	simm.s32 $0x1F40;
	p1 =	seq.s32 s31, $0x1  }
0x47: {  	s0 =	simm.s32 @!p1 $0x0  }
0x48: {  	s26 =	sadd.s32 $0x7DF0, s0;
	(ifvalue) =	ssetifvalue $0xFFFFFFFF  }
0x49: {  	v3 =	vperm.xlane v3, v1;
	[tilespmem:s26], [sflag:$0x8] =	stream.indirect_vreg.gather [hbm4b:s1+s16], $0x1, v4, vm0, $0x4038;
	v4 =	vnsel vm6, $0xFFFFFFFE, v4;
	[tilespmem:$0x11A60] =	vst v63  }
0x4a: {  	s2 =	simm.s32 $0x0;
	s22 =	sadd.s32 $0xFFFFFFF0, s28;
	[tilespmem:s28+$0x0] =	vst v4  }
.LBB2_3:
0x4b: {  	v4 =	vld.msk [tilespmem:s22+$0x0 ss:$0x1], $0xffff;
	s2 =	sadd.s32 $0x10, s2;
	v5 =	vmov v3;
	s28 =	smov.u32 s22  }
0x4c: {  	p1 =	slt.u32 s2, $0x1F30;
	_ =	sdelay $0x4  }
0x4d: {  	v3 =	vperm.xlane v4, v1;
	(xrf1) =	vunique.msk.u32 $0xffff, v4;
	_ =	sdelay $0xd  }
0x4e: {  	v6, _, _ =	vpop (xrf1)  }
0x4f: {  	vm5 =	vne.s32 v4, v5;
	vm4 =	veq.s32 v6, v2  }
0x50: {  	vm6 =	vlt.u32 v4, $0x2800;
	vm4 =	vmand vm5, vm4  }
0x51: {  	vm4 =	vmand vm6, vm4  }
0x52: {  	v4 =	vnsel vm4, $0xFFFFFFFF, v4  }
.Ltmp3:
0x53: {  	v5 =	vnsel vm6, $0xFFFFFFFE, v4;
	(pc) =	sbr.rel @p1 .LBB2_3-.Ltmp3, $3  }
0x54: {  	_ =	sdelay $0x1  }
0x55: {  	s22 =	sadd.s32 $0xFFFFFFF0, s22;
	s26 =	sadd.s32 $0xFFFFFFF0, s26;
	(ifvalue) =	ssetifvalue $0xFFFFFFFF  }
0x56: {  	[tilespmem:s26], [sflag:$0x8] =	stream.indirect_vreg.gather [hbm4b:s1+s16], $0x1, v4, vm0, $0x4038;
	[tilespmem:s28+$0x0] =	vst v5  }
0x57: {  	s2 =	sshrl.u32 s25, $0x3  }
0x58: {  	s0 =	sadd.s32 $0x9D40, s0;
	s2 =	sadd.s32 s9, s2  }
0x59: {  	[tilespmem:s0], [sflag:$0x8] =	stream.linear.gather [hbm:s2], $0x1F40, $0x38;
	[tilespmem:$0x11A60] =	vst v63  }
.LBB2_5:
0x5a: {  	p1 =	slt.u32 s24, $0x2  }
0x5b: {  	p2 =	sge.u32 @!p1 s24, s12  }
0x5c: {  	p1 =	por p1, p2  }
.Ltmp4:
0x5d: {  	_ = 	snop;
	(pc) =	sbr.rel @p1 .LBB2_9-.Ltmp4, $1  }
0x5e: {  	_ =	sdelay $0x3  }
0x5f: {  	s0 =	sadd.s32 $0xFFFFFFFE, s24  }
0x60: {  	s2 =	smulhi.u32 $0xAAAAAAAB, s0;
	_ =	sdelay $0x1  }
0x61: {  	s2 =	sshrl.u32 s2, $0x1  }
0x62: {  	s2 =	smul.u32 $0x3, s2;
	_ =	sdelay $0x1  }
0x63: {  	s0 =	ssub.s32 s0, s2  }
0x64: {  	_ =	swait.ge [sflag:s8], $0x3E80;
	s0 =	smul.u32 $0x1F40, s0  }
0x65: {  	p1 =	sne.s32 s24, s11;
	[sflag:s8] =	ssyncset.done $0x0  }
0x66: {  	[sflag:s8] =	ssyncadd.s32 $0xFFFFC180;
	s2 =	sadd.s32 @!p1 $0x203F, s0  }
0x67: {  	[spmem:s14] =	stream.linear.scatter @!p1 [tilespmem:s2], [sflag:$0x1], $0x1, $0x38;
	[tilespmem:$0x11A60] =	vst v63  }
0x68: {  	s2 =	simm.s32 @!p1 $0x1  }
0x69: {  	_ =	swait.ge @!p1 [sflag:s2], $0x1  }
0x6a: {  	s22 =	sshll.u32 s24, $0x4;
	[sflag:s2] =	ssyncset.done @!p1 $0x0  }
0x6b: {  	s25 =	sand.u32 $0x10, s22;
	[sflag:s2] =	ssyncadd.s32 @!p1 $0xFFFFFFFF  }
0x6c: {  	s2 =	sxor.u32 $0x10, s25;
	v4 =	vld [tilespmem:s25+$0x10]  }
0x6d: {  	v5 =	vld [tilespmem:s2+$0x60]  }
0x6e: {  	v3 =	vld [tilespmem:$0x80];
	_ =	sdelay $0x2  }
0x6f: {  	(v2sf) =	vpush v4, $0x0  }
0x70: {  	(v2sf) =	vpush v5, $0x0  }
0x71: {  	(v2sf) =	vpush v3, $0x0;
	_ =	sdelay $0xc  }
0x72: {  	s22 =	spop (v2sf)  }
0x73: {  	s26 =	spop (v2sf)  }
0x74: {  	s28 =	spop (v2sf)  }
0x75: {  	p2 =	seq.s32 s22, s26;
	p3 =	seq.s32 s28, s22  }
0x76: {  	p3 =	por p2, p3  }
0x77: {  	s26 =	sand.u32 $0x1, s24;
	v4 =	vpsel p3, $0xFFFFFFFF, v4  }
0x78: {  	s29 =	smul.u32 $0x1F40, s26;
	[tilespmem:s25+$0x10] =	vst.msk $0x1, v4  }
0x79: {  	v4 =	vld [tilespmem:$0x30]  }
0x7a: {  	v5 =	vld [tilespmem:s29+$0x9D40]  }
0x7b: {  	v6 =	vld [tilespmem:s25+$0x40];
	_ =	sdelay $0x3  }
0x7c: {  	vm4 =	vmmov vm1;
	v5 =	vadd.f32 v5, v4  }
0x7d: {  	vm5 =	vmmov vm2;
	vm4 =	vmmov @p2 vm2;
	s22 =	sshll.u32 s26, $0x4;
	v4 =	vadd.f32 v6, v4  }
0x7e: {  	s26 =	sor.u32 $0x11A40, s22;
	vm5 =	vmmov @p3 vm1;
	[tilespmem:s29+$0x9D40] =	vst.msk vm4, v5  }
0x7f: {  	[tilespmem:s26+$0x0] =	vst.msk vm5, v4  }
0x80: {  	v4 =	vld [tilespmem:s29+$0x7DF0];
	_ =	sdelay $0x3  }
0x81: {  	v5 =	vimm.f32 $0.0e+00  }
0x82: {  	v4 =	vshift.insert v4, v5, s21  }
0x83: {  	s22 =	sor.u32 $0x40, s2  }
0x84: {  	[tilespmem:s22+$0x0] =	vst.msk $0x1, v4  }
0x85: {  	[tilespmem:s29+$0x7DFF] =	vst.msk $0x1, v5  }
0x86: {  	v4 =	vld [tilespmem:s0+$0x2030];
	_ =	sdelay $0x1  }
0x87: {  	s22 =	smulhi.u32 $0xAAAAAAAB, s20;
	s0 =	simm.s32 $0x1  }
0x88: {  	s0 =	simm.s32 @!p0 $0x0  }
0x89: {  	s22 =	sshrl.u32 s22, $0x1;
	s0 =	smul.u32 $0x7D00, s0  }
0x8a: {  	s22 =	smul.u32 $0xFFFE8900, s22;
	v4 =	vshift.insert v4, v1, s21  }
0x8b: {  	s0 =	sshrl.u32 s0, $0x2  }
0x8c: {  	s22 =	sshra.s32 s22, $0x2;
	s30 =	sadd.s32 $0x9D40, s0;
	[tilespmem:s2+$0x10] =	vst.msk $0x1, v4  }
0x8d: {  	s22 =	sadd.s32 s22, s19;
	v6 =	vld [tilespmem:s30+$0x0]  }
0x8e: {  	v7 =	vld [tilespmem:s22+$0x0];
	_ =	sdelay $0x3  }
0x8f: {  	v5 =	vadd.f32 v6, v5  }
0x90: {  	vm4 =	vne.s32 v7, $0xFFFFFFFF  }
0x91: {  	(xrf2) =	vadd.seg.scan.f32 vm4, v5;
	_ =	sdelay $0x3  }
0x92: {  	s31 =	sadd.s32 $0x5EC0, s0;
	v5 =	vperm.xlane v4, v1  }
0x93: {  	v6 =	vld [tilespmem:s31+$0x0]  }
0x94: {  	vm5 =	veq.s32 v7, v3;
	vm6 =	veq.s32 v7, v5  }
0x95: {  	vm7 =	vgt.u32 v7, $0xFFFFFFFD;
	vm6 =	vmor vm6, vm5  }
0x96: {  	vm6 =	vmor vm6, vm7  }
0x97: {  	v9 =	vld [tilespmem:$0xA0];
	v7 =	vsel vm6, $0xFFFFFFFF, v7  }
0x98: {  	v10 =	vld [tilespmem:$0x90];
	v6 =	vsel vm5, $0x0, v6;
	v8, _, _ =	vpop (xrf2)  }
0x99: {  	v6 =	vadd.f32 v8, v6  }
0x9a: {  	s0 =	sadd.s32 $0xDBC0, s0  }
0x9b: {  	vm4 =	vmand vm4, vm3;
	[tilespmem:s0+$0x0] =	vst v6;
	(ifvalue) =	ssetifvalue $0xFFFFFFFF  }
0x9c: {  	vm6 =	veq.s32 v9, $0x1;
	[hbm4b:s1+s16] =	stream.indirect_vreg.scatter [tilespmem:s0], [sflag:$0x2], $0x1, v7, vm0, $0x4038;
	v7 =	vsel vm4, $0x0, v8;
	[tilespmem:$0x11A60] =	vst v63  }
0x9d: {  	s2 =	simm.s32 $0x0;
	s22 =	sadd.s32 $0x10, s22;
	vm4 =	vmor vm6, vm5;
	v6 =	vsel vm5, v8, v10;
	v7 =	vshift.insert v7, v0, s21  }
.LBB2_7:
0x9e: {  	v8 =	vld [tilespmem:s22+$0x0];
	s30 =	sadd.s32 $0x10, s30  }
0x9f: {  	s31 =	sadd.s32 $0x10, s31;
	v9 =	vld [tilespmem:s30+$0x0]  }
0xa0: {  	s2 =	sadd.s32 $0x10, s2;
	v10 =	vld [tilespmem:s31+$0x0]  }
0xa1: {  	p2 =	slt.u32 s2, $0x1F30;
	_ =	sdelay $0x2  }
0xa2: {  	v7 =	vadd.f32 v9, v7  }
0xa3: {  	vm5 =	vne.s32 v8, $0xFFFFFFFF  }
0xa4: {  	vm6 =	vmand vm5, vm3;
	(xrf2) =	vadd.seg.scan.f32 vm5, v7;
	_ =	sdelay $0x5  }
0xa5: {  	vm7 =	veq.s32 v8, v5;
	vm5 =	veq.s32 v8, v3  }
0xa6: {  	vm8 =	vgt.u32 v8, $0xFFFFFFFD;
	vm4 =	vmor vm4, vm5;
	vm7 =	vmor vm7, vm5  }
0xa7: {  	vm7 =	vmor vm7, vm8  }
0xa8: {  	v8 =	vsel vm7, $0xFFFFFFFF, v8  }
.Ltmp5:
0xa9: {  	v7 =	vsel vm5, $0x0, v10;
	v9, _, _ =	vpop (xrf2);
	(pc) =	sbr.rel @p2 .LBB2_7-.Ltmp5, $4  }
0xaa: {  	v6 =	vsel vm5, v9, v6;
	v10 =	vadd.f32 v9, v7;
	v7 =	vsel vm6, $0x0, v9  }
0xab: {  	s0 =	sadd.s32 $0x10, s0;
	v7 =	vshift.insert v7, v0, s21  }
0xac: {  	s22 =	sadd.s32 $0x10, s22;
	[tilespmem:s0+$0x0] =	vst v10;
	(ifvalue) =	ssetifvalue $0xFFFFFFFF  }
0xad: {  	[hbm4b:s1+s16] =	stream.indirect_vreg.scatter [tilespmem:s0], [sflag:$0x2], $0x1, v8, vm0, $0x4038;
	[tilespmem:$0x11A60] =	vst v63  }
0xae: {  	v3 =	vld [tilespmem:s29+$0xFAF0];
	_ =	sdelay $0x4  }
0xaf: {  	v3 =	vshift.insert v3, v0, s21  }
0xb0: {  	s0 =	simm.s32 $0x30  }
0xb1: {  	[tilespmem:s0+$0x0] =	vst.msk $0x1, v3  }
0xb2: {  	v3 =	vsel vm4, $0x1, v1;
	[tilespmem:$0x90] =	vst v6  }
0xb3: {  	s0 =	sadd.s32 @!p1 $0xFAFF, s29;
	[tilespmem:$0xA0] =	vst v3  }
0xb4: {  	[spmem:s15] =	stream.linear.scatter @!p1 [tilespmem:s0], [sflag:$0x1], $0x1, $0x38;
	[tilespmem:$0x11A60] =	vst v63  }
0xb5: {  	s0 =	simm.s32 @!p1 $0x1  }
0xb6: {  	v3 =	vmctz.xlane @!p1 vm4;
	_ =	swait.ge @!p1 [sflag:s0], $0x1  }
0xb7: {  	(v2sf) =	vpush @!p1 v4, $0x0  }
0xb8: {  	(v2sf) =	vpush @!p1 v3, $0x0;
	_ =	sdelay $0xd  }
0xb9: {  	s2 =	spop @!p1 (v2sf)  }
0xba: {  	s22 =	spop @!p1 (v2sf)  }
0xbb: {  	p2 =	sne.s32 @!p1 s28, s2;
	p3 =	slt.s32 @!p1 s22, $0xF  }
0xbc: {  	[sflag:s0] =	ssyncset.done @!p1 $0x0;
	p2 =	por p2, p1;
	p3 =	por !p3, p1  }
0xbd: {  	[sflag:s0] =	ssyncadd.s32 @!p1 $0xFFFFFFFF;
	v3 =	vimm.s32 @!p2 $0xFFFFFFFF;
	s22 =	simm.s32 @p3 $0xF  }
0xbe: {  	[tilespmem:$0x80] =	vst @!p2 v3;
	s2 =	sadd.s32 @!p1 $0x90, s22  }
0xbf: {  	[spmem:s3] =	stream.linear.scatter @!p1 [tilespmem:s2], [sflag:$0x1], $0x1, $0x38;
	[tilespmem:$0x11A60] =	vst v63  }
0xc0: {  	_ =	swait.ge @!p1 [sflag:s0], $0x1  }
0xc1: {  	[sflag:s0] =	ssyncset.done @!p1 $0x0  }
0xc2: {  	s2 =	simm.s32 @!p1 $0x80;
	[sflag:s0] =	ssyncadd.s32 @!p1 $0xFFFFFFFF  }
0xc3: {  	[spmem:s13] =	stream.linear.scatter @!p1 [tilespmem:s2], [sflag:$0x1], $0x1, $0x38;
	[tilespmem:$0x11A60] =	vst v63  }
0xc4: {  	_ =	swait.ge @!p1 [sflag:s0], $0x1  }
0xc5: {  	[sflag:s0] =	ssyncset.done @!p1 $0x0  }
0xc6: {  	[sflag:s0] =	ssyncadd.s32 @!p1 $0xFFFFFFFF;
	(ifvalue) =	ssetifvalue $0xFFFFFFFF;
	v3 =	vld [tilespmem:s25+$0x10];
	_ =	sdelay $0x3  }
.Ltmp6:
0xc7: {  	_ = 	snop;
	(pc) =	sbr.rel .LBB2_9-.Ltmp6, $3  }
0xc8: {  	_ =	sdelay $0x1  }
0xc9: {  	(ifvalue) =	ssetifvalue $0xFFFFFFFF  }
0xca: {  	[hbm4b:s1+s16] =	stream.indirect_vreg.scatter [tilespmem:s26], [sflag:$0x9], $0x1, v3, vm0, $0x4038;
	[tilespmem:$0x11A60] =	vst v63  }
.LBB2_10:
0xcb: {  	_ =	sfence.sel $0x180000  }
0xcc: {  	s0 =	simm.s32 $0x7;
	[bflag:$0x0] =	sbarrier.arrive $0xFFFF  }
0xcd: {  	s26 =	simm.s32 $0x8;
	[sflag:s0] =	ssyncpa.u1 $0x1  }
0xce: {  	s28 =	simm.s32 $0x9;
	[sflag:s26] =	ssyncpa.u1 $0x1  }
0xcf: {  	[sflag:s28] =	ssyncpa.u1 $0x1  }
0xd0: {  	_ =	sfence.stream.spmem  }
0xd1: {  	s29 =	simm.s32 $0x3;
	[bflag:$0x0] =	sbarrier.arrive $0xFFFF  }
0xd2: {  	s30 =	simm.s32 $0x4;
	[sflag:s29] =	ssyncpa.u1 $0x1  }
0xd3: {  	s31 =	simm.s32 $0x3C;
	s2 =	stileid.u32;
	[sflag:s30] =	ssyncpa.u1 $0x1  }
0xd4: {  	p0 =	sne.s32 s2, $0x0;
	[sflag:s31] =	ssyncpa.u1 $0x1  }
0xd5: {  	s0 =	simm.s32 @p0 $0x1;
	_ =	sfence @p0  }
0xd6: {  	[sflag:s0] =	ssyncpa.u1 @p0 $0x1;
	s0 =	simm.s32 @p0 $0x2  }
0xd7: {  	[sflag:s0] =	ssyncpa.u1 @p0 $0x1  }
0xd8: {  	_ =	strace @p0 $0x9000004A  }
0xd9: {  	[bflag:$0x2] =	sbarrier.arrive @p0 $0xFFFF  }
0xda: {  	_ =	shalt @p0  }
.LBB2_11:
0xdb: {  	_ =	sfence.stream.spmem;
	s0 =	simm.s32 $0x5  }
0xdc: {  	s2 =	simm.s32 $0x80;
	s3 =	simm.s32 $0xC0;
	[sflag:s0] =	ssyncpa.u1 $0x0  }
0xdd: {  	[tilespmem:s3], [sflag:$0x5] =	stream.linear.gather [spmem:s2], $0x20, $0x38;
	[tilespmem:$0x11A60] =	vst v63  }
0xde: {  	s2 =	simm.s32 $0x0;
	s3 =	simm.s32 $0xE0  }
0xdf: {  	[tilespmem:s3], [sflag:$0x5] =	stream.linear.gather [spmem:s2], $0x20, $0x38;
	[tilespmem:$0x11A60] =	vst v63  }
.Ltmp7:
0xe0: {  	_ = 	snop;
	(pc) =	sbr.rel .LBB2_12-.Ltmp7, $4  }
0xe1: {  	_ =	swait.ge [sflag:s0], $0x40  }
0xe2: {  	[sflag:s0] =	ssyncset.done $0x0  }
0xe3: {  	s31 =	simm.s32 $0x6;
	[sflag:s0] =	ssyncadd.s32 $0xFFFFFFC0  }
0xe4: {  	s4 =	simm.s32 $0x0;
	[sflag:s31] =	ssyncpa.u1 $0x0  }
.LBB2_17:
0xe5: {  	p0 =	sgt.u32 s5, $0x27FF  }
0xe6: {  	s0 =	sshrl.u32 @!p0 s5, $0x3  }
0xe7: {  	s5 =	sand.u32 @!p0 $0x7, s5;
	s6 =	simm.s32 @!p0 $0xB0;
	s0 =	sadd.s32 @!p0 s1, s0  }
0xe8: {  	[tilespmem:s6], [sflag:$0x6] =	stream.linear.gather @!p0 [hbm4b:s0+s5], $0x1, $0x38;
	[tilespmem:$0x11A60] =	vst v63  }
0xe9: {  	s0 =	simm.s32 @!p0 $0x6  }
0xea: {  	_ =	swait.ge @!p0 [sflag:s0], $0x1  }
0xeb: {  	[sflag:s0] =	ssyncset.done @!p0 $0x0  }
0xec: {  	[sflag:s0] =	ssyncadd.s32 @!p0 $0xFFFFFFFF  }
0xed: {  	v2 =	vmov @!p0 s4;
	v1 =	vld.msk @!p0 [tilespmem:$0xB0], $0x1;
	_ =	sdelay $0x3  }
0xee: {  	s0 =	simm.s32 @!p0 $0xE0  }
0xef: {  	[tilespmem:v2+s0+$0x0], v1 =	vst.idx.ret.add.f32.msk @!p0 $0x1, v1  }
0xf0: {  	[tilespmem:s2+$0xC0] =	vst.msk $0x1, v0  }
0xf1: {  	v0 =	vld.msk [tilespmem:s4+$0xE0], $0x1;
	_ =	sdelay $0x4  }
0xf2: {  	[tilespmem:s2+$0xE0] =	vst.msk $0x1, v0;
	s2 =	sadd.s32 $0x1, s2  }
.LBB2_19:
0xf3: {  	s4 =	sadd.s32 $0x1, s4  }
0xf4: {  	p0 =	sne.s32 s4, $0x20  }
.Ltmp8:
0xf5: {  	_ = 	snop;
	(pc) =	sbr.rel @!p0 .LBB2_20-.Ltmp8, $1  }
0xf6: {  	_ =	sdelay $0x3  }
.LBB2_12:
0xf7: {  	v0 =	vld.msk [tilespmem:s4+$0xC0], $0x1;
	_ =	sdelay $0x4  }
0xf8: {  	(v2sf) =	vpush v0, $0x0;
	_ =	sdelay $0xe  }
0xf9: {  	s5 =	spop (v2sf)  }
0xfa: {  	p0 =	seq.s32 s5, $0xFFFFFFFF  }
.Ltmp9:
0xfb: {  	_ = 	snop;
	(pc) =	sbr.rel @p0 .LBB2_19-.Ltmp9, $1  }
0xfc: {  	_ =	sdelay $0x3  }
0xfd: {  	p0 =	slt.s32 s2, $0x1  }
.Ltmp10:
0xfe: {  	_ = 	snop;
	(pc) =	sbr.rel @p0 .LBB2_17-.Ltmp10, $1  }
0xff: {  	_ =	sdelay $0x3  }
0x100: {  	s0 =	simm.s32 $0xC0;
	p0 =	por $0x0, $0x0  }
0x101: {  	v1 =	vld.msk @!p0 [tilespmem:s0+$0x0], $0x1;
	_ =	sdelay $0x4  }
0x102: {  	(v2sf) =	vpush @!p0 v1, $0x0;
	_ =	sdelay $0xd  }
0x103: {  	p2 =	sne.s32 s2, $0x1  }
.Ltmp11:
0x104: {  	s6 =	spop @!p0 (v2sf);
	(pc) =	sbr.rel @!p2 .LBB2_16-.Ltmp11, $4  }
0x105: {  	p1 =	seq.s32 @!p0 s5, s6  }
0x106: {  	s6 =	simm.s32 $0x0;
	p1 =	por !p1, p0  }
0x107: {  	s8 =	simm.s32 $0xFFFFFFFF;
	s6 =	simm.s32 @p1 $0xFFFFFFFF  }
0x108: {  	s7 =	simm.s32 $0x1;
	s6 =	smov.u32 @p0 s8  }
.LBB2_15:
0x109: {  	s8 =	smov.u32 s6;
	p0 =	sne.s32 s6, $0xFFFFFFFF  }
0x10a: {  	s0 =	sadd.s32 $0x1, s0;
	s6 =	smov.u32 s7;
	s7 =	sadd.s32 $0x1, s7  }
0x10b: {  	p1 =	sne.s32 s2, s7;
	v1 =	vld.msk @!p0 [tilespmem:s0+$0x0], $0x1;
	_ =	sdelay $0x4  }
0x10c: {  	(v2sf) =	vpush @!p0 v1, $0x0;
	_ =	sdelay $0xe  }
.Ltmp12:
0x10d: {  	s9 =	spop @!p0 (v2sf);
	(pc) =	sbr.rel @p1 .LBB2_15-.Ltmp12, $4  }
0x10e: {  	p2 =	seq.s32 @!p0 s5, s9  }
0x10f: {  	p2 =	por !p2, p0  }
0x110: {  	s6 =	simm.s32 @p2 $0xFFFFFFFF  }
0x111: {  	s6 =	smov.u32 @p0 s8  }
.LBB2_16:
0x112: {  	p0 =	sne.s32 s6, $0xFFFFFFFF  }
.Ltmp13:
0x113: {  	_ = 	snop;
	(pc) =	sbr.rel @!p0 .LBB2_17-.Ltmp13, $1  }
0x114: {  	_ =	sdelay $0x3  }
0x115: {  	v0 =	vld.msk [tilespmem:s4+$0xE0], $0x1;
	v1 =	vmov s6  }
.Ltmp14:
0x116: {  	_ = 	snop;
	(pc) =	sbr.rel .LBB2_19-.Ltmp14, $2  }
0x117: {  	_ =	sdelay $0x2  }
0x118: {  	[tilespmem:v1+s3+$0x0], v0 =	vst.idx.ret.add.f32.msk $0x1, v0  }
.LBB2_20:
0x119: {  	p0 =	slt.s32 s2, $0x1  }
.Ltmp15:
0x11a: {  	_ = 	snop;
	(pc) =	sbr.rel @p0 .LBB2_24-.Ltmp15, $3  }
0x11b: {  	_ =	sdelay $0x1  }
0x11c: {  	s0 =	simm.s32 $0x6  }
0x11d: {  	s3 =	simm.s32 $0x0;
	[sflag:s0] =	ssyncpa.u1 $0x1  }
0x11e: {  	s0 =	simm.s32 $0xC0  }
0x11f: {  	v0 =	vld.msk [tilespmem:s0+$0x0], $0x1;
	_ =	sdelay $0x4  }
0x120: {  	(v2sf) =	vpush v0, $0x0;
	_ =	sdelay $0xe  }
0x121: {  	s2 =	sadd.s32 $0xFFFFFFFF, s2;
	s4 =	spop (v2sf)  }
0x122: {  	p1 =	sne.s32 s2, $0x0;
	p0 =	sgt.u32 s4, $0x27FF  }
.Ltmp16:
0x123: {  	s5 =	sshrl.u32 @!p0 s4, $0x3;
	(pc) =	sbr.rel @!p1 .LBB2_23-.Ltmp16, $4  }
0x124: {  	s0 =	simm.s32 $0xE0;
	s4 =	sand.u32 @!p0 $0x7, s4;
	s5 =	sadd.s32 @!p0 s1, s5  }
0x125: {  	[hbm4b:s5+s4] =	stream.linear.scatter @!p0 [tilespmem:s0], [sflag:$0x5], $0x1, $0x38;
	[tilespmem:$0x11A60] =	vst v63  }
0x126: {  	s5 =	simm.s32 $0x0  }
0x127: {  	s4 =	simm.s32 $0xC1;
	s5 =	simm.s32 @!p0 $0x4  }
.LBB2_22:
0x128: {  	v0 =	vld.msk [tilespmem:s4+$0x0], $0x1;
	s2 =	sadd.s32 $0xFFFFFFFF, s2;
	s3 =	sadd.s32 s3, s5  }
0x129: {  	p0 =	sne.s32 s2, $0x0;
	_ =	sdelay $0x3  }
0x12a: {  	(v2sf) =	vpush v0, $0x0;
	_ =	sdelay $0xe  }
.Ltmp17:
0x12b: {  	s6 =	spop (v2sf);
	(pc) =	sbr.rel @p0 .LBB2_22-.Ltmp17, $4  }
0x12c: {  	s5 =	simm.s32 $0x0;
	p1 =	sgt.u32 s6, $0x27FF  }
0x12d: {  	s0 =	sadd.s32 $0x1, s0;
	s5 =	simm.s32 @!p1 $0x4;
	s7 =	sshrl.u32 @!p1 s6, $0x3  }
0x12e: {  	s4 =	sadd.s32 $0x1, s4;
	s6 =	sand.u32 @!p1 $0x7, s6;
	s7 =	sadd.s32 @!p1 s1, s7  }
0x12f: {  	[hbm4b:s7+s6] =	stream.linear.scatter @!p1 [tilespmem:s0], [sflag:$0x5], $0x1, $0x38;
	[tilespmem:$0x11A60] =	vst v63  }
.LBB2_23:
0x130: {  	s0 =	sadd.s32 s3, s5  }
0x131: {  	s3 =	sshrl.u32 s0, $0x2  }
.LBB2_24:
0x132: {  	s0 =	simm.s32 $0x5  }
0x133: {  	_ =	swait.ge [sflag:s0], s3  }
0x134: {  	s1 =	ssub.s32 $0x0, s3;
	[sflag:s0] =	ssyncset.done $0x0  }
0x135: {  	[sflag:s0] =	ssyncadd.s32 s1  }
0x136: {  	[sflag:s0] =	ssyncpa.u1 $0x1  }
0x137: {  	s29 =	simm.s32 $0x1;
	_ =	sfence  }
0x138: {  	s30 =	simm.s32 $0x2;
	[sflag:s29] =	ssyncpa.u1 $0x1  }
0x139: {  	[sflag:s30] =	ssyncpa.u1 $0x1  }
0x13a: {  	_ =	strace $0x9000004A  }
0x13b: {  	[bflag:$0x2] =	sbarrier.arrive $0xFFFF  }
0x13c: {  	s31 =	rddreg [dreg:$0x2]  }
0x13d: {  	s0 =	sadd.s32 $0x100000, s31  }
0x13e: {  	[sflag:s0] =	ssyncadd.tile.s32 $0x1;
	_ =	shalt  }
.Lfunc_end2:
_tile_overlayer_lowered:
.L_overlay_start_2:
0x13f: {  	(tag) =	ssettag $0x2  }
0x140: {  	s0 =	rddreg [dreg:$0x0];
	s2 =	stileid.u32  }
0x141: {  	s1 =	rddreg [dreg:$0x1];
	p0 =	sne.s32 s2, $0x0  }
0x142: {  	s3 =	rddreg [dreg:$0x2];
	[bflag:$0x3] =	sbarrier.arrive $0xFFFF;
	s2 =	simm.s32 @!p0 $0x1C01  }
0x143: {  	[timem:s3], [sflag:s2] =	dma.local @!p0 [hbm:s0], s1  }
0x144: {  	s0 =	simm.s32 @!p0 $0x1  }
0x145: {  	_ =	swait.ge @!p0 [sflag:s0], s1  }
0x146: {  	s1 =	ssub.s32 @!p0 $0x0, s1;
	[sflag:s0] =	ssyncset.done @!p0 $0x0  }
0x147: {  	[sflag:s0] =	ssyncadd.s32 @!p0 s1  }
0x148: {  	[bflag:$0x3] =	sbarrier.arrive $0xFFFF  }
0x149: {  	_ =	shalt  }

// kernel: scatter_offload_async_start
scs
__scs_entry_jumppad:
0x0: {  	(pc) =	sbr.rel $0x88, $3  }
0x1: {  	(tag) =	ssettag $0x0;
	lr =	simm.s32 $0x1  }
0x2: {  	[smem:$0x3F83] =	sst lr;
	_ =	strace $0xD0000000  }
0x3: {  	_ = 	snop  }
0x4: {  	_ = 	snop  }
0x5: {  	_ = 	snop  }
0x6: {  	_ = 	snop  }
0x7: {  	_ = 	snop  }
__scs_overlays_trampoline_lowered:
0x8: {  	[smem:$0x3F92] =	sst s0  }
0x9: {  	[smem:$0x3F93] =	sst s1  }
0xa: {  	[smem:$0x3F94] =	sst s2  }
0xb: {  	[smem:$0x3F95] =	sst s3  }
0xc: {  	[smem:$0x3F96] =	sst s4  }
0xd: {  	[smem:$0x3F97] =	sst s5  }
0xe: {  	[smem:$0x3F98] =	sst s6  }
0xf: {  	[smem:$0x3F99] =	sst s7  }
0x10: {  	[smem:$0x3F9A] =	sst s8  }
0x11: {  	[smem:$0x3F9B] =	sst s9;
	s0 =	simm.s32 @!p0 $0x0  }
0x12: {  	s1 =	sld [smem:$0x3F81];
	s0 =	simm.s32 @p0 $0x1  }
0x13: {  	[smem:$0x3F9C] =	sst s0;
	s0 =	simm.s32 @!p1 $0x0  }
0x14: {  	s2 =	sld [smem:$0x3F80];
	s0 =	simm.s32 @p1 $0x1  }
0x15: {  	[smem:$0x3F9D] =	sst s0;
	s0 =	simm.s32 @!p2 $0x0  }
0x16: {  	s3 =	sld [smem:$0x3FDB];
	s0 =	simm.s32 @p2 $0x1  }
0x17: {  	s4 =	simm.s32 $0x1BF5;
	[smem:$0x3F9F] =	sst s0  }
0x18: {  	s0 =	sld [smem:$0x3F82];
	_ =	swait.ge [sflag:s4], $0x0  }
0x19: {  	s7 =	sld [smem:$0x3F83]  }
0x1a: {  	s8 =	sadd.s32 $0xFFFFE003, lr  }
0x1b: {  	s9 =	sadd.s32 $0xFFFFFEF7, lr;
	s5 =	simm.s32 $0xFFFFFFFF;
	p2 =	slt.u32 s8, $0xFFFFF086  }
0x1c: {  	p1 =	slt.u32 s9, $0xF7A;
	s5 =	simm.s32 @!p2 $0x0  }
0x1d: {  	s5 =	simm.s32 @p1 $0x1;
	p0 =	seq.s32 s7, s2  }
0x1e: {  	s7 =	smul.u32 @!p0 $0xF7A, s2;
	p2 =	seq.s32 @!p0 s5, $0x0  }
0x1f: {  	s9 =	smul.u32 $0xF7A, s1;
	s8 =	simm.s32 @!p0 $0x1BF5;
	p2 =	por !p2, p0  }
0x20: {  	[sflag:s8] =	ssyncset.s32 @!p0 $0xFFFFF086;
	s6 =	sadd.s32 @!p0 s3, s7;
	s7 =	simm.s32 @!p0 $0x108  }
0x21: {  	s3 =	sadd.s32 s3, s9;
	s6 =	sadd.s32 @!p0 $0x88, s6;
	s7 =	simm.s32 @p2 $0x1082  }
0x22: {  	[simem:s7], [sflag:s8] =	dma.local @!p0 [hbm:s6], $0xF7A  }
0x23: {  	s9 =	sor.u32 $0xD0000000, s2;
	s6 =	simm.s32 $0x108;
	_ =	swait.ge @!p0 [sflag:s8], $0x0  }
0x24: {  	s3 =	sadd.s32 $0x88, s3;
	s6 =	simm.s32 @!p1 $0x1082;
	[sflag:s4] =	ssyncset.s32 $0xFFFFF086  }
0x25: {  	[simem:s6], [sflag:s4] =	dma.local [hbm:s3], $0xF7A  }
0x26: {  	[smem:$0x3F83] =	sst s1;
	(tag) =	ssettag s2;
	_ =	strace s9  }
0x27: {  	s1 =	sld [smem:$0x3F93]  }
0x28: {  	s2 =	sld [smem:$0x3F94]  }
0x29: {  	s4 =	sld [smem:$0x3F96]  }
0x2a: {  	p0 =	seq.s32 s5, $0x0;
	s5 =	sld [smem:$0x3F97]  }
0x2b: {  	s6 =	sld [smem:$0x3F98]  }
0x2c: {  	s7 =	sld [smem:$0x3F99]  }
0x2d: {  	s3 =	simm.s32 $0x108;
	s8 =	sld [smem:$0x3F9A]  }
0x2e: {  	s3 =	simm.s32 @!p0 $0x1082;
	s9 =	sld [smem:$0x3F9B]  }
0x2f: {  	lr =	sadd.s32 s0, s3;
	s0 =	sld [smem:$0x3F92]  }
0x30: {  	s3 =	sld [smem:$0x3F95]  }
0x31: {  	[smem:$0x3F9E] =	sst s10  }
0x32: {  	s10 =	sld [smem:$0x3F9C];
	_ =	sdelay $0x3  }
0x33: {  	p0 =	seq.s32 s10, $0x1;
	s10 =	sld [smem:$0x3F9E];
	_ =	sdelay $0x3  }
0x34: {  	[smem:$0x3F9E] =	sst s10  }
0x35: {  	s10 =	sld [smem:$0x3F9D];
	_ =	sdelay $0x3  }
0x36: {  	p1 =	seq.s32 s10, $0x1;
	s10 =	sld [smem:$0x3F9E];
	_ =	sdelay $0x3  }
0x37: {  	[smem:$0x3F9E] =	sst s10  }
0x38: {  	s10 =	sld [smem:$0x3F9F]  }
0x39: {  	_ = 	snop;
	(pc) =	sbr.ind lr, $3  }
0x3a: {  	_ = 	snop  }
0x3b: {  	_ = 	snop  }
0x3c: {  	p2 =	seq.s32 s10, $0x1;
	s10 =	sld [smem:$0x3F9E]  }
0x3d: {  	_ =	shalt  }
0x3e: {  	_ =	shalt  }
0x3f: {  	_ =	shalt  }
0x40: {  	_ =	shalt  }
0x41: {  	_ =	shalt  }
0x42: {  	_ =	shalt  }
0x43: {  	_ =	shalt  }
0x44: {  	_ =	shalt  }
0x45: {  	_ =	shalt  }
0x46: {  	_ =	shalt  }
0x47: {  	_ =	shalt  }
0x48: {  	_ =	shalt  }
0x49: {  	_ =	shalt  }
0x4a: {  	_ =	shalt  }
0x4b: {  	_ =	shalt  }
0x4c: {  	_ =	shalt  }
0x4d: {  	_ =	shalt  }
0x4e: {  	_ =	shalt  }
0x4f: {  	_ =	shalt  }
0x50: {  	_ =	shalt  }
0x51: {  	_ =	shalt  }
0x52: {  	_ =	shalt  }
0x53: {  	_ =	shalt  }
0x54: {  	_ =	shalt  }
0x55: {  	_ =	shalt  }
0x56: {  	_ =	shalt  }
0x57: {  	_ =	shalt  }
0x58: {  	_ =	shalt  }
0x59: {  	_ =	shalt  }
0x5a: {  	_ =	shalt  }
0x5b: {  	_ =	shalt  }
0x5c: {  	_ =	shalt  }
0x5d: {  	_ =	shalt  }
0x5e: {  	_ =	shalt  }
0x5f: {  	_ =	shalt  }
0x60: {  	_ =	shalt  }
0x61: {  	_ =	shalt  }
0x62: {  	_ =	shalt  }
0x63: {  	_ =	shalt  }
0x64: {  	_ =	shalt  }
0x65: {  	_ =	shalt  }
0x66: {  	_ =	shalt  }
0x67: {  	_ =	shalt  }
0x68: {  	_ =	shalt  }
0x69: {  	_ =	shalt  }
0x6a: {  	_ =	shalt  }
0x6b: {  	_ =	shalt  }
0x6c: {  	_ =	shalt  }
0x6d: {  	_ =	shalt  }
0x6e: {  	_ =	shalt  }
0x6f: {  	_ =	shalt  }
0x70: {  	_ =	shalt  }
0x71: {  	_ =	shalt  }
0x72: {  	_ =	shalt  }
0x73: {  	_ =	shalt  }
0x74: {  	_ =	shalt  }
0x75: {  	_ =	shalt  }
0x76: {  	_ =	shalt  }
0x77: {  	_ =	shalt  }
0x78: {  	_ =	shalt  }
0x79: {  	_ =	shalt  }
0x7a: {  	_ =	shalt  }
0x7b: {  	_ =	shalt  }
0x7c: {  	_ =	shalt  }
0x7d: {  	_ =	shalt  }
0x7e: {  	_ =	shalt  }
0x7f: {  	_ =	shalt  }
0x80: {  	_ =	shalt  }
0x81: {  	_ =	shalt  }
0x82: {  	_ =	shalt  }
0x83: {  	_ =	shalt  }
0x84: {  	_ =	shalt  }
0x85: {  	_ =	shalt  }
0x86: {  	_ =	shalt  }
0x87: {  	_ =	shalt  }
.Lfunc_end0:
.L_simem_size_0:
called_computation_lowered:
.L_overlay_start_0:
0x88: {  	s0 =	sld [smem:$0x3FD9]  }
0x89: {  	s1 =	sld [smem:$0x3FFE];
	_ =	sdelay $0x3  }
0x8a: {  	s0 =	sadd.s32 s1, s0  }
0x8b: {  	[smem:$0x3FAA] =	sst s0  }
0x8c: {  	_ = 	snop  }
0x8d: {  	s0 =	sld [smem:$0x3FD0];
	_ =	sdelay $0x2  }
0x8e: {  	s13 =	simm.s32 $0xB;
	s2 =	simm.s32 $0x10  }
0x8f: {  	[smem:s2], [sflag:s13] =	dma.local [hbm:s0], $0x1  }
0x90: {  	_ =	swait.eq [sflag:s13], $0x1  }
0x91: {  	[sflag:s13] =	ssyncset.done $0x0  }
0x92: {  	s14 =	sld [smem:$0x10];
	[sflag:s13] =	ssyncadd.s32 $0xFFFFFFFF  }
0x93: {  	s15 =	sld [smem:$0x12];
	(tm) =	ssettm $0x1  }
0x94: {  	s16 =	sld [smem:$0x3FFB];
	_ =	sdelay $0x3  }
0x95: {  	_ =	strace s16  }
0x96: {  	s2 =	sld [smem:$0x3FFC];
	_ =	sdelay $0x3  }
0x97: {  	_ =	strace s2  }
0x98: {  	s2 =	sld [smem:$0x3FFD];
	_ =	sdelay $0x3  }
0x99: {  	_ =	strace s2  }
0x9a: {  	_ =	strace $0x8FFFFFFF  }
0x9b: {  	s17 =	sld [smem:$0x3FDB];
	_ =	sdelay $0x1  }
0x9c: {  	s3 =	simm.s32 $_scs_section_size  }
0x9d: {  	s4 =	simm.s32 $_size__tile_overlayer_lowered;
	s5 =	simm.s32 $_tile_overlayer_lowered  }
0x9e: {  	s20 =	simm.s32 $0x1BFF;
	s19 =	sshll.u32 s5, $0x1;
	s2 =	sadd.s32 s3, s17  }
0x9f: {  	s6 =	simm.s32 $0x0;
	s18 =	sshll.u32 s4, $0x1;
	s4 =	sadd.s32 s19, s2  }
0xa0: {  	[timem:s6], [sflag:s20] =	dma.local [hbm:s4], s18  }
0xa1: {  	_ =	swait.ge [sflag:s20], s18  }
0xa2: {  	s3 =	ssub.s32 $0x0, s18;
	[sflag:s20] =	ssyncset.done $0x0  }
0xa3: {  	[sflag:s20] =	ssyncadd.s32 s3;
	_ =	sdelay $0x1  }
0xa4: {  	s21 =	simm.s32 $0x1B8B  }
0xa5: {  	_ =	swait.ge [sflag:s21], $0x1  }
0xa6: {  	[sflag:s21] =	ssyncset.done $0x0  }
0xa7: {  	s23 =	simm.s32 $0x1B8E;
	s22 =	sld [smem:$0x3FFE];
	[sflag:s21] =	ssyncadd.s32 $0xFFFFFFFF  }
0xa8: {  	s24 =	simm.s32 $execute0_lowered;
	[smem:$0x3FD2] =	sst s23  }
0xa9: {  	s4 =	sshll.u32 s24, $0x1;
	_ =	strace $0x80000046;
	[dreg:$0x1] =	wrdreg $0xFFFFFFFF  }
0xaa: {  	s25 =	simm.s32 $_size_execute0_lowered;
	s2 =	sadd.s32 s2, s4;
	[dreg:$0x0] =	wrdreg $0x0  }
0xab: {  	s4 =	sshll.u32 s25, $0x1;
	[dreg:$0x2] =	wrdreg s2  }
0xac: {  	[dreg:$0x3] =	wrdreg s4  }
0xad: {  	[dreg:$0x4] =	wrdreg $0xC0  }
0xae: {  	_ =	task [dreg:s6], $0x5FFFF  }
0xaf: {  	[dreg:$0x1] =	wrdreg $0xFFFFFFFF  }
0xb0: {  	[dreg:$0x0] =	wrdreg $0x60  }
0xb1: {  	[dreg:$0x2] =	wrdreg s14  }
0xb2: {  	[dreg:$0x3] =	wrdreg s15  }
0xb3: {  	[dreg:$0x4] =	wrdreg s22  }
0xb4: {  	[dreg:$0x5] =	wrdreg $0x9  }
0xb5: {  	_ =	task.clear_ibuf [dreg:s6], $0x6FFFF;
	_ =	strace $0x90000046  }
0xb6: {  	s26 =	simm.s32 $0x9;
	_ =	strace $0x80000048  }
0xb7: {  	_ =	swait.ge [sflag:s26], $0x1  }
0xb8: {  	[sflag:s26] =	ssyncadd.s32 $0xFFFFFFFF  }
0xb9: {  	_ =	strace $0x90000048  }
0xba: {  	_ =	sfence  }
0xbb: {  	s28 =	sld [smem:$0x0];
	_ =	sdelay $0x1  }
0xbc: {  	s29 =	srdreg.scid  }
0xbd: {  	s30 =	sshll.u32 s29, $0xD;
	s31 =	sshrl.u32 s29, $0x2  }
0xbe: {  	s1 =	sand.u32 $0x1, s29;
	s2 =	sand.u32 $0x4000, s30;
	s0 =	sadd.s32 s31, s28  }
0xbf: {  	s1 =	sor.u32 s2, s1;
	s0 =	sshll.u32 s0, $0x11  }
0xc0: {  	s0 =	sor.u32 s0, s1  }
0xc1: {  	s0 =	sadd.s32 $0x8F2B, s0  }
0xc2: {  	[sflag:s0] =	ssyncadd.remote.s32 $0x1  }
0xc3: {  	_ =	sfence.sel $0xFFFF  }
0xc4: {  	[dreg:$0x0] =	wrdreg $0xFFFFFFFF;
	(pc) =	sbr.abs _section_cstart, $3  }
0xc5: {  	[dreg:$0x1] =	wrdreg $0xFFFFFFFF  }
0xc6: {  	_ =	task.clear_ibuf [dreg:s6], $0x2FFFF;
	_ =	strace $0x9FFFFFFF  }
0xc7: {  	(tm) =	ssettm $0x7FFFFFFF  }
tec
execute0_lowered:
.L_overlay_start_1:
0x0: {  	(tag) =	ssettag $0x1  }
0x1: {  	s1 =	rddreg [dreg:$0x0]  }
0x2: {  	s3 =	rddreg [dreg:$0x1];
	_ =	strace $0x80000047;
	s15 =	stileid.u32  }
0x3: {  	s0 =	simm.s32 $0x1;
	s2 =	smin.u32 s15, $0x8;
	s5 =	sshll.u32 s15, $0x1  }
0x4: {  	[sflag:s0] =	ssyncpa.u1 $0x0;
	s2 =	sadd.s32 s2, s5  }
0x5: {  	v1 =	vimm.s32 $0xFFFFFFFF;
	p0 =	slt.u32 s15, $0x8;
	s6 =	smul.u32 $0x1F40, s2;
	s2 =	simm.s32 $0x5DC0  }
0x6: {  	[tilespmem:$0x10] =	vst v1;
	s2 =	simm.s32 @!p0 $0x3E80  }
0x7: {  	v0 =	vimm.f32 $0.0e+00;
	[tilespmem:$0x20] =	vst v1;
	s2 =	sadd.s32 s2, s6  }
0x8: {  	[tilespmem:$0x30] =	vst v0;
	s7 =	smin.u32 s2, $0x4E200  }
0x9: {  	[tilespmem:$0x40] =	vst v0;
	s2 =	ssub.s32 s7, s6  }
0xa: {  	s8 =	simm.s32 $0x2;
	s9 =	simm.s32 $0x8;
	[tilespmem:$0x50] =	vst v0;
	p0 =	sgt.s32 s2, $0x0  }
0xb: {  	s31 =	simm.s32 $0x9;
	s16 =	simm.s32 $0x0;
	[tilespmem:$0x60] =	vst v1;
	s2 =	simm.s32 @!p0 $0x0  }
0xc: {  	s17 =	simm.s32 $0xF0;
	s18 =	simm.s32 $0xFFFFFFFF;
	[tilespmem:$0x70] =	vst v1;
	s4 =	smulhi.u32 $0x10624DD3, s2  }
0xd: {  	s19 =	simm.s32 $0xFFFFC280;
	s20 =	simm.s32 $0xFFFFFFFE;
	s21 =	simm.s32 $0xF;
	[tilespmem:$0x80] =	vst v1  }
0xe: {  	s22 =	simm.s32 $0x30;
	s25 =	simm.s32 $0x0;
	v1 =	vimm.s32 $0x0;
	[tilespmem:$0xB0] =	vst v0;
	s4 =	sshrl.u32 s4, $0x9  }
0xf: {  	s24 =	simm.s32 $0x0;
	s15 =	sshllo.u32 s15, $0x1;
	[tilespmem:$0x90] =	vst v1;
	s10 =	smul.u32 $0x1F40, s4  }
.Ltmp0:
0x10: {  	[tilespmem:$0xA0] =	vst v1;
	[sflag:s8] =	ssyncpa.u1 $0x0;
	s8 =	simm.s32 $0x7;
	(pc) =	sbr.rel .LBB2_1-.Ltmp0, $4  }
0x11: {  	s13 =	sor.u32 $0x80, s5;
	[sflag:s8] =	ssyncpa.u1 $0x0;
	p0 =	sne.s32 s2, s10  }
0x12: {  	s14 =	sor.u32 $0x81, s5;
	[sflag:s9] =	ssyncpa.u1 $0x0;
	s0 =	simm.s32 @!p0 $0x0  }
0x13: {  	vm0 =	vmmov $0xffff;
	v2 =	vlaneseq.u32;
	s23 =	smov.u32 s6;
	[sflag:s31] =	ssyncpa.u1 $0x0;
	s10 =	sadd.s32 s0, s4  }
0x14: {  	vm1 =	vmxor vm1, vm1;
	vm2 =	vmmov $0x1;
	vm3 =	vcmask $0x3F3C;
	p0 =	por $0x0, $0x0;
	s11 =	sadd.s32 $0x1, s10;
	s12 =	sadd.s32 $0x2, s10  }
.LBB2_9:
0x15: {  	p1 =	slt.u32 s24, $0x3  }
0x16: {  	s0 =	simm.s32 @!p1 $0x2  }
0x17: {  	_ =	swait.ge @!p1 [sflag:s0], $0x1F40  }
0x18: {  	[sflag:s0] =	ssyncset.done @!p1 $0x0  }
0x19: {  	[sflag:s0] =	ssyncadd.s32 @!p1 $0xFFFFE0C0;
	s0 =	simm.s32 @!p1 $0x9  }
0x1a: {  	_ =	swait.ge @!p1 [sflag:s0], $0x10  }
0x1b: {  	[sflag:s0] =	ssyncset.done @!p1 $0x0  }
0x1c: {  	[sflag:s0] =	ssyncadd.s32 @!p1 $0xFFFFFFF0;
	p1 =	sne.s32 s24, s12  }
.Ltmp1:
0x1d: {  	s2 =	sadd.s32 $0x1F40, s23;
	(pc) =	sbr.rel @!p1 .LBB2_10-.Ltmp1, $4  }
0x1e: {  	s4 =	smov.u32 s6;
	s31 =	sadd.s32 $0x1, s24;
	s17 =	sadd.s32 $0x1F40, s17  }
0x1f: {  	s18 =	sadd.s32 $0x1, s18;
	s25 =	smov.u32 s23;
	p2 =	slt.s32 s2, s7  }
0x20: {  	p0 =	por !p0, !p0;
	s19 =	sadd.s32 $0x1F40, s19;
	s4 =	smov.u32 @p2 s2  }
0x21: {  	s20 =	sadd.s32 $0x1, s20;
	s23 =	smov.u32 s4;
	s24 =	smov.u32 s31  }
.LBB2_1:
0x22: {  	p1 =	sge.u32 s24, s10  }
0x23: {  	s0 =	smulhi.u32 @!p1 $0xAAAAAAAB, s24;
	_ =	sdelay $0x1  }
0x24: {  	s0 =	sshrl.u32 @!p1 s0, $0x1  }
0x25: {  	s0 =	smul.u32 @!p1 $0x3, s0;
	_ =	sdelay $0x1  }
0x26: {  	s0 =	ssub.s32 @!p1 s24, s0  }
0x27: {  	s0 =	smul.u32 @!p1 $0x7D00, s0;
	_ =	sdelay $0x1  }
0x28: {  	s2 =	sshrl.u32 @!p1 s23, $0x3;
	s0 =	sshrl.u32 @!p1 s0, $0x2  }
0x29: {  	s4 =	sand.u32 @!p1 $0x7, s23;
	s2 =	sadd.s32 @!p1 s3, s2;
	s0 =	sadd.s32 @!p1 $0x100, s0  }
0x2a: {  	[tilespmem:s0], [sflag:$0x7] =	stream.linear.gather @!p1 [hbm4b:s2+s4], $0x1F40, $0x38;
	[tilespmem:$0x11A60] =	vst v63  }
0x2b: {  	s0 =	sadd.s32 $0xFFFFFFFF, s24  }
0x2c: {  	p1 =	sge.u32 s0, s10  }
.Ltmp2:
0x2d: {  	_ = 	snop;
	(pc) =	sbr.rel @p1 .LBB2_5-.Ltmp2, $1  }
0x2e: {  	_ =	sdelay $0x3  }
0x2f: {  	s2 =	smulhi.u32 $0xAAAAAAAB, s0;
	_ =	sdelay $0x1  }
0x30: {  	s2 =	sshrl.u32 s2, $0x1  }
0x31: {  	s2 =	smul.u32 $0x3, s2;
	_ =	sdelay $0x1  }
0x32: {  	s2 =	ssub.s32 s0, s2  }
0x33: {  	s2 =	smul.u32 $0x7D00, s2  }
0x34: {  	_ =	swait.ge [sflag:s8], $0x1F40  }
0x35: {  	[sflag:s8] =	ssyncset.done $0x0;
	s2 =	sshrl.u32 s2, $0x2  }
0x36: {  	[sflag:s8] =	ssyncadd.s32 $0xFFFFE0C0;
	(ifvalue) =	ssetifvalue $0xFFFFFFFF;
	v3 =	vld.msk [tilespmem:s2+$0x100 ss:$0x1], $0xffff;
	_ =	sdelay $0x2  }
0x37: {  	s30 =	smulhi.u32 $0xAAAAAAAB, s18;
	p1 =	sne.s32 s24, $0x1  }
0x38: {  	v4 =	vimm.s32 @!p1 $0x0  }
0x39: {  	s2 =	sshrl.u32 s30, $0x1;
	v4 =	vperm.xlane @!p1 v3, v4  }
0x3a: {  	s4 =	sshll.u32 s24, $0x4;
	s2 =	smul.u32 $0xFFFE8900, s2;
	vm4 =	vlt.u32 v3, $0x2800  }
0x3b: {  	s4 =	sand.u32 $0x10, s4;
	v3 =	vnsel vm4, $0xFFFFFFFE, v3;
	vm4 =	vlt.u32 @!p1 v4, $0x2800  }
0x3c: {  	s2 =	sshra.s32 s2, $0x2;
	[tilespmem:s4+$0x60] =	vst v3;
	v3 =	vnsel @!p1 vm4, $0xFFFFFFFE, v4  }
0x3d: {  	s28 =	sadd.s32 s2, s17;
	[tilespmem:$0x80] =	vst @!p1 v3  }
0x3e: {  	v3 =	vld.msk [tilespmem:s28+$0x0 ss:$0x1], $0xffff;
	_ =	sdelay $0x4  }
0x3f: {  	(xrf1) =	vunique.msk.u32 $0xffff, v3;
	_ =	sdelay $0xd  }
0x40: {  	v4 =	vimm.s32 $0xFFFFFFFF;
	v5, _, _ =	vpop (xrf1)  }
0x41: {  	vm5 =	vne.s32 v3, v4;
	vm4 =	veq.s32 v5, v2  }
0x42: {  	vm6 =	vlt.u32 v3, $0x2800;
	vm4 =	vmand vm5, vm4  }
0x43: {  	vm4 =	vmand vm6, vm4  }
0x44: {  	v4 =	vnsel vm4, $0xFFFFFFFF, v3  }
0x45: {  	s31 =	sand.u32 $0x1, s0  }
0x46: {  	s0 =	simm.s32 $0x1F40;
	p1 =	seq.s32 s31, $0x1  }
0x47: {  	s0 =	simm.s32 @!p1 $0x0  }
0x48: {  	s26 =	sadd.s32 $0x7DF0, s0;
	(ifvalue) =	ssetifvalue $0xFFFFFFFF  }
0x49: {  	v3 =	vperm.xlane v3, v1;
	[tilespmem:s26], [sflag:$0x8] =	stream.indirect_vreg.gather [hbm4b:s1+s16], $0x1, v4, vm0, $0x4038;
	v4 =	vnsel vm6, $0xFFFFFFFE, v4;
	[tilespmem:$0x11A60] =	vst v63  }
0x4a: {  	s2 =	simm.s32 $0x0;
	s4 =	sadd.s32 $0xFFFFFFF0, s28;
	[tilespmem:s28+$0x0] =	vst v4  }
.LBB2_3:
0x4b: {  	v4 =	vld.msk [tilespmem:s4+$0x0 ss:$0x1], $0xffff;
	s2 =	sadd.s32 $0x10, s2;
	v5 =	vmov v3;
	s28 =	smov.u32 s4  }
0x4c: {  	p1 =	slt.u32 s2, $0x1F30;
	_ =	sdelay $0x4  }
0x4d: {  	v3 =	vperm.xlane v4, v1;
	(xrf1) =	vunique.msk.u32 $0xffff, v4;
	_ =	sdelay $0xd  }
0x4e: {  	v6, _, _ =	vpop (xrf1)  }
0x4f: {  	vm5 =	vne.s32 v4, v5;
	vm4 =	veq.s32 v6, v2  }
0x50: {  	vm6 =	vlt.u32 v4, $0x2800;
	vm4 =	vmand vm5, vm4  }
0x51: {  	vm4 =	vmand vm6, vm4  }
0x52: {  	v4 =	vnsel vm4, $0xFFFFFFFF, v4  }
.Ltmp3:
0x53: {  	v5 =	vnsel vm6, $0xFFFFFFFE, v4;
	(pc) =	sbr.rel @p1 .LBB2_3-.Ltmp3, $3  }
0x54: {  	_ =	sdelay $0x1  }
0x55: {  	s4 =	sadd.s32 $0xFFFFFFF0, s4;
	s26 =	sadd.s32 $0xFFFFFFF0, s26;
	(ifvalue) =	ssetifvalue $0xFFFFFFFF  }
0x56: {  	[tilespmem:s26], [sflag:$0x8] =	stream.indirect_vreg.gather [hbm4b:s1+s16], $0x1, v4, vm0, $0x4038;
	[tilespmem:s28+$0x0] =	vst v5  }
0x57: {  	s2 =	sshrl.u32 s25, $0x3;
	s4 =	rddreg [dreg:$0x2]  }
0x58: {  	s0 =	sadd.s32 $0x9D40, s0;
	s2 =	sadd.s32 s4, s2  }
0x59: {  	[tilespmem:s0], [sflag:$0x8] =	stream.linear.gather [hbm:s2], $0x1F40, $0x38;
	[tilespmem:$0x11A60] =	vst v63  }
.LBB2_5:
0x5a: {  	p1 =	slt.u32 s24, $0x2  }
0x5b: {  	p2 =	sge.u32 @!p1 s24, s12  }
0x5c: {  	p1 =	por p1, p2  }
.Ltmp4:
0x5d: {  	_ = 	snop;
	(pc) =	sbr.rel @p1 .LBB2_9-.Ltmp4, $1  }
0x5e: {  	_ =	sdelay $0x3  }
0x5f: {  	s0 =	sadd.s32 $0xFFFFFFFE, s24  }
0x60: {  	s2 =	smulhi.u32 $0xAAAAAAAB, s0;
	_ =	sdelay $0x1  }
0x61: {  	s2 =	sshrl.u32 s2, $0x1  }
0x62: {  	s2 =	smul.u32 $0x3, s2;
	_ =	sdelay $0x1  }
0x63: {  	s0 =	ssub.s32 s0, s2  }
0x64: {  	_ =	swait.ge [sflag:s9], $0x3E80;
	s0 =	smul.u32 $0x1F40, s0  }
0x65: {  	p1 =	sne.s32 s24, s11;
	[sflag:s9] =	ssyncset.done $0x0  }
0x66: {  	[sflag:s9] =	ssyncadd.s32 $0xFFFFC180;
	s2 =	sadd.s32 @!p1 $0x203F, s0  }
0x67: {  	[spmem:s14] =	stream.linear.scatter @!p1 [tilespmem:s2], [sflag:$0x1], $0x1, $0x38;
	[tilespmem:$0x11A60] =	vst v63  }
0x68: {  	s2 =	simm.s32 @!p1 $0x1  }
0x69: {  	_ =	swait.ge @!p1 [sflag:s2], $0x1  }
0x6a: {  	s4 =	sshll.u32 s24, $0x4;
	[sflag:s2] =	ssyncset.done @!p1 $0x0  }
0x6b: {  	s25 =	sand.u32 $0x10, s4;
	[sflag:s2] =	ssyncadd.s32 @!p1 $0xFFFFFFFF  }
0x6c: {  	s2 =	sxor.u32 $0x10, s25;
	v4 =	vld [tilespmem:s25+$0x10]  }
0x6d: {  	v5 =	vld [tilespmem:s2+$0x60]  }
0x6e: {  	v3 =	vld [tilespmem:$0x80];
	_ =	sdelay $0x2  }
0x6f: {  	(v2sf) =	vpush v4, $0x0  }
0x70: {  	(v2sf) =	vpush v5, $0x0  }
0x71: {  	(v2sf) =	vpush v3, $0x0;
	_ =	sdelay $0xc  }
0x72: {  	s4 =	spop (v2sf)  }
0x73: {  	s26 =	spop (v2sf)  }
0x74: {  	s28 =	spop (v2sf)  }
0x75: {  	p2 =	seq.s32 s4, s26;
	p3 =	seq.s32 s28, s4  }
0x76: {  	p3 =	por p2, p3  }
0x77: {  	s26 =	sand.u32 $0x1, s24;
	v4 =	vpsel p3, $0xFFFFFFFF, v4  }
0x78: {  	s29 =	smul.u32 $0x1F40, s26;
	[tilespmem:s25+$0x10] =	vst.msk $0x1, v4  }
0x79: {  	v4 =	vld [tilespmem:$0x30]  }
0x7a: {  	v5 =	vld [tilespmem:s29+$0x9D40]  }
0x7b: {  	v6 =	vld [tilespmem:s25+$0x40];
	_ =	sdelay $0x3  }
0x7c: {  	vm4 =	vmmov vm1;
	v5 =	vadd.f32 v5, v4  }
0x7d: {  	vm5 =	vmmov vm2;
	vm4 =	vmmov @p2 vm2;
	s4 =	sshll.u32 s26, $0x4;
	v4 =	vadd.f32 v6, v4  }
0x7e: {  	s26 =	sor.u32 $0x11A40, s4;
	vm5 =	vmmov @p3 vm1;
	[tilespmem:s29+$0x9D40] =	vst.msk vm4, v5  }
0x7f: {  	[tilespmem:s26+$0x0] =	vst.msk vm5, v4  }
0x80: {  	v4 =	vld [tilespmem:s29+$0x7DF0];
	_ =	sdelay $0x3  }
0x81: {  	v5 =	vimm.f32 $0.0e+00  }
0x82: {  	v4 =	vshift.insert v4, v5, s21  }
0x83: {  	s4 =	sor.u32 $0x40, s2  }
0x84: {  	[tilespmem:s4+$0x0] =	vst.msk $0x1, v4  }
0x85: {  	[tilespmem:s29+$0x7DFF] =	vst.msk $0x1, v5  }
0x86: {  	v4 =	vld [tilespmem:s0+$0x2030];
	_ =	sdelay $0x1  }
0x87: {  	s4 =	smulhi.u32 $0xAAAAAAAB, s20;
	s0 =	simm.s32 $0x1  }
0x88: {  	s0 =	simm.s32 @!p0 $0x0  }
0x89: {  	s4 =	sshrl.u32 s4, $0x1;
	s0 =	smul.u32 $0x7D00, s0  }
0x8a: {  	s4 =	smul.u32 $0xFFFE8900, s4;
	v4 =	vshift.insert v4, v1, s21  }
0x8b: {  	s0 =	sshrl.u32 s0, $0x2  }
0x8c: {  	s4 =	sshra.s32 s4, $0x2;
	s30 =	sadd.s32 $0x9D40, s0;
	[tilespmem:s2+$0x10] =	vst.msk $0x1, v4  }
0x8d: {  	s4 =	sadd.s32 s4, s19;
	v6 =	vld [tilespmem:s30+$0x0]  }
0x8e: {  	v7 =	vld [tilespmem:s4+$0x0];
	_ =	sdelay $0x3  }
0x8f: {  	v5 =	vadd.f32 v6, v5  }
0x90: {  	vm4 =	vne.s32 v7, $0xFFFFFFFF  }
0x91: {  	(xrf2) =	vadd.seg.scan.f32 vm4, v5;
	_ =	sdelay $0x3  }
0x92: {  	s31 =	sadd.s32 $0x5EC0, s0;
	v5 =	vperm.xlane v4, v1  }
0x93: {  	v6 =	vld [tilespmem:s31+$0x0]  }
0x94: {  	vm5 =	veq.s32 v7, v3;
	vm6 =	veq.s32 v7, v5  }
0x95: {  	vm7 =	vgt.u32 v7, $0xFFFFFFFD;
	vm6 =	vmor vm6, vm5  }
0x96: {  	vm6 =	vmor vm6, vm7  }
0x97: {  	v9 =	vld [tilespmem:$0xA0];
	v7 =	vsel vm6, $0xFFFFFFFF, v7  }
0x98: {  	v10 =	vld [tilespmem:$0x90];
	v6 =	vsel vm5, $0x0, v6;
	v8, _, _ =	vpop (xrf2)  }
0x99: {  	v6 =	vadd.f32 v8, v6  }
0x9a: {  	s0 =	sadd.s32 $0xDBC0, s0  }
0x9b: {  	vm4 =	vmand vm4, vm3;
	[tilespmem:s0+$0x0] =	vst v6;
	(ifvalue) =	ssetifvalue $0xFFFFFFFF  }
0x9c: {  	vm6 =	veq.s32 v9, $0x1;
	[hbm4b:s1+s16] =	stream.indirect_vreg.scatter [tilespmem:s0], [sflag:$0x2], $0x1, v7, vm0, $0x4038;
	v7 =	vsel vm4, $0x0, v8;
	[tilespmem:$0x11A60] =	vst v63  }
0x9d: {  	s2 =	simm.s32 $0x0;
	s4 =	sadd.s32 $0x10, s4;
	vm4 =	vmor vm6, vm5;
	v6 =	vsel vm5, v8, v10;
	v7 =	vshift.insert v7, v0, s21  }
.LBB2_7:
0x9e: {  	v8 =	vld [tilespmem:s4+$0x0];
	s30 =	sadd.s32 $0x10, s30  }
0x9f: {  	s31 =	sadd.s32 $0x10, s31;
	v9 =	vld [tilespmem:s30+$0x0]  }
0xa0: {  	s2 =	sadd.s32 $0x10, s2;
	v10 =	vld [tilespmem:s31+$0x0]  }
0xa1: {  	p2 =	slt.u32 s2, $0x1F30;
	_ =	sdelay $0x2  }
0xa2: {  	v7 =	vadd.f32 v9, v7  }
0xa3: {  	vm5 =	vne.s32 v8, $0xFFFFFFFF  }
0xa4: {  	vm6 =	vmand vm5, vm3;
	(xrf2) =	vadd.seg.scan.f32 vm5, v7;
	_ =	sdelay $0x5  }
0xa5: {  	vm7 =	veq.s32 v8, v5;
	vm5 =	veq.s32 v8, v3  }
0xa6: {  	vm8 =	vgt.u32 v8, $0xFFFFFFFD;
	vm4 =	vmor vm4, vm5;
	vm7 =	vmor vm7, vm5  }
0xa7: {  	vm7 =	vmor vm7, vm8  }
0xa8: {  	v8 =	vsel vm7, $0xFFFFFFFF, v8  }
.Ltmp5:
0xa9: {  	v7 =	vsel vm5, $0x0, v10;
	v9, _, _ =	vpop (xrf2);
	(pc) =	sbr.rel @p2 .LBB2_7-.Ltmp5, $4  }
0xaa: {  	v6 =	vsel vm5, v9, v6;
	v10 =	vadd.f32 v9, v7;
	v7 =	vsel vm6, $0x0, v9  }
0xab: {  	s0 =	sadd.s32 $0x10, s0;
	v7 =	vshift.insert v7, v0, s21  }
0xac: {  	s4 =	sadd.s32 $0x10, s4;
	[tilespmem:s0+$0x0] =	vst v10;
	(ifvalue) =	ssetifvalue $0xFFFFFFFF  }
0xad: {  	[hbm4b:s1+s16] =	stream.indirect_vreg.scatter [tilespmem:s0], [sflag:$0x2], $0x1, v8, vm0, $0x4038;
	[tilespmem:$0x11A60] =	vst v63  }
0xae: {  	v3 =	vld [tilespmem:s29+$0xFAF0];
	_ =	sdelay $0x4  }
0xaf: {  	v3 =	vshift.insert v3, v0, s21;
	_ =	sdelay $0x1  }
0xb0: {  	[tilespmem:s22+$0x0] =	vst.msk $0x1, v3  }
0xb1: {  	v3 =	vsel vm4, $0x1, v1;
	[tilespmem:$0x90] =	vst v6  }
0xb2: {  	s0 =	sadd.s32 @!p1 $0xFAFF, s29;
	[tilespmem:$0xA0] =	vst v3  }
0xb3: {  	[spmem:s15] =	stream.linear.scatter @!p1 [tilespmem:s0], [sflag:$0x1], $0x1, $0x38;
	[tilespmem:$0x11A60] =	vst v63  }
0xb4: {  	s0 =	simm.s32 @!p1 $0x1  }
0xb5: {  	v3 =	vmctz.xlane @!p1 vm4;
	_ =	swait.ge @!p1 [sflag:s0], $0x1  }
0xb6: {  	(v2sf) =	vpush @!p1 v4, $0x0  }
0xb7: {  	(v2sf) =	vpush @!p1 v3, $0x0;
	_ =	sdelay $0xd  }
0xb8: {  	s2 =	spop @!p1 (v2sf)  }
0xb9: {  	s4 =	spop @!p1 (v2sf)  }
0xba: {  	p2 =	sne.s32 @!p1 s28, s2;
	p3 =	slt.s32 @!p1 s4, $0xF  }
0xbb: {  	[sflag:s0] =	ssyncset.done @!p1 $0x0;
	p2 =	por p2, p1;
	p3 =	por !p3, p1  }
0xbc: {  	[sflag:s0] =	ssyncadd.s32 @!p1 $0xFFFFFFFF;
	v3 =	vimm.s32 @!p2 $0xFFFFFFFF;
	s4 =	simm.s32 @p3 $0xF  }
0xbd: {  	[tilespmem:$0x80] =	vst @!p2 v3;
	s2 =	sadd.s32 @!p1 $0x90, s4  }
0xbe: {  	[spmem:s5] =	stream.linear.scatter @!p1 [tilespmem:s2], [sflag:$0x1], $0x1, $0x38;
	[tilespmem:$0x11A60] =	vst v63  }
0xbf: {  	_ =	swait.ge @!p1 [sflag:s0], $0x1  }
0xc0: {  	[sflag:s0] =	ssyncset.done @!p1 $0x0  }
0xc1: {  	s2 =	simm.s32 @!p1 $0x80;
	[sflag:s0] =	ssyncadd.s32 @!p1 $0xFFFFFFFF  }
0xc2: {  	[spmem:s13] =	stream.linear.scatter @!p1 [tilespmem:s2], [sflag:$0x1], $0x1, $0x38;
	[tilespmem:$0x11A60] =	vst v63  }
0xc3: {  	_ =	swait.ge @!p1 [sflag:s0], $0x1  }
0xc4: {  	[sflag:s0] =	ssyncset.done @!p1 $0x0  }
0xc5: {  	[sflag:s0] =	ssyncadd.s32 @!p1 $0xFFFFFFFF;
	(ifvalue) =	ssetifvalue $0xFFFFFFFF;
	v3 =	vld [tilespmem:s25+$0x10];
	_ =	sdelay $0x3  }
.Ltmp6:
0xc6: {  	_ = 	snop;
	(pc) =	sbr.rel .LBB2_9-.Ltmp6, $3  }
0xc7: {  	_ =	sdelay $0x1  }
0xc8: {  	(ifvalue) =	ssetifvalue $0xFFFFFFFF  }
0xc9: {  	[hbm4b:s1+s16] =	stream.indirect_vreg.scatter [tilespmem:s26], [sflag:$0x9], $0x1, v3, vm0, $0x4038;
	[tilespmem:$0x11A60] =	vst v63  }
.LBB2_10:
0xca: {  	_ =	sfence.sel $0x180000  }
0xcb: {  	s0 =	simm.s32 $0x7;
	[bflag:$0x0] =	sbarrier.arrive $0xFFFF  }
0xcc: {  	s26 =	simm.s32 $0x8;
	[sflag:s0] =	ssyncpa.u1 $0x1  }
0xcd: {  	s28 =	simm.s32 $0x9;
	[sflag:s26] =	ssyncpa.u1 $0x1  }
0xce: {  	[sflag:s28] =	ssyncpa.u1 $0x1  }
0xcf: {  	_ =	sfence.stream.spmem  }
0xd0: {  	s29 =	simm.s32 $0x3;
	[bflag:$0x0] =	sbarrier.arrive $0xFFFF  }
0xd1: {  	s30 =	simm.s32 $0x4;
	[sflag:s29] =	ssyncpa.u1 $0x1  }
0xd2: {  	s31 =	simm.s32 $0x3C;
	s2 =	stileid.u32;
	[sflag:s30] =	ssyncpa.u1 $0x1  }
0xd3: {  	p0 =	sne.s32 s2, $0x0;
	[sflag:s31] =	ssyncpa.u1 $0x1  }
0xd4: {  	s0 =	simm.s32 @p0 $0x1;
	_ =	sfence @p0  }
0xd5: {  	[sflag:s0] =	ssyncpa.u1 @p0 $0x1;
	s0 =	simm.s32 @p0 $0x2  }
0xd6: {  	[sflag:s0] =	ssyncpa.u1 @p0 $0x1  }
0xd7: {  	_ =	strace @p0 $0x90000047  }
0xd8: {  	[bflag:$0x2] =	sbarrier.arrive @p0 $0xFFFF  }
0xd9: {  	_ =	shalt @p0  }
.LBB2_11:
0xda: {  	_ =	sfence.stream.spmem;
	s0 =	simm.s32 $0x5  }
0xdb: {  	s2 =	simm.s32 $0x80;
	s3 =	simm.s32 $0xC0;
	[sflag:s0] =	ssyncpa.u1 $0x0  }
0xdc: {  	[tilespmem:s3], [sflag:$0x5] =	stream.linear.gather [spmem:s2], $0x20, $0x38;
	[tilespmem:$0x11A60] =	vst v63  }
0xdd: {  	s2 =	simm.s32 $0x0;
	s3 =	simm.s32 $0xE0  }
0xde: {  	[tilespmem:s3], [sflag:$0x5] =	stream.linear.gather [spmem:s2], $0x20, $0x38;
	[tilespmem:$0x11A60] =	vst v63  }
.Ltmp7:
0xdf: {  	_ = 	snop;
	(pc) =	sbr.rel .LBB2_12-.Ltmp7, $4  }
0xe0: {  	_ =	swait.ge [sflag:s0], $0x40  }
0xe1: {  	[sflag:s0] =	ssyncset.done $0x0  }
0xe2: {  	s31 =	simm.s32 $0x6;
	[sflag:s0] =	ssyncadd.s32 $0xFFFFFFC0  }
0xe3: {  	s4 =	simm.s32 $0x0;
	[sflag:s31] =	ssyncpa.u1 $0x0  }
.LBB2_17:
0xe4: {  	p0 =	sgt.u32 s5, $0x27FF  }
0xe5: {  	s0 =	sshrl.u32 @!p0 s5, $0x3  }
0xe6: {  	s5 =	sand.u32 @!p0 $0x7, s5;
	s6 =	simm.s32 @!p0 $0xB0;
	s0 =	sadd.s32 @!p0 s1, s0  }
0xe7: {  	[tilespmem:s6], [sflag:$0x6] =	stream.linear.gather @!p0 [hbm4b:s0+s5], $0x1, $0x38;
	[tilespmem:$0x11A60] =	vst v63  }
0xe8: {  	s0 =	simm.s32 @!p0 $0x6  }
0xe9: {  	_ =	swait.ge @!p0 [sflag:s0], $0x1  }
0xea: {  	[sflag:s0] =	ssyncset.done @!p0 $0x0  }
0xeb: {  	[sflag:s0] =	ssyncadd.s32 @!p0 $0xFFFFFFFF  }
0xec: {  	v2 =	vmov @!p0 s4;
	v1 =	vld.msk @!p0 [tilespmem:$0xB0], $0x1;
	_ =	sdelay $0x3  }
0xed: {  	s0 =	simm.s32 @!p0 $0xE0  }
0xee: {  	[tilespmem:v2+s0+$0x0], v1 =	vst.idx.ret.add.f32.msk @!p0 $0x1, v1  }
0xef: {  	[tilespmem:s2+$0xC0] =	vst.msk $0x1, v0  }
0xf0: {  	v0 =	vld.msk [tilespmem:s4+$0xE0], $0x1;
	_ =	sdelay $0x4  }
0xf1: {  	[tilespmem:s2+$0xE0] =	vst.msk $0x1, v0;
	s2 =	sadd.s32 $0x1, s2  }
.LBB2_19:
0xf2: {  	s4 =	sadd.s32 $0x1, s4  }
0xf3: {  	p0 =	sne.s32 s4, $0x20  }
.Ltmp8:
0xf4: {  	_ = 	snop;
	(pc) =	sbr.rel @!p0 .LBB2_20-.Ltmp8, $1  }
0xf5: {  	_ =	sdelay $0x3  }
.LBB2_12:
0xf6: {  	v0 =	vld.msk [tilespmem:s4+$0xC0], $0x1;
	_ =	sdelay $0x4  }
0xf7: {  	(v2sf) =	vpush v0, $0x0;
	_ =	sdelay $0xe  }
0xf8: {  	s5 =	spop (v2sf)  }
0xf9: {  	p0 =	seq.s32 s5, $0xFFFFFFFF  }
.Ltmp9:
0xfa: {  	_ = 	snop;
	(pc) =	sbr.rel @p0 .LBB2_19-.Ltmp9, $1  }
0xfb: {  	_ =	sdelay $0x3  }
0xfc: {  	p0 =	slt.s32 s2, $0x1  }
.Ltmp10:
0xfd: {  	_ = 	snop;
	(pc) =	sbr.rel @p0 .LBB2_17-.Ltmp10, $1  }
0xfe: {  	_ =	sdelay $0x3  }
0xff: {  	s0 =	simm.s32 $0xC0;
	p0 =	por $0x0, $0x0  }
0x100: {  	v1 =	vld.msk @!p0 [tilespmem:s0+$0x0], $0x1;
	_ =	sdelay $0x4  }
0x101: {  	(v2sf) =	vpush @!p0 v1, $0x0;
	_ =	sdelay $0xd  }
0x102: {  	p2 =	sne.s32 s2, $0x1  }
.Ltmp11:
0x103: {  	s6 =	spop @!p0 (v2sf);
	(pc) =	sbr.rel @!p2 .LBB2_16-.Ltmp11, $4  }
0x104: {  	p1 =	seq.s32 @!p0 s5, s6  }
0x105: {  	s6 =	simm.s32 $0x0;
	p1 =	por !p1, p0  }
0x106: {  	s8 =	simm.s32 $0xFFFFFFFF;
	s6 =	simm.s32 @p1 $0xFFFFFFFF  }
0x107: {  	s7 =	simm.s32 $0x1;
	s6 =	smov.u32 @p0 s8  }
.LBB2_15:
0x108: {  	s8 =	smov.u32 s6;
	p0 =	sne.s32 s6, $0xFFFFFFFF  }
0x109: {  	s0 =	sadd.s32 $0x1, s0;
	s6 =	smov.u32 s7;
	s7 =	sadd.s32 $0x1, s7  }
0x10a: {  	p1 =	sne.s32 s2, s7;
	v1 =	vld.msk @!p0 [tilespmem:s0+$0x0], $0x1;
	_ =	sdelay $0x4  }
0x10b: {  	(v2sf) =	vpush @!p0 v1, $0x0;
	_ =	sdelay $0xe  }
.Ltmp12:
0x10c: {  	s9 =	spop @!p0 (v2sf);
	(pc) =	sbr.rel @p1 .LBB2_15-.Ltmp12, $4  }
0x10d: {  	p2 =	seq.s32 @!p0 s5, s9  }
0x10e: {  	p2 =	por !p2, p0  }
0x10f: {  	s6 =	simm.s32 @p2 $0xFFFFFFFF  }
0x110: {  	s6 =	smov.u32 @p0 s8  }
.LBB2_16:
0x111: {  	p0 =	sne.s32 s6, $0xFFFFFFFF  }
.Ltmp13:
0x112: {  	_ = 	snop;
	(pc) =	sbr.rel @!p0 .LBB2_17-.Ltmp13, $1  }
0x113: {  	_ =	sdelay $0x3  }
0x114: {  	v0 =	vld.msk [tilespmem:s4+$0xE0], $0x1;
	v1 =	vmov s6  }
.Ltmp14:
0x115: {  	_ = 	snop;
	(pc) =	sbr.rel .LBB2_19-.Ltmp14, $2  }
0x116: {  	_ =	sdelay $0x2  }
0x117: {  	[tilespmem:v1+s3+$0x0], v0 =	vst.idx.ret.add.f32.msk $0x1, v0  }
.LBB2_20:
0x118: {  	p0 =	slt.s32 s2, $0x1  }
.Ltmp15:
0x119: {  	_ = 	snop;
	(pc) =	sbr.rel @p0 .LBB2_24-.Ltmp15, $3  }
0x11a: {  	_ =	sdelay $0x1  }
0x11b: {  	s0 =	simm.s32 $0x6  }
0x11c: {  	s3 =	simm.s32 $0x0;
	[sflag:s0] =	ssyncpa.u1 $0x1  }
0x11d: {  	s0 =	simm.s32 $0xC0  }
0x11e: {  	v0 =	vld.msk [tilespmem:s0+$0x0], $0x1;
	_ =	sdelay $0x4  }
0x11f: {  	(v2sf) =	vpush v0, $0x0;
	_ =	sdelay $0xe  }
0x120: {  	s2 =	sadd.s32 $0xFFFFFFFF, s2;
	s4 =	spop (v2sf)  }
0x121: {  	p1 =	sne.s32 s2, $0x0;
	p0 =	sgt.u32 s4, $0x27FF  }
.Ltmp16:
0x122: {  	s5 =	sshrl.u32 @!p0 s4, $0x3;
	(pc) =	sbr.rel @!p1 .LBB2_23-.Ltmp16, $4  }
0x123: {  	s0 =	simm.s32 $0xE0;
	s4 =	sand.u32 @!p0 $0x7, s4;
	s5 =	sadd.s32 @!p0 s1, s5  }
0x124: {  	[hbm4b:s5+s4] =	stream.linear.scatter @!p0 [tilespmem:s0], [sflag:$0x5], $0x1, $0x38;
	[tilespmem:$0x11A60] =	vst v63  }
0x125: {  	s5 =	simm.s32 $0x0  }
0x126: {  	s4 =	simm.s32 $0xC1;
	s5 =	simm.s32 @!p0 $0x4  }
.LBB2_22:
0x127: {  	v0 =	vld.msk [tilespmem:s4+$0x0], $0x1;
	s2 =	sadd.s32 $0xFFFFFFFF, s2;
	s3 =	sadd.s32 s3, s5  }
0x128: {  	p0 =	sne.s32 s2, $0x0;
	_ =	sdelay $0x3  }
0x129: {  	(v2sf) =	vpush v0, $0x0;
	_ =	sdelay $0xe  }
.Ltmp17:
0x12a: {  	s6 =	spop (v2sf);
	(pc) =	sbr.rel @p0 .LBB2_22-.Ltmp17, $4  }
0x12b: {  	s5 =	simm.s32 $0x0;
	p1 =	sgt.u32 s6, $0x27FF  }
0x12c: {  	s0 =	sadd.s32 $0x1, s0;
	s5 =	simm.s32 @!p1 $0x4;
	s7 =	sshrl.u32 @!p1 s6, $0x3  }
0x12d: {  	s4 =	sadd.s32 $0x1, s4;
	s6 =	sand.u32 @!p1 $0x7, s6;
	s7 =	sadd.s32 @!p1 s1, s7  }
0x12e: {  	[hbm4b:s7+s6] =	stream.linear.scatter @!p1 [tilespmem:s0], [sflag:$0x5], $0x1, $0x38;
	[tilespmem:$0x11A60] =	vst v63  }
.LBB2_23:
0x12f: {  	s0 =	sadd.s32 s3, s5  }
0x130: {  	s3 =	sshrl.u32 s0, $0x2  }
.LBB2_24:
0x131: {  	s0 =	simm.s32 $0x5  }
0x132: {  	_ =	swait.ge [sflag:s0], s3  }
0x133: {  	s1 =	ssub.s32 $0x0, s3;
	[sflag:s0] =	ssyncset.done $0x0  }
0x134: {  	[sflag:s0] =	ssyncadd.s32 s1  }
0x135: {  	[sflag:s0] =	ssyncpa.u1 $0x1  }
0x136: {  	s29 =	simm.s32 $0x1;
	_ =	sfence  }
0x137: {  	s30 =	simm.s32 $0x2;
	[sflag:s29] =	ssyncpa.u1 $0x1  }
0x138: {  	[sflag:s30] =	ssyncpa.u1 $0x1  }
0x139: {  	_ =	strace $0x90000047  }
0x13a: {  	[bflag:$0x2] =	sbarrier.arrive $0xFFFF  }
0x13b: {  	s31 =	rddreg [dreg:$0x3]  }
0x13c: {  	s0 =	sadd.s32 $0x100000, s31  }
0x13d: {  	[sflag:s0] =	ssyncadd.tile.s32 $0x1;
	_ =	shalt  }
.Lfunc_end2:
_tile_overlayer_lowered:
.L_overlay_start_2:
0x13e: {  	(tag) =	ssettag $0x2  }
0x13f: {  	s0 =	rddreg [dreg:$0x0];
	s2 =	stileid.u32  }
0x140: {  	s1 =	rddreg [dreg:$0x1];
	p0 =	sne.s32 s2, $0x0  }
0x141: {  	s3 =	rddreg [dreg:$0x2];
	[bflag:$0x3] =	sbarrier.arrive $0xFFFF;
	s2 =	simm.s32 @!p0 $0x1C01  }
0x142: {  	[timem:s3], [sflag:s2] =	dma.local @!p0 [hbm:s0], s1  }
0x143: {  	s0 =	simm.s32 @!p0 $0x1  }
0x144: {  	_ =	swait.ge @!p0 [sflag:s0], s1  }
0x145: {  	s1 =	ssub.s32 @!p0 $0x0, s1;
	[sflag:s0] =	ssyncset.done @!p0 $0x0  }
0x146: {  	[sflag:s0] =	ssyncadd.s32 @!p0 s1  }
0x147: {  	[bflag:$0x3] =	sbarrier.arrive $0xFFFF  }
0x148: {  	_ =	shalt  }

</sc_bundles>
